<compile_context>
chip_gen: v7x
topology: tpu7x:2x2x1
jax: 0.10.2.dev20260603
libtpu: 0.0.44.dev20260713+nightly
codegen_flags: <defaults>
</compile_context>

<pallas_src>
import functools

import jax
import jax.numpy as jnp
from jax import lax
from jax.experimental import pallas as pl
from jax.experimental.pallas import tpu as pltpu
from jax.experimental.pallas import tpu_sc as plsc

B = 16
P = 1024
N = B * P
K = 5
E = N * K
NC, NS = 2, 16
NW = NC * NS


def _sortable(bits):
    return bits ^ (jnp.right_shift(bits, 31) & jnp.int32(0x7FFFFFFF))


def _pairdist(x):
    n = jnp.sum(x * x, axis=-1)
    g = lax.dot_general(x, x, (((1,), (1,)), ((), ())),
                        preferred_element_type=jnp.float32)
    return n[:, None] - 2.0 * g + n[None, :]


def _mm(a, b):
    return lax.dot_general(a, b, (((1,), (0,)), ((), ())),
                           preferred_element_type=jnp.float32)


def _lrelu(v):
    return jnp.where(v >= 0.0, v, 0.01 * v)


def _extract5(D, iota_l, g):
    work = D
    outs = []
    for k in range(K):
        mn = jnp.min(work, axis=1, keepdims=True)
        amin = jnp.min(jnp.where(work == mn, iota_l, P), axis=1)
        outs.append(amin + g * P)
        if k < K - 1:
            work = jnp.where(iota_l == amin[:, None], jnp.float32(jnp.inf), work)
    return outs


def _store_idx(idx_ref, outs):
    for k in range(K):
        idx_ref[k, 0] = outs[k][None, :]



def _k1_body(x_ref, cw1d, cw1b, c1b1r, hom_ref, c_ref, xw_ref, idx_ref):
    g = pl.program_id(0)
    x = x_ref[0]
    D0 = _pairdist(x)
    iota_r = lax.broadcasted_iota(jnp.int32, (P, P), 0)
    iota_l = lax.broadcasted_iota(jnp.int32, (P, P), 1)
    keys = _sortable(lax.bitcast_convert_type(
        jnp.where(iota_r == iota_l, D0 + 1e9, D0), jnp.int32))

    lo0 = jnp.min(keys, axis=1, keepdims=True)
    hi0 = jnp.max(keys, axis=1, keepdims=True)

    def bs_step(_, c):
        lo, hi = c
        mid = (lo >> 1) + (hi >> 1) + (lo & hi & 1)
        cnt = jnp.sum((keys <= mid).astype(jnp.int32), axis=1, keepdims=True)
        ge = cnt >= 50
        return jnp.where(ge, lo, mid + 1), jnp.where(ge, hi, mid)

    t, _ = lax.fori_loop(0, 32, bs_step, (lo0, hi0))

    le = keys <= t
    eqt = keys == t
    n_le = jnp.sum(le.astype(jnp.float32), axis=1)
    n_eqt = jnp.sum(eqt.astype(jnp.float32), axis=1)
    frac = (50.0 - (n_le - n_eqt)) / n_eqt
    homs = []
    for c in range(4):
        yc = x[:, c]
        eq = yc[:, None] == yc[None, :]
        s_le = jnp.sum((le & eq).astype(jnp.float32), axis=1)
        s_eqt = jnp.sum((eqt & eq).astype(jnp.float32), axis=1)
        homs.append(jnp.sum((s_le - s_eqt) + s_eqt * frac) / (P * 50.0))
    lane8 = lax.broadcasted_iota(jnp.int32, (1, 8), 1)
    homv = jnp.zeros((1, 8), jnp.float32)
    for c in range(4):
        homv = homv + jnp.where(lane8 == c, homs[c], 0.0)
    hom_ref[0] = homv

    _store_idx(idx_ref, _extract5(D0, iota_l, g))
    c_ref[0] = _mm(x, cw1d[...]) + c1b1r[...]
    xw_ref[0] = _mm(x, cw1b[...])



def _k2_body(c_ref, g_ref, w2r, b2r, dwdr, dwbr, nb1r,
             x_out, c_out, xw_out, idx_ref):
    g = pl.program_id(0)
    C = c_ref[0]
    acc = None
    for k in range(K):
        h = _lrelu(C + g_ref[k, 0])
        h2 = _lrelu(_mm(h, w2r[...]) + b2r[...])
        acc = h2 if acc is None else acc + h2
    x_out[0] = acc
    D = _pairdist(acc)
    iota_l = lax.broadcasted_iota(jnp.int32, (P, P), 1)
    _store_idx(idx_ref, _extract5(D, iota_l, g))
    c_out[0] = _mm(acc, dwdr[...]) + nb1r[...]
    xw_out[0] = _mm(acc, dwbr[...])



def _k4_body(c_ref, g_ref, w2r, b2r, x0_ref, x1_ref, x2_ref,
             l1a, l1bw, l1c, l1d, l1br, l2wr, l2br, po_ref):
    C = c_ref[0]
    acc = None
    for k in range(K):
        h = _lrelu(C + g_ref[k, 0])
        h2 = _lrelu(_mm(h, w2r[...]) + b2r[...])
        acc = h2 if acc is None else acc + h2
    h = _lrelu(_mm(x0_ref[0], l1a[...]) + _mm(x1_ref[0], l1bw[...])
               + _mm(x2_ref[0], l1c[...]) + _mm(acc, l1d[...]) + l1br[...])
    node_out = _mm(h, l2wr[...]) + l2br[...]
    po_ref[0] = (jnp.sum(node_out, axis=0) / P)[None, :]


def _head_body(pv_ref, m1wp, m1br, m2wp, m2bp, o_ref):
    o = _lrelu(pv_ref[...])
    o = _lrelu(_mm(o, m1wp[...]) + m1br[...])
    o_ref[...] = _mm(o, m2wp[...]) + m2bp[...]



def _sc_gather(table, idx, D):
    per_w = E // NW
    CH = 512
    n_ch = per_w // CH
    mesh = plsc.VectorSubcoreMesh(core_axis_name="c", subcore_axis_name="s")

    @functools.partial(
        pl.kernel, mesh=mesh,
        out_type=jax.ShapeDtypeStruct((E, D), jnp.float32),
        scratch_types=[pltpu.VMEM((CH,), jnp.int32),
                       pltpu.VMEM((CH, D), jnp.float32),
                       pltpu.SemaphoreType.DMA],
    )
    def k(table_hbm, idx_hbm, out_hbm, idx_v, rows_v, sem):
        wid = lax.axis_index("s") * NC + lax.axis_index("c")
        base = wid * per_w
        for ch in range(n_ch):
            off = base + ch * CH
            pltpu.sync_copy(idx_hbm.at[pl.ds(off, CH)], idx_v)
            pltpu.async_copy(table_hbm.at[idx_v], rows_v, sem).wait()
            pltpu.sync_copy(rows_v, out_hbm.at[pl.ds(off, CH)])

    return k(table, idx)


def _full(shape):
    nd = len(shape)
    return pl.BlockSpec(shape, lambda g, _n=nd: (0,) * _n)


def kernel(x, pos, batch, c1w1, c1b1, c1w2, c1b2, c2w1, c2b1, c2w2, c2b2,
           l1w, l1b, l2w, l2b, m1w, m1b, m2w, m2b):
    xx = jnp.concatenate([x, pos], axis=1)
    xxb = xx.reshape(B, P, 4)

    zpad = jnp.zeros((4, 64), jnp.float32)
    cw1d = jnp.concatenate([c1w1[:4] - c1w1[4:], zpad], axis=1)
    cw1b = jnp.concatenate([c1w1[4:], zpad], axis=1)
    c1b1p = jnp.concatenate([c1b1, jnp.zeros((64,), jnp.float32)])
    c1w2p = jnp.concatenate([c1w2, jnp.zeros((64, 64), jnp.float32)], axis=0)
    dw1d, dw1b = c2w1[:64] - c2w1[64:], c2w1[64:]
    l1a, l1bw, l1c, l1d = l1w[:4], l1w[4:68], l1w[68:132], l1w[132:196]

    hom, C1, XW1, idx1 = pl.pallas_call(
        _k1_body,
        grid=(B,),
        in_specs=[pl.BlockSpec((1, P, 4), lambda g: (g, 0, 0)),
                  _full(cw1d.shape), _full(cw1b.shape), _full((1, 128))],
        out_specs=[pl.BlockSpec((1, 1, 8), lambda g: (g, 0, 0)),
                   pl.BlockSpec((1, P, 128), lambda g: (g, 0, 0)),
                   pl.BlockSpec((1, P, 128), lambda g: (g, 0, 0)),
                   pl.BlockSpec((K, 1, 1, P), lambda g: (0, g, 0, 0))],
        out_shape=[jax.ShapeDtypeStruct((B, 1, 8), jnp.float32),
                   jax.ShapeDtypeStruct((B, P, 128), jnp.float32),
                   jax.ShapeDtypeStruct((B, P, 128), jnp.float32),
                   jax.ShapeDtypeStruct((K, B, 1, P), jnp.int32)],
    )(xxb, cw1d, cw1b, c1b1p[None, :])

    G1 = _sc_gather(XW1.reshape(N, 128), idx1.reshape(E), 128).reshape(K, B, P, 128)

    x1, C2, XW2, idx2 = pl.pallas_call(
        _k2_body,
        grid=(B,),
        in_specs=[pl.BlockSpec((1, P, 128), lambda g: (g, 0, 0)),
                  pl.BlockSpec((K, 1, P, 128), lambda g: (0, g, 0, 0)),
                  _full(c1w2p.shape), _full((1, 64)),
                  _full(dw1d.shape), _full(dw1b.shape), _full((1, 128))],
        out_specs=[pl.BlockSpec((1, P, 64), lambda g: (g, 0, 0)),
                   pl.BlockSpec((1, P, 128), lambda g: (g, 0, 0)),
                   pl.BlockSpec((1, P, 128), lambda g: (g, 0, 0)),
                   pl.BlockSpec((K, 1, 1, P), lambda g: (0, g, 0, 0))],
        out_shape=[jax.ShapeDtypeStruct((B, P, 64), jnp.float32),
                   jax.ShapeDtypeStruct((B, P, 128), jnp.float32),
                   jax.ShapeDtypeStruct((B, P, 128), jnp.float32),
                   jax.ShapeDtypeStruct((K, B, 1, P), jnp.int32)],
    )(C1, G1, c1w2p, c1b2[None, :], dw1d, dw1b, c2b1[None, :])

    G2 = _sc_gather(XW2.reshape(N, 128), idx2.reshape(E), 128).reshape(K, B, P, 128)

    x2, C3, XW3, idx3 = pl.pallas_call(
        _k2_body,
        grid=(B,),
        in_specs=[pl.BlockSpec((1, P, 128), lambda g: (g, 0, 0)),
                  pl.BlockSpec((K, 1, P, 128), lambda g: (0, g, 0, 0)),
                  _full(c2w2.shape), _full((1, 64)),
                  _full(dw1d.shape), _full(dw1b.shape), _full((1, 128))],
        out_specs=[pl.BlockSpec((1, P, 64), lambda g: (g, 0, 0)),
                   pl.BlockSpec((1, P, 128), lambda g: (g, 0, 0)),
                   pl.BlockSpec((1, P, 128), lambda g: (g, 0, 0)),
                   pl.BlockSpec((K, 1, 1, P), lambda g: (0, g, 0, 0))],
        out_shape=[jax.ShapeDtypeStruct((B, P, 64), jnp.float32),
                   jax.ShapeDtypeStruct((B, P, 128), jnp.float32),
                   jax.ShapeDtypeStruct((B, P, 128), jnp.float32),
                   jax.ShapeDtypeStruct((K, B, 1, P), jnp.int32)],
    )(C2, G2, c2w2, c2b2[None, :], dw1d, dw1b, c2b1[None, :])

    G3 = _sc_gather(XW3.reshape(N, 128), idx3.reshape(E), 128).reshape(K, B, P, 128)

    pooled = pl.pallas_call(
        _k4_body,
        grid=(B,),
        in_specs=[pl.BlockSpec((1, P, 128), lambda g: (g, 0, 0)),
                  pl.BlockSpec((K, 1, P, 128), lambda g: (0, g, 0, 0)),
                  _full(c2w2.shape), _full((1, 64)),
                  pl.BlockSpec((1, P, 4), lambda g: (g, 0, 0)),
                  pl.BlockSpec((1, P, 64), lambda g: (g, 0, 0)),
                  pl.BlockSpec((1, P, 64), lambda g: (g, 0, 0)),
                  _full(l1a.shape), _full(l1bw.shape), _full(l1c.shape),
                  _full(l1d.shape), _full((1, 512)),
                  _full(l2w.shape), _full((1, 256))],
        out_specs=pl.BlockSpec((1, 1, 256), lambda g: (g, 0, 0)),
        out_shape=jax.ShapeDtypeStruct((B, 1, 256), jnp.float32),
    )(C3, G3, c2w2, c2b2[None, :], xxb, x1, x2,
      l1a, l1bw, l1c, l1d, l1b[None, :], l2w, l2b[None, :])

    pv = jnp.concatenate(
        [pooled[:, 0, :], hom[:, 0, :4], jnp.zeros((B, 252), jnp.float32)], axis=1)

    m1wp = jnp.concatenate([m1w, jnp.zeros((512 - 260, 256), jnp.float32)], axis=0)
    m2wp = jnp.concatenate([m2w, jnp.zeros((256, 6), jnp.float32)], axis=1)
    m2bp = jnp.concatenate([m2b, jnp.zeros((6,), jnp.float32)])[None, :]
    out = pl.pallas_call(
        _head_body,
        in_specs=[pl.BlockSpec((B, 512), lambda: (0, 0)),
                  pl.BlockSpec((512, 256), lambda: (0, 0)),
                  pl.BlockSpec((1, 256), lambda: (0, 0)),
                  pl.BlockSpec((256, 16), lambda: (0, 0)),
                  pl.BlockSpec((1, 16), lambda: (0, 0))],
        out_specs=pl.BlockSpec((B, 16), lambda: (0, 0)),
        out_shape=jax.ShapeDtypeStruct((B, 16), jnp.float32),
    )(pv, m1wp, m1b[None, :], m2wp, m2bp)
    return out[:, :10]

# --- scband reference (transcript-rebuilt; emitter-appended) ---
"""Pipeline reference for scband-dgcnn6-homo-26018911879468 (READ-ONLY COPY).

The authoritative reference and input builder live on the scoring server;
editing this copy changes nothing except your own understanding.
"""

import jax, jax.numpy as jnp
import numpy as np

B = 16
P = 1024
N = B * P
CLA = 10


def _lin_init(key, fan_in, fan_out):
    kw, kb = jax.random.split(key)
    lim = 1.0 / np.sqrt(fan_in)
    W = jax.random.uniform(kw, (fan_in, fan_out), minval=-lim, maxval=lim, dtype=jnp.float32)
    b = jax.random.uniform(kb, (fan_out,), minval=-lim, maxval=lim, dtype=jnp.float32)
    return W, b


def setup_inputs(seed: int = 0):
    key = jax.random.key(seed)
    ks = jax.random.split(key, 12)
    x = jax.random.normal(ks[0], (N, 1), dtype=jnp.float32)
    pos = jax.random.normal(ks[1], (N, 3), dtype=jnp.float32)
    batch = jnp.repeat(jnp.arange(B, dtype=jnp.int32), P)
    c1w1, c1b1 = _lin_init(ks[2], 8, 64)
    c1w2, c1b2 = _lin_init(ks[3], 64, 64)
    c2w1, c2b1 = _lin_init(ks[4], 128, 128)
    c2w2, c2b2 = _lin_init(ks[5], 128, 64)
    l1w, l1b = _lin_init(ks[6], 196, 512)
    l2w, l2b = _lin_init(ks[7], 512, 256)
    m1w, m1b = _lin_init(ks[8], 260, 256)
    m2w, m2b = _lin_init(ks[9], 256, CLA)
    return {"x": x, "pos": pos, "batch": batch,
            "c1w1": c1w1, "c1b1": c1b1, "c1w2": c1w2, "c1b2": c1b2,
            "c2w1": c2w1, "c2b1": c2b1, "c2w2": c2w2, "c2b2": c2b2,
            "l1w": l1w, "l1b": l1b, "l2w": l2w, "l2b": l2b,
            "m1w": m1w, "m1b": m1b, "m2w": m2w, "m2b": m2b}


def _pair_d2(xb):
    n = jnp.sum(xb * xb, axis=-1)
    return n[:, :, None] - 2.0 * jnp.einsum('bpd,bqd->bpq', xb, xb) + n[:, None, :]


def _knn(xb, k, exclude_self):
    d = _pair_d2(xb)
    if exclude_self:
        d = d + jnp.eye(d.shape[-1], dtype=d.dtype)[None, :, :] * 1e9
    _, idx = jax.lax.top_k(-d, k)
    return idx  # [B, P, k] per-graph neighbor (source) indices for each target node


def _gather(xb, idx):
    return jax.vmap(lambda a, i: a[i])(xb, idx)


def _edge_conv(xb, k, W1, b1, W2, b2):
    # DynamicEdgeConv: knn on current features (self included, as in PyG knn),
    # message = nn([x_i, x_j - x_i]), 'add' aggregation at target i.
    idx = _knn(xb, k, False)
    xj = _gather(xb, idx)  # [B, P, k, d]
    xi = jnp.broadcast_to(xb[:, :, None, :], xj.shape)
    m = jnp.concatenate([xi, xj - xi], axis=-1)
    h = jax.nn.leaky_relu(m @ W1 + b1)
    h = jax.nn.leaky_relu(h @ W2 + b2)
    return jnp.sum(h, axis=2)


def _homophily(ycol, idx, batch, nB):
    # PyG edge homophily with batch: mean over each graph's edges of 1[y_src == y_tgt]
    Pn = idx.shape[1]
    yb = ycol.reshape(nB, Pn)
    yj = _gather(yb, idx)  # [B, P, k]
    same = (yj == yb[:, :, None]).astype(jnp.float32)
    per_node = jnp.sum(same, axis=-1).reshape(-1)  # [N]
    k = idx.shape[-1]
    sums = jax.ops.segment_sum(per_node, batch, num_segments=nB)
    cnts = jax.ops.segment_sum(jnp.full(batch.shape, float(k), dtype=jnp.float32), batch, num_segments=nB)
    return sums / cnts


def reference(x, pos, batch, c1w1, c1b1, c1w2, c1b2, c2w1, c2b1, c2w2, c2b2,
              l1w, l1b, l2w, l2b, m1w, m1b, m2w, m2b):
    nB = batch.shape[0] // P
    n = x.shape[0]
    Pn = n // nB
    xx = jnp.concatenate([x, pos], axis=1)  # [N, 4]
    xxb = xx.reshape(nB, Pn, 4)
    idx50 = _knn(xxb, 50, True)  # knn_graph(k=50, loop=False)
    hx = _homophily(xx[:, 0], idx50, batch, nB)
    hy = _homophily(xx[:, 1], idx50, batch, nB)
    hz = _homophily(xx[:, 2], idx50, batch, nB)
    hq = _homophily(xx[:, 3], idx50, batch, nB)
    x1 = _edge_conv(xxb, 5, c1w1, c1b1, c1w2, c1b2)
    x2 = _edge_conv(x1, 5, c2w1, c2b1, c2w2, c2b2)
    x3 = _edge_conv(x2, 5, c2w1, c2b1, c2w2, c2b2)  # conv2 reused (shared weights)
    cat = jnp.concatenate([xxb, x1, x2, x3], axis=-1)  # [B, P, 196]
    h = jax.nn.leaky_relu(cat @ l1w + l1b)
    node_out = h @ l2w + l2b  # [B, P, 256]
    flat = node_out.reshape(n, -1)
    sums = jax.ops.segment_sum(flat, batch, num_segments=nB)
    cnts = jax.ops.segment_sum(jnp.ones((n,), jnp.float32), batch, num_segments=nB)
    pooled = sums / cnts[:, None]  # global_mean_pool -> [B, 256]
    out = jnp.concatenate([pooled, hx[:, None], hy[:, None], hz[:, None], hq[:, None]], axis=1)
    o = jax.nn.leaky_relu(out)
    o = jax.nn.leaky_relu(o @ m1w + m1b)
    return o @ m2w + m2b

if __name__ == "__main__":
    import jax
    _d = setup_inputs()
    print(jax.jit(kernel)(*tuple(_d.values())))

</pallas_src>

<mosaic_0001>
#map = affine_map<(d0, d1) -> (0, 0)>
#map1 = affine_map<(d0, d1) -> (0)>
module attributes {stable_mosaic.version = 14 : i64} {
  func.func @k(%arg0: i32, %arg1: i32, %arg2: memref<16384x128xf32, #tpu.memory_space<hbm>>, %arg3: memref<81920xi32, #tpu.memory_space<hbm>>, %arg4: memref<81920x128xf32, #tpu.memory_space<hbm>>, %arg5: memref<512xi32, #tpu.memory_space<vmem>>, %arg6: memref<512x128xf32, #tpu.memory_space<vmem>>, %arg7: memref<!tpu.dma_semaphore, #tpu.memory_space<semaphore_mem>>) attributes {dimension_semantics = [#tpu.dimension_semantics<core_parallel>, #tpu.dimension_semantics<subcore_parallel>], iteration_bounds = array<i64: 2, 16>, scalar_prefetch = 0 : i64, scratch_operands = 3 : i64, tpu.core_type = #tpu.core_type<sc_vector_subcore>, window_params = [{transform_indices = #map}, {transform_indices = #map1}, {transform_indices = #map}]} {
    %mul3A = arith.constant 2 : i32
    %mul3A_0 = arith.muli %arg1, %mul3A : i32
    %add3A = arith.addi %mul3A_0, %arg0 : i32
    %mul3A_1 = arith.constant 2560 : i32
    %mul3A_2 = arith.muli %add3A, %mul3A_1 : i32
    %add3A_3 = arith.constant 0 : i32
    %add3A_4 = arith.addi %mul3A_2, %add3A_3 : i32
    "tpu.region"() ({
      %run_scoped3A = tpu.sem_alloc : memref<!tpu.dma_semaphore, #tpu.memory_space<semaphore_mem>>
      %dma_start3A_41 = tpu.memref_slice %arg3[%add3A_4] : memref<81920xi32, #tpu.memory_space<hbm>> -> memref<512xi32, #tpu.memory_space<hbm>>
      %dma_start3A_42 = tpu.memref_slice %arg3[%add3A_4] : memref<81920xi32, #tpu.memory_space<hbm>> -> memref<512xi32, #tpu.memory_space<hbm>>
      tpu.enqueue_dma source(%dma_start3A_42 : memref<512xi32, #tpu.memory_space<hbm>>) target(%arg5 : memref<512xi32, #tpu.memory_space<vmem>>) target_semaphore(%run_scoped3A : memref<!tpu.dma_semaphore, #tpu.memory_space<semaphore_mem>>)
      %dma_wait3A_43 = tpu.memref_slice %arg3[%add3A_4] : memref<81920xi32, #tpu.memory_space<hbm>> -> memref<512xi32, #tpu.memory_space<hbm>>
      %dma_wait3A_44 = tpu.memref_slice %arg3[%add3A_4] : memref<81920xi32, #tpu.memory_space<hbm>> -> memref<512xi32, #tpu.memory_space<hbm>>
      tpu.wait_dma2 semaphore(%run_scoped3A : memref<!tpu.dma_semaphore, #tpu.memory_space<semaphore_mem>>) src(%dma_wait3A_44 : memref<512xi32, #tpu.memory_space<hbm>>) dst(%arg5 : memref<512xi32, #tpu.memory_space<vmem>>)
      tpu.yield
    }) : () -> ()
    %dma_start3A = arith.constant 0 : i32
    %dma_start3A_5 = arith.constant 0 : i32
    %dma_start3A_6 = tpu.memref_slice %arg2[%dma_start3A, %dma_start3A_5] : memref<16384x128xf32, #tpu.memory_space<hbm>> -> memref<16384x128xf32, #tpu.memory_space<hbm>>
    tpu.enqueue_indirect_dma source(%dma_start3A_6 : memref<16384x128xf32, #tpu.memory_space<hbm>>) target(%arg6 : memref<512x128xf32, #tpu.memory_space<vmem>>) offsets(%arg5 : memref<512xi32, #tpu.memory_space<vmem>>) semaphore(%arg7 : memref<!tpu.dma_semaphore, #tpu.memory_space<semaphore_mem>>)
    %dma_wait3A = arith.constant 0 : i32
    %dma_wait3A_7 = arith.constant 0 : i32
    %dma_wait3A_8 = tpu.memref_slice %arg2[%dma_wait3A, %dma_wait3A_7] : memref<16384x128xf32, #tpu.memory_space<hbm>> -> memref<16384x128xf32, #tpu.memory_space<hbm>>
    tpu.wait_indirect_dma semaphore(%arg7 : memref<!tpu.dma_semaphore, #tpu.memory_space<semaphore_mem>>) src(%dma_wait3A_8 : memref<16384x128xf32, #tpu.memory_space<hbm>>) dst(%arg6 : memref<512x128xf32, #tpu.memory_space<vmem>>)
    "tpu.region"() ({
      %run_scoped3A = tpu.sem_alloc : memref<!tpu.dma_semaphore, #tpu.memory_space<semaphore_mem>>
      %dma_start3A_41 = arith.constant 0 : i32
      %dma_start3A_42 = tpu.memref_slice %arg4[%add3A_4, %dma_start3A_41] : memref<81920x128xf32, #tpu.memory_space<hbm>> -> memref<512x128xf32, #tpu.memory_space<hbm>>
      %dma_start3A_43 = arith.constant 0 : i32
      %dma_start3A_44 = tpu.memref_slice %arg4[%add3A_4, %dma_start3A_43] : memref<81920x128xf32, #tpu.memory_space<hbm>> -> memref<512x128xf32, #tpu.memory_space<hbm>>
      tpu.enqueue_dma source(%arg6 : memref<512x128xf32, #tpu.memory_space<vmem>>) target(%dma_start3A_44 : memref<512x128xf32, #tpu.memory_space<hbm>>) target_semaphore(%run_scoped3A : memref<!tpu.dma_semaphore, #tpu.memory_space<semaphore_mem>>)
      %dma_wait3A_45 = arith.constant 0 : i32
      %dma_wait3A_46 = tpu.memref_slice %arg4[%add3A_4, %dma_wait3A_45] : memref<81920x128xf32, #tpu.memory_space<hbm>> -> memref<512x128xf32, #tpu.memory_space<hbm>>
      %dma_wait3A_47 = arith.constant 0 : i32
      %dma_wait3A_48 = tpu.memref_slice %arg4[%add3A_4, %dma_wait3A_47] : memref<81920x128xf32, #tpu.memory_space<hbm>> -> memref<512x128xf32, #tpu.memory_space<hbm>>
      tpu.wait_dma2 semaphore(%run_scoped3A : memref<!tpu.dma_semaphore, #tpu.memory_space<semaphore_mem>>) src(%arg6 : memref<512x128xf32, #tpu.memory_space<vmem>>) dst(%dma_wait3A_48 : memref<512x128xf32, #tpu.memory_space<hbm>>)
      tpu.yield
    }) : () -> ()
    %add3A_9 = arith.constant 512 : i32
    %add3A_10 = arith.addi %mul3A_2, %add3A_9 : i32
    "tpu.region"() ({
      %run_scoped3A = tpu.sem_alloc : memref<!tpu.dma_semaphore, #tpu.memory_space<semaphore_mem>>
      %dma_start3A_41 = tpu.memref_slice %arg3[%add3A_10] : memref<81920xi32, #tpu.memory_space<hbm>> -> memref<512xi32, #tpu.memory_space<hbm>>
      %dma_start3A_42 = tpu.memref_slice %arg3[%add3A_10] : memref<81920xi32, #tpu.memory_space<hbm>> -> memref<512xi32, #tpu.memory_space<hbm>>
      tpu.enqueue_dma source(%dma_start3A_42 : memref<512xi32, #tpu.memory_space<hbm>>) target(%arg5 : memref<512xi32, #tpu.memory_space<vmem>>) target_semaphore(%run_scoped3A : memref<!tpu.dma_semaphore, #tpu.memory_space<semaphore_mem>>)
      %dma_wait3A_43 = tpu.memref_slice %arg3[%add3A_10] : memref<81920xi32, #tpu.memory_space<hbm>> -> memref<512xi32, #tpu.memory_space<hbm>>
      %dma_wait3A_44 = tpu.memref_slice %arg3[%add3A_10] : memref<81920xi32, #tpu.memory_space<hbm>> -> memref<512xi32, #tpu.memory_space<hbm>>
      tpu.wait_dma2 semaphore(%run_scoped3A : memref<!tpu.dma_semaphore, #tpu.memory_space<semaphore_mem>>) src(%dma_wait3A_44 : memref<512xi32, #tpu.memory_space<hbm>>) dst(%arg5 : memref<512xi32, #tpu.memory_space<vmem>>)
      tpu.yield
    }) : () -> ()
    %dma_start3A_11 = arith.constant 0 : i32
    %dma_start3A_12 = arith.constant 0 : i32
    %dma_start3A_13 = tpu.memref_slice %arg2[%dma_start3A_11, %dma_start3A_12] : memref<16384x128xf32, #tpu.memory_space<hbm>> -> memref<16384x128xf32, #tpu.memory_space<hbm>>
    tpu.enqueue_indirect_dma source(%dma_start3A_13 : memref<16384x128xf32, #tpu.memory_space<hbm>>) target(%arg6 : memref<512x128xf32, #tpu.memory_space<vmem>>) offsets(%arg5 : memref<512xi32, #tpu.memory_space<vmem>>) semaphore(%arg7 : memref<!tpu.dma_semaphore, #tpu.memory_space<semaphore_mem>>)
    %dma_wait3A_14 = arith.constant 0 : i32
    %dma_wait3A_15 = arith.constant 0 : i32
    %dma_wait3A_16 = tpu.memref_slice %arg2[%dma_wait3A_14, %dma_wait3A_15] : memref<16384x128xf32, #tpu.memory_space<hbm>> -> memref<16384x128xf32, #tpu.memory_space<hbm>>
    tpu.wait_indirect_dma semaphore(%arg7 : memref<!tpu.dma_semaphore, #tpu.memory_space<semaphore_mem>>) src(%dma_wait3A_16 : memref<16384x128xf32, #tpu.memory_space<hbm>>) dst(%arg6 : memref<512x128xf32, #tpu.memory_space<vmem>>)
    "tpu.region"() ({
      %run_scoped3A = tpu.sem_alloc : memref<!tpu.dma_semaphore, #tpu.memory_space<semaphore_mem>>
      %dma_start3A_41 = arith.constant 0 : i32
      %dma_start3A_42 = tpu.memref_slice %arg4[%add3A_10, %dma_start3A_41] : memref<81920x128xf32, #tpu.memory_space<hbm>> -> memref<512x128xf32, #tpu.memory_space<hbm>>
      %dma_start3A_43 = arith.constant 0 : i32
      %dma_start3A_44 = tpu.memref_slice %arg4[%add3A_10, %dma_start3A_43] : memref<81920x128xf32, #tpu.memory_space<hbm>> -> memref<512x128xf32, #tpu.memory_space<hbm>>
      tpu.enqueue_dma source(%arg6 : memref<512x128xf32, #tpu.memory_space<vmem>>) target(%dma_start3A_44 : memref<512x128xf32, #tpu.memory_space<hbm>>) target_semaphore(%run_scoped3A : memref<!tpu.dma_semaphore, #tpu.memory_space<semaphore_mem>>)
      %dma_wait3A_45 = arith.constant 0 : i32
      %dma_wait3A_46 = tpu.memref_slice %arg4[%add3A_10, %dma_wait3A_45] : memref<81920x128xf32, #tpu.memory_space<hbm>> -> memref<512x128xf32, #tpu.memory_space<hbm>>
      %dma_wait3A_47 = arith.constant 0 : i32
      %dma_wait3A_48 = tpu.memref_slice %arg4[%add3A_10, %dma_wait3A_47] : memref<81920x128xf32, #tpu.memory_space<hbm>> -> memref<512x128xf32, #tpu.memory_space<hbm>>
      tpu.wait_dma2 semaphore(%run_scoped3A : memref<!tpu.dma_semaphore, #tpu.memory_space<semaphore_mem>>) src(%arg6 : memref<512x128xf32, #tpu.memory_space<vmem>>) dst(%dma_wait3A_48 : memref<512x128xf32, #tpu.memory_space<hbm>>)
      tpu.yield
    }) : () -> ()
    %add3A_17 = arith.constant 1024 : i32
    %add3A_18 = arith.addi %mul3A_2, %add3A_17 : i32
    "tpu.region"() ({
      %run_scoped3A = tpu.sem_alloc : memref<!tpu.dma_semaphore, #tpu.memory_space<semaphore_mem>>
      %dma_start3A_41 = tpu.memref_slice %arg3[%add3A_18] : memref<81920xi32, #tpu.memory_space<hbm>> -> memref<512xi32, #tpu.memory_space<hbm>>
      %dma_start3A_42 = tpu.memref_slice %arg3[%add3A_18] : memref<81920xi32, #tpu.memory_space<hbm>> -> memref<512xi32, #tpu.memory_space<hbm>>
      tpu.enqueue_dma source(%dma_start3A_42 : memref<512xi32, #tpu.memory_space<hbm>>) target(%arg5 : memref<512xi32, #tpu.memory_space<vmem>>) target_semaphore(%run_scoped3A : memref<!tpu.dma_semaphore, #tpu.memory_space<semaphore_mem>>)
      %dma_wait3A_43 = tpu.memref_slice %arg3[%add3A_18] : memref<81920xi32, #tpu.memory_space<hbm>> -> memref<512xi32, #tpu.memory_space<hbm>>
      %dma_wait3A_44 = tpu.memref_slice %arg3[%add3A_18] : memref<81920xi32, #tpu.memory_space<hbm>> -> memref<512xi32, #tpu.memory_space<hbm>>
      tpu.wait_dma2 semaphore(%run_scoped3A : memref<!tpu.dma_semaphore, #tpu.memory_space<semaphore_mem>>) src(%dma_wait3A_44 : memref<512xi32, #tpu.memory_space<hbm>>) dst(%arg5 : memref<512xi32, #tpu.memory_space<vmem>>)
      tpu.yield
    }) : () -> ()
    %dma_start3A_19 = arith.constant 0 : i32
    %dma_start3A_20 = arith.constant 0 : i32
    %dma_start3A_21 = tpu.memref_slice %arg2[%dma_start3A_19, %dma_start3A_20] : memref<16384x128xf32, #tpu.memory_space<hbm>> -> memref<16384x128xf32, #tpu.memory_space<hbm>>
    tpu.enqueue_indirect_dma source(%dma_start3A_21 : memref<16384x128xf32, #tpu.memory_space<hbm>>) target(%arg6 : memref<512x128xf32, #tpu.memory_space<vmem>>) offsets(%arg5 : memref<512xi32, #tpu.memory_space<vmem>>) semaphore(%arg7 : memref<!tpu.dma_semaphore, #tpu.memory_space<semaphore_mem>>)
    %dma_wait3A_22 = arith.constant 0 : i32
    %dma_wait3A_23 = arith.constant 0 : i32
    %dma_wait3A_24 = tpu.memref_slice %arg2[%dma_wait3A_22, %dma_wait3A_23] : memref<16384x128xf32, #tpu.memory_space<hbm>> -> memref<16384x128xf32, #tpu.memory_space<hbm>>
    tpu.wait_indirect_dma semaphore(%arg7 : memref<!tpu.dma_semaphore, #tpu.memory_space<semaphore_mem>>) src(%dma_wait3A_24 : memref<16384x128xf32, #tpu.memory_space<hbm>>) dst(%arg6 : memref<512x128xf32, #tpu.memory_space<vmem>>)
    "tpu.region"() ({
      %run_scoped3A = tpu.sem_alloc : memref<!tpu.dma_semaphore, #tpu.memory_space<semaphore_mem>>
      %dma_start3A_41 = arith.constant 0 : i32
      %dma_start3A_42 = tpu.memref_slice %arg4[%add3A_18, %dma_start3A_41] : memref<81920x128xf32, #tpu.memory_space<hbm>> -> memref<512x128xf32, #tpu.memory_space<hbm>>
      %dma_start3A_43 = arith.constant 0 : i32
      %dma_start3A_44 = tpu.memref_slice %arg4[%add3A_18, %dma_start3A_43] : memref<81920x128xf32, #tpu.memory_space<hbm>> -> memref<512x128xf32, #tpu.memory_space<hbm>>
      tpu.enqueue_dma source(%arg6 : memref<512x128xf32, #tpu.memory_space<vmem>>) target(%dma_start3A_44 : memref<512x128xf32, #tpu.memory_space<hbm>>) target_semaphore(%run_scoped3A : memref<!tpu.dma_semaphore, #tpu.memory_space<semaphore_mem>>)
      %dma_wait3A_45 = arith.constant 0 : i32
      %dma_wait3A_46 = tpu.memref_slice %arg4[%add3A_18, %dma_wait3A_45] : memref<81920x128xf32, #tpu.memory_space<hbm>> -> memref<512x128xf32, #tpu.memory_space<hbm>>
      %dma_wait3A_47 = arith.constant 0 : i32
      %dma_wait3A_48 = tpu.memref_slice %arg4[%add3A_18, %dma_wait3A_47] : memref<81920x128xf32, #tpu.memory_space<hbm>> -> memref<512x128xf32, #tpu.memory_space<hbm>>
      tpu.wait_dma2 semaphore(%run_scoped3A : memref<!tpu.dma_semaphore, #tpu.memory_space<semaphore_mem>>) src(%arg6 : memref<512x128xf32, #tpu.memory_space<vmem>>) dst(%dma_wait3A_48 : memref<512x128xf32, #tpu.memory_space<hbm>>)
      tpu.yield
    }) : () -> ()
    %add3A_25 = arith.constant 1536 : i32
    %add3A_26 = arith.addi %mul3A_2, %add3A_25 : i32
    "tpu.region"() ({
      %run_scoped3A = tpu.sem_alloc : memref<!tpu.dma_semaphore, #tpu.memory_space<semaphore_mem>>
      %dma_start3A_41 = tpu.memref_slice %arg3[%add3A_26] : memref<81920xi32, #tpu.memory_space<hbm>> -> memref<512xi32, #tpu.memory_space<hbm>>
      %dma_start3A_42 = tpu.memref_slice %arg3[%add3A_26] : memref<81920xi32, #tpu.memory_space<hbm>> -> memref<512xi32, #tpu.memory_space<hbm>>
      tpu.enqueue_dma source(%dma_start3A_42 : memref<512xi32, #tpu.memory_space<hbm>>) target(%arg5 : memref<512xi32, #tpu.memory_space<vmem>>) target_semaphore(%run_scoped3A : memref<!tpu.dma_semaphore, #tpu.memory_space<semaphore_mem>>)
      %dma_wait3A_43 = tpu.memref_slice %arg3[%add3A_26] : memref<81920xi32, #tpu.memory_space<hbm>> -> memref<512xi32, #tpu.memory_space<hbm>>
      %dma_wait3A_44 = tpu.memref_slice %arg3[%add3A_26] : memref<81920xi32, #tpu.memory_space<hbm>> -> memref<512xi32, #tpu.memory_space<hbm>>
      tpu.wait_dma2 semaphore(%run_scoped3A : memref<!tpu.dma_semaphore, #tpu.memory_space<semaphore_mem>>) src(%dma_wait3A_44 : memref<512xi32, #tpu.memory_space<hbm>>) dst(%arg5 : memref<512xi32, #tpu.memory_space<vmem>>)
      tpu.yield
    }) : () -> ()
    %dma_start3A_27 = arith.constant 0 : i32
    %dma_start3A_28 = arith.constant 0 : i32
    %dma_start3A_29 = tpu.memref_slice %arg2[%dma_start3A_27, %dma_start3A_28] : memref<16384x128xf32, #tpu.memory_space<hbm>> -> memref<16384x128xf32, #tpu.memory_space<hbm>>
    tpu.enqueue_indirect_dma source(%dma_start3A_29 : memref<16384x128xf32, #tpu.memory_space<hbm>>) target(%arg6 : memref<512x128xf32, #tpu.memory_space<vmem>>) offsets(%arg5 : memref<512xi32, #tpu.memory_space<vmem>>) semaphore(%arg7 : memref<!tpu.dma_semaphore, #tpu.memory_space<semaphore_mem>>)
    %dma_wait3A_30 = arith.constant 0 : i32
    %dma_wait3A_31 = arith.constant 0 : i32
    %dma_wait3A_32 = tpu.memref_slice %arg2[%dma_wait3A_30, %dma_wait3A_31] : memref<16384x128xf32, #tpu.memory_space<hbm>> -> memref<16384x128xf32, #tpu.memory_space<hbm>>
    tpu.wait_indirect_dma semaphore(%arg7 : memref<!tpu.dma_semaphore, #tpu.memory_space<semaphore_mem>>) src(%dma_wait3A_32 : memref<16384x128xf32, #tpu.memory_space<hbm>>) dst(%arg6 : memref<512x128xf32, #tpu.memory_space<vmem>>)
    "tpu.region"() ({
      %run_scoped3A = tpu.sem_alloc : memref<!tpu.dma_semaphore, #tpu.memory_space<semaphore_mem>>
      %dma_start3A_41 = arith.constant 0 : i32
      %dma_start3A_42 = tpu.memref_slice %arg4[%add3A_26, %dma_start3A_41] : memref<81920x128xf32, #tpu.memory_space<hbm>> -> memref<512x128xf32, #tpu.memory_space<hbm>>
      %dma_start3A_43 = arith.constant 0 : i32
      %dma_start3A_44 = tpu.memref_slice %arg4[%add3A_26, %dma_start3A_43] : memref<81920x128xf32, #tpu.memory_space<hbm>> -> memref<512x128xf32, #tpu.memory_space<hbm>>
      tpu.enqueue_dma source(%arg6 : memref<512x128xf32, #tpu.memory_space<vmem>>) target(%dma_start3A_44 : memref<512x128xf32, #tpu.memory_space<hbm>>) target_semaphore(%run_scoped3A : memref<!tpu.dma_semaphore, #tpu.memory_space<semaphore_mem>>)
      %dma_wait3A_45 = arith.constant 0 : i32
      %dma_wait3A_46 = tpu.memref_slice %arg4[%add3A_26, %dma_wait3A_45] : memref<81920x128xf32, #tpu.memory_space<hbm>> -> memref<512x128xf32, #tpu.memory_space<hbm>>
      %dma_wait3A_47 = arith.constant 0 : i32
      %dma_wait3A_48 = tpu.memref_slice %arg4[%add3A_26, %dma_wait3A_47] : memref<81920x128xf32, #tpu.memory_space<hbm>> -> memref<512x128xf32, #tpu.memory_space<hbm>>
      tpu.wait_dma2 semaphore(%run_scoped3A : memref<!tpu.dma_semaphore, #tpu.memory_space<semaphore_mem>>) src(%arg6 : memref<512x128xf32, #tpu.memory_space<vmem>>) dst(%dma_wait3A_48 : memref<512x128xf32, #tpu.memory_space<hbm>>)
      tpu.yield
    }) : () -> ()
    %add3A_33 = arith.constant 2048 : i32
    %add3A_34 = arith.addi %mul3A_2, %add3A_33 : i32
    "tpu.region"() ({
      %run_scoped3A = tpu.sem_alloc : memref<!tpu.dma_semaphore, #tpu.memory_space<semaphore_mem>>
      %dma_start3A_41 = tpu.memref_slice %arg3[%add3A_34] : memref<81920xi32, #tpu.memory_space<hbm>> -> memref<512xi32, #tpu.memory_space<hbm>>
      %dma_start3A_42 = tpu.memref_slice %arg3[%add3A_34] : memref<81920xi32, #tpu.memory_space<hbm>> -> memref<512xi32, #tpu.memory_space<hbm>>
      tpu.enqueue_dma source(%dma_start3A_42 : memref<512xi32, #tpu.memory_space<hbm>>) target(%arg5 : memref<512xi32, #tpu.memory_space<vmem>>) target_semaphore(%run_scoped3A : memref<!tpu.dma_semaphore, #tpu.memory_space<semaphore_mem>>)
      %dma_wait3A_43 = tpu.memref_slice %arg3[%add3A_34] : memref<81920xi32, #tpu.memory_space<hbm>> -> memref<512xi32, #tpu.memory_space<hbm>>
      %dma_wait3A_44 = tpu.memref_slice %arg3[%add3A_34] : memref<81920xi32, #tpu.memory_space<hbm>> -> memref<512xi32, #tpu.memory_space<hbm>>
      tpu.wait_dma2 semaphore(%run_scoped3A : memref<!tpu.dma_semaphore, #tpu.memory_space<semaphore_mem>>) src(%dma_wait3A_44 : memref<512xi32, #tpu.memory_space<hbm>>) dst(%arg5 : memref<512xi32, #tpu.memory_space<vmem>>)
      tpu.yield
    }) : () -> ()
    %dma_start3A_35 = arith.constant 0 : i32
    %dma_start3A_36 = arith.constant 0 : i32
    %dma_start3A_37 = tpu.memref_slice %arg2[%dma_start3A_35, %dma_start3A_36] : memref<16384x128xf32, #tpu.memory_space<hbm>> -> memref<16384x128xf32, #tpu.memory_space<hbm>>
    tpu.enqueue_indirect_dma source(%dma_start3A_37 : memref<16384x128xf32, #tpu.memory_space<hbm>>) target(%arg6 : memref<512x128xf32, #tpu.memory_space<vmem>>) offsets(%arg5 : memref<512xi32, #tpu.memory_space<vmem>>) semaphore(%arg7 : memref<!tpu.dma_semaphore, #tpu.memory_space<semaphore_mem>>)
    %dma_wait3A_38 = arith.constant 0 : i32
    %dma_wait3A_39 = arith.constant 0 : i32
    %dma_wait3A_40 = tpu.memref_slice %arg2[%dma_wait3A_38, %dma_wait3A_39] : memref<16384x128xf32, #tpu.memory_space<hbm>> -> memref<16384x128xf32, #tpu.memory_space<hbm>>
    tpu.wait_indirect_dma semaphore(%arg7 : memref<!tpu.dma_semaphore, #tpu.memory_space<semaphore_mem>>) src(%dma_wait3A_40 : memref<16384x128xf32, #tpu.memory_space<hbm>>) dst(%arg6 : memref<512x128xf32, #tpu.memory_space<vmem>>)
    "tpu.region"() ({
      %run_scoped3A = tpu.sem_alloc : memref<!tpu.dma_semaphore, #tpu.memory_space<semaphore_mem>>
      %dma_start3A_41 = arith.constant 0 : i32
      %dma_start3A_42 = tpu.memref_slice %arg4[%add3A_34, %dma_start3A_41] : memref<81920x128xf32, #tpu.memory_space<hbm>> -> memref<512x128xf32, #tpu.memory_space<hbm>>
      %dma_start3A_43 = arith.constant 0 : i32
      %dma_start3A_44 = tpu.memref_slice %arg4[%add3A_34, %dma_start3A_43] : memref<81920x128xf32, #tpu.memory_space<hbm>> -> memref<512x128xf32, #tpu.memory_space<hbm>>
      tpu.enqueue_dma source(%arg6 : memref<512x128xf32, #tpu.memory_space<vmem>>) target(%dma_start3A_44 : memref<512x128xf32, #tpu.memory_space<hbm>>) target_semaphore(%run_scoped3A : memref<!tpu.dma_semaphore, #tpu.memory_space<semaphore_mem>>)
      %dma_wait3A_45 = arith.constant 0 : i32
      %dma_wait3A_46 = tpu.memref_slice %arg4[%add3A_34, %dma_wait3A_45] : memref<81920x128xf32, #tpu.memory_space<hbm>> -> memref<512x128xf32, #tpu.memory_space<hbm>>
      %dma_wait3A_47 = arith.constant 0 : i32
      %dma_wait3A_48 = tpu.memref_slice %arg4[%add3A_34, %dma_wait3A_47] : memref<81920x128xf32, #tpu.memory_space<hbm>> -> memref<512x128xf32, #tpu.memory_space<hbm>>
      tpu.wait_dma2 semaphore(%run_scoped3A : memref<!tpu.dma_semaphore, #tpu.memory_space<semaphore_mem>>) src(%arg6 : memref<512x128xf32, #tpu.memory_space<vmem>>) dst(%dma_wait3A_48 : memref<512x128xf32, #tpu.memory_space<hbm>>)
      tpu.yield
    }) : () -> ()
    return
  }
}

#map = affine_map<(d0, d1) -> (0, 0)>
#map1 = affine_map<(d0, d1) -> (0)>
module attributes {stable_mosaic.version = 14 : i64} {
  func.func @k(%arg0: i32, %arg1: i32, %arg2: memref<16384x128xf32, #tpu.memory_space<hbm>>, %arg3: memref<81920xi32, #tpu.memory_space<hbm>>, %arg4: memref<81920x128xf32, #tpu.memory_space<hbm>>, %arg5: memref<512xi32, #tpu.memory_space<vmem>>, %arg6: memref<512x128xf32, #tpu.memory_space<vmem>>, %arg7: memref<!tpu.dma_semaphore, #tpu.memory_space<semaphore_mem>>) attributes {dimension_semantics = [#tpu.dimension_semantics<core_parallel>, #tpu.dimension_semantics<subcore_parallel>], iteration_bounds = array<i64: 2, 16>, scalar_prefetch = 0 : i64, scratch_operands = 3 : i64, tpu.core_type = #tpu.core_type<sc_vector_subcore>, window_params = [{transform_indices = #map}, {transform_indices = #map1}, {transform_indices = #map}]} {
    %mul3A = arith.constant 2 : i32
    %mul3A_0 = arith.muli %arg1, %mul3A : i32
    %add3A = arith.addi %mul3A_0, %arg0 : i32
    %mul3A_1 = arith.constant 2560 : i32
    %mul3A_2 = arith.muli %add3A, %mul3A_1 : i32
    %add3A_3 = arith.constant 0 : i32
    %add3A_4 = arith.addi %mul3A_2, %add3A_3 : i32
    "tpu.region"() ({
      %run_scoped3A = tpu.sem_alloc : memref<!tpu.dma_semaphore, #tpu.memory_space<semaphore_mem>>
      %dma_start3A_41 = tpu.memref_slice %arg3[%add3A_4] : memref<81920xi32, #tpu.memory_space<hbm>> -> memref<512xi32, #tpu.memory_space<hbm>>
      %dma_start3A_42 = tpu.memref_slice %arg3[%add3A_4] : memref<81920xi32, #tpu.memory_space<hbm>> -> memref<512xi32, #tpu.memory_space<hbm>>
      tpu.enqueue_dma source(%dma_start3A_42 : memref<512xi32, #tpu.memory_space<hbm>>) target(%arg5 : memref<512xi32, #tpu.memory_space<vmem>>) target_semaphore(%run_scoped3A : memref<!tpu.dma_semaphore, #tpu.memory_space<semaphore_mem>>)
      %dma_wait3A_43 = tpu.memref_slice %arg3[%add3A_4] : memref<81920xi32, #tpu.memory_space<hbm>> -> memref<512xi32, #tpu.memory_space<hbm>>
      %dma_wait3A_44 = tpu.memref_slice %arg3[%add3A_4] : memref<81920xi32, #tpu.memory_space<hbm>> -> memref<512xi32, #tpu.memory_space<hbm>>
      tpu.wait_dma2 semaphore(%run_scoped3A : memref<!tpu.dma_semaphore, #tpu.memory_space<semaphore_mem>>) src(%dma_wait3A_44 : memref<512xi32, #tpu.memory_space<hbm>>) dst(%arg5 : memref<512xi32, #tpu.memory_space<vmem>>)
      tpu.yield
    }) : () -> ()
    %dma_start3A = arith.constant 0 : i32
    %dma_start3A_5 = arith.constant 0 : i32
    %dma_start3A_6 = tpu.memref_slice %arg2[%dma_start3A, %dma_start3A_5] : memref<16384x128xf32, #tpu.memory_space<hbm>> -> memref<16384x128xf32, #tpu.memory_space<hbm>>
    tpu.enqueue_indirect_dma source(%dma_start3A_6 : memref<16384x128xf32, #tpu.memory_space<hbm>>) target(%arg6 : memref<512x128xf32, #tpu.memory_space<vmem>>) offsets(%arg5 : memref<512xi32, #tpu.memory_space<vmem>>) semaphore(%arg7 : memref<!tpu.dma_semaphore, #tpu.memory_space<semaphore_mem>>)
    %dma_wait3A = arith.constant 0 : i32
    %dma_wait3A_7 = arith.constant 0 : i32
    %dma_wait3A_8 = tpu.memref_slice %arg2[%dma_wait3A, %dma_wait3A_7] : memref<16384x128xf32, #tpu.memory_space<hbm>> -> memref<16384x128xf32, #tpu.memory_space<hbm>>
    tpu.wait_indirect_dma semaphore(%arg7 : memref<!tpu.dma_semaphore, #tpu.memory_space<semaphore_mem>>) src(%dma_wait3A_8 : memref<16384x128xf32, #tpu.memory_space<hbm>>) dst(%arg6 : memref<512x128xf32, #tpu.memory_space<vmem>>)
    "tpu.region"() ({
      %run_scoped3A = tpu.sem_alloc : memref<!tpu.dma_semaphore, #tpu.memory_space<semaphore_mem>>
      %dma_start3A_41 = arith.constant 0 : i32
      %dma_start3A_42 = tpu.memref_slice %arg4[%add3A_4, %dma_start3A_41] : memref<81920x128xf32, #tpu.memory_space<hbm>> -> memref<512x128xf32, #tpu.memory_space<hbm>>
      %dma_start3A_43 = arith.constant 0 : i32
      %dma_start3A_44 = tpu.memref_slice %arg4[%add3A_4, %dma_start3A_43] : memref<81920x128xf32, #tpu.memory_space<hbm>> -> memref<512x128xf32, #tpu.memory_space<hbm>>
      tpu.enqueue_dma source(%arg6 : memref<512x128xf32, #tpu.memory_space<vmem>>) target(%dma_start3A_44 : memref<512x128xf32, #tpu.memory_space<hbm>>) target_semaphore(%run_scoped3A : memref<!tpu.dma_semaphore, #tpu.memory_space<semaphore_mem>>)
      %dma_wait3A_45 = arith.constant 0 : i32
      %dma_wait3A_46 = tpu.memref_slice %arg4[%add3A_4, %dma_wait3A_45] : memref<81920x128xf32, #tpu.memory_space<hbm>> -> memref<512x128xf32, #tpu.memory_space<hbm>>
      %dma_wait3A_47 = arith.constant 0 : i32
      %dma_wait3A_48 = tpu.memref_slice %arg4[%add3A_4, %dma_wait3A_47] : memref<81920x128xf32, #tpu.memory_space<hbm>> -> memref<512x128xf32, #tpu.memory_space<hbm>>
      tpu.wait_dma2 semaphore(%run_scoped3A : memref<!tpu.dma_semaphore, #tpu.memory_space<semaphore_mem>>) src(%arg6 : memref<512x128xf32, #tpu.memory_space<vmem>>) dst(%dma_wait3A_48 : memref<512x128xf32, #tpu.memory_space<hbm>>)
      tpu.yield
    }) : () -> ()
    %add3A_9 = arith.constant 512 : i32
    %add3A_10 = arith.addi %mul3A_2, %add3A_9 : i32
    "tpu.region"() ({
      %run_scoped3A = tpu.sem_alloc : memref<!tpu.dma_semaphore, #tpu.memory_space<semaphore_mem>>
      %dma_start3A_41 = tpu.memref_slice %arg3[%add3A_10] : memref<81920xi32, #tpu.memory_space<hbm>> -> memref<512xi32, #tpu.memory_space<hbm>>
      %dma_start3A_42 = tpu.memref_slice %arg3[%add3A_10] : memref<81920xi32, #tpu.memory_space<hbm>> -> memref<512xi32, #tpu.memory_space<hbm>>
      tpu.enqueue_dma source(%dma_start3A_42 : memref<512xi32, #tpu.memory_space<hbm>>) target(%arg5 : memref<512xi32, #tpu.memory_space<vmem>>) target_semaphore(%run_scoped3A : memref<!tpu.dma_semaphore, #tpu.memory_space<semaphore_mem>>)
      %dma_wait3A_43 = tpu.memref_slice %arg3[%add3A_10] : memref<81920xi32, #tpu.memory_space<hbm>> -> memref<512xi32, #tpu.memory_space<hbm>>
      %dma_wait3A_44 = tpu.memref_slice %arg3[%add3A_10] : memref<81920xi32, #tpu.memory_space<hbm>> -> memref<512xi32, #tpu.memory_space<hbm>>
      tpu.wait_dma2 semaphore(%run_scoped3A : memref<!tpu.dma_semaphore, #tpu.memory_space<semaphore_mem>>) src(%dma_wait3A_44 : memref<512xi32, #tpu.memory_space<hbm>>) dst(%arg5 : memref<512xi32, #tpu.memory_space<vmem>>)
      tpu.yield
    }) : () -> ()
    %dma_start3A_11 = arith.constant 0 : i32
    %dma_start3A_12 = arith.constant 0 : i32
    %dma_start3A_13 = tpu.memref_slice %arg2[%dma_start3A_11, %dma_start3A_12] : memref<16384x128xf32, #tpu.memory_space<hbm>> -> memref<16384x128xf32, #tpu.memory_space<hbm>>
    tpu.enqueue_indirect_dma source(%dma_start3A_13 : memref<16384x128xf32, #tpu.memory_space<hbm>>) target(%arg6 : memref<512x128xf32, #tpu.memory_space<vmem>>) offsets(%arg5 : memref<512xi32, #tpu.memory_space<vmem>>) semaphore(%arg7 : memref<!tpu.dma_semaphore, #tpu.memory_space<semaphore_mem>>)
    %dma_wait3A_14 = arith.constant 0 : i32
    %dma_wait3A_15 = arith.constant 0 : i32
    %dma_wait3A_16 = tpu.memref_slice %arg2[%dma_wait3A_14, %dma_wait3A_15] : memref<16384x128xf32, #tpu.memory_space<hbm>> -> memref<16384x128xf32, #tpu.memory_space<hbm>>
    tpu.wait_indirect_dma semaphore(%arg7 : memref<!tpu.dma_semaphore, #tpu.memory_space<semaphore_mem>>) src(%dma_wait3A_16 : memref<16384x128xf32, #tpu.memory_space<hbm>>) dst(%arg6 : memref<512x128xf32, #tpu.memory_space<vmem>>)
    "tpu.region"() ({
      %run_scoped3A = tpu.sem_alloc : memref<!tpu.dma_semaphore, #tpu.memory_space<semaphore_mem>>
      %dma_start3A_41 = arith.constant 0 : i32
      %dma_start3A_42 = tpu.memref_slice %arg4[%add3A_10, %dma_start3A_41] : memref<81920x128xf32, #tpu.memory_space<hbm>> -> memref<512x128xf32, #tpu.memory_space<hbm>>
      %dma_start3A_43 = arith.constant 0 : i32
      %dma_start3A_44 = tpu.memref_slice %arg4[%add3A_10, %dma_start3A_43] : memref<81920x128xf32, #tpu.memory_space<hbm>> -> memref<512x128xf32, #tpu.memory_space<hbm>>
      tpu.enqueue_dma source(%arg6 : memref<512x128xf32, #tpu.memory_space<vmem>>) target(%dma_start3A_44 : memref<512x128xf32, #tpu.memory_space<hbm>>) target_semaphore(%run_scoped3A : memref<!tpu.dma_semaphore, #tpu.memory_space<semaphore_mem>>)
      %dma_wait3A_45 = arith.constant 0 : i32
      %dma_wait3A_46 = tpu.memref_slice %arg4[%add3A_10, %dma_wait3A_45] : memref<81920x128xf32, #tpu.memory_space<hbm>> -> memref<512x128xf32, #tpu.memory_space<hbm>>
      %dma_wait3A_47 = arith.constant 0 : i32
      %dma_wait3A_48 = tpu.memref_slice %arg4[%add3A_10, %dma_wait3A_47] : memref<81920x128xf32, #tpu.memory_space<hbm>> -> memref<512x128xf32, #tpu.memory_space<hbm>>
      tpu.wait_dma2 semaphore(%run_scoped3A : memref<!tpu.dma_semaphore, #tpu.memory_space<semaphore_mem>>) src(%arg6 : memref<512x128xf32, #tpu.memory_space<vmem>>) dst(%dma_wait3A_48 : memref<512x128xf32, #tpu.memory_space<hbm>>)
      tpu.yield
    }) : () -> ()
    %add3A_17 = arith.constant 1024 : i32
    %add3A_18 = arith.addi %mul3A_2, %add3A_17 : i32
    "tpu.region"() ({
      %run_scoped3A = tpu.sem_alloc : memref<!tpu.dma_semaphore, #tpu.memory_space<semaphore_mem>>
      %dma_start3A_41 = tpu.memref_slice %arg3[%add3A_18] : memref<81920xi32, #tpu.memory_space<hbm>> -> memref<512xi32, #tpu.memory_space<hbm>>
      %dma_start3A_42 = tpu.memref_slice %arg3[%add3A_18] : memref<81920xi32, #tpu.memory_space<hbm>> -> memref<512xi32, #tpu.memory_space<hbm>>
      tpu.enqueue_dma source(%dma_start3A_42 : memref<512xi32, #tpu.memory_space<hbm>>) target(%arg5 : memref<512xi32, #tpu.memory_space<vmem>>) target_semaphore(%run_scoped3A : memref<!tpu.dma_semaphore, #tpu.memory_space<semaphore_mem>>)
      %dma_wait3A_43 = tpu.memref_slice %arg3[%add3A_18] : memref<81920xi32, #tpu.memory_space<hbm>> -> memref<512xi32, #tpu.memory_space<hbm>>
      %dma_wait3A_44 = tpu.memref_slice %arg3[%add3A_18] : memref<81920xi32, #tpu.memory_space<hbm>> -> memref<512xi32, #tpu.memory_space<hbm>>
      tpu.wait_dma2 semaphore(%run_scoped3A : memref<!tpu.dma_semaphore, #tpu.memory_space<semaphore_mem>>) src(%dma_wait3A_44 : memref<512xi32, #tpu.memory_space<hbm>>) dst(%arg5 : memref<512xi32, #tpu.memory_space<vmem>>)
      tpu.yield
    }) : () -> ()
    %dma_start3A_19 = arith.constant 0 : i32
    %dma_start3A_20 = arith.constant 0 : i32
    %dma_start3A_21 = tpu.memref_slice %arg2[%dma_start3A_19, %dma_start3A_20] : memref<16384x128xf32, #tpu.memory_space<hbm>> -> memref<16384x128xf32, #tpu.memory_space<hbm>>
    tpu.enqueue_indirect_dma source(%dma_start3A_21 : memref<16384x128xf32, #tpu.memory_space<hbm>>) target(%arg6 : memref<512x128xf32, #tpu.memory_space<vmem>>) offsets(%arg5 : memref<512xi32, #tpu.memory_space<vmem>>) semaphore(%arg7 : memref<!tpu.dma_semaphore, #tpu.memory_space<semaphore_mem>>)
    %dma_wait3A_22 = arith.constant 0 : i32
    %dma_wait3A_23 = arith.constant 0 : i32
    %dma_wait3A_24 = tpu.memref_slice %arg2[%dma_wait3A_22, %dma_wait3A_23] : memref<16384x128xf32, #tpu.memory_space<hbm>> -> memref<16384x128xf32, #tpu.memory_space<hbm>>
    tpu.wait_indirect_dma semaphore(%arg7 : memref<!tpu.dma_semaphore, #tpu.memory_space<semaphore_mem>>) src(%dma_wait3A_24 : memref<16384x128xf32, #tpu.memory_space<hbm>>) dst(%arg6 : memref<512x128xf32, #tpu.memory_space<vmem>>)
    "tpu.region"() ({
      %run_scoped3A = tpu.sem_alloc : memref<!tpu.dma_semaphore, #tpu.memory_space<semaphore_mem>>
      %dma_start3A_41 = arith.constant 0 : i32
      %dma_start3A_42 = tpu.memref_slice %arg4[%add3A_18, %dma_start3A_41] : memref<81920x128xf32, #tpu.memory_space<hbm>> -> memref<512x128xf32, #tpu.memory_space<hbm>>
      %dma_start3A_43 = arith.constant 0 : i32
      %dma_start3A_44 = tpu.memref_slice %arg4[%add3A_18, %dma_start3A_43] : memref<81920x128xf32, #tpu.memory_space<hbm>> -> memref<512x128xf32, #tpu.memory_space<hbm>>
      tpu.enqueue_dma source(%arg6 : memref<512x128xf32, #tpu.memory_space<vmem>>) target(%dma_start3A_44 : memref<512x128xf32, #tpu.memory_space<hbm>>) target_semaphore(%run_scoped3A : memref<!tpu.dma_semaphore, #tpu.memory_space<semaphore_mem>>)
      %dma_wait3A_45 = arith.constant 0 : i32
      %dma_wait3A_46 = tpu.memref_slice %arg4[%add3A_18, %dma_wait3A_45] : memref<81920x128xf32, #tpu.memory_space<hbm>> -> memref<512x128xf32, #tpu.memory_space<hbm>>
      %dma_wait3A_47 = arith.constant 0 : i32
      %dma_wait3A_48 = tpu.memref_slice %arg4[%add3A_18, %dma_wait3A_47] : memref<81920x128xf32, #tpu.memory_space<hbm>> -> memref<512x128xf32, #tpu.memory_space<hbm>>
      tpu.wait_dma2 semaphore(%run_scoped3A : memref<!tpu.dma_semaphore, #tpu.memory_space<semaphore_mem>>) src(%arg6 : memref<512x128xf32, #tpu.memory_space<vmem>>) dst(%dma_wait3A_48 : memref<512x128xf32, #tpu.memory_space<hbm>>)
      tpu.yield
    }) : () -> ()
    %add3A_25 = arith.constant 1536 : i32
    %add3A_26 = arith.addi %mul3A_2, %add3A_25 : i32
    "tpu.region"() ({
      %run_scoped3A = tpu.sem_alloc : memref<!tpu.dma_semaphore, #tpu.memory_space<semaphore_mem>>
      %dma_start3A_41 = tpu.memref_slice %arg3[%add3A_26] : memref<81920xi32, #tpu.memory_space<hbm>> -> memref<512xi32, #tpu.memory_space<hbm>>
      %dma_start3A_42 = tpu.memref_slice %arg3[%add3A_26] : memref<81920xi32, #tpu.memory_space<hbm>> -> memref<512xi32, #tpu.memory_space<hbm>>
      tpu.enqueue_dma source(%dma_start3A_42 : memref<512xi32, #tpu.memory_space<hbm>>) target(%arg5 : memref<512xi32, #tpu.memory_space<vmem>>) target_semaphore(%run_scoped3A : memref<!tpu.dma_semaphore, #tpu.memory_space<semaphore_mem>>)
      %dma_wait3A_43 = tpu.memref_slice %arg3[%add3A_26] : memref<81920xi32, #tpu.memory_space<hbm>> -> memref<512xi32, #tpu.memory_space<hbm>>
      %dma_wait3A_44 = tpu.memref_slice %arg3[%add3A_26] : memref<81920xi32, #tpu.memory_space<hbm>> -> memref<512xi32, #tpu.memory_space<hbm>>
      tpu.wait_dma2 semaphore(%run_scoped3A : memref<!tpu.dma_semaphore, #tpu.memory_space<semaphore_mem>>) src(%dma_wait3A_44 : memref<512xi32, #tpu.memory_space<hbm>>) dst(%arg5 : memref<512xi32, #tpu.memory_space<vmem>>)
      tpu.yield
    }) : () -> ()
    %dma_start3A_27 = arith.constant 0 : i32
    %dma_start3A_28 = arith.constant 0 : i32
    %dma_start3A_29 = tpu.memref_slice %arg2[%dma_start3A_27, %dma_start3A_28] : memref<16384x128xf32, #tpu.memory_space<hbm>> -> memref<16384x128xf32, #tpu.memory_space<hbm>>
    tpu.enqueue_indirect_dma source(%dma_start3A_29 : memref<16384x128xf32, #tpu.memory_space<hbm>>) target(%arg6 : memref<512x128xf32, #tpu.memory_space<vmem>>) offsets(%arg5 : memref<512xi32, #tpu.memory_space<vmem>>) semaphore(%arg7 : memref<!tpu.dma_semaphore, #tpu.memory_space<semaphore_mem>>)
    %dma_wait3A_30 = arith.constant 0 : i32
    %dma_wait3A_31 = arith.constant 0 : i32
    %dma_wait3A_32 = tpu.memref_slice %arg2[%dma_wait3A_30, %dma_wait3A_31] : memref<16384x128xf32, #tpu.memory_space<hbm>> -> memref<16384x128xf32, #tpu.memory_space<hbm>>
    tpu.wait_indirect_dma semaphore(%arg7 : memref<!tpu.dma_semaphore, #tpu.memory_space<semaphore_mem>>) src(%dma_wait3A_32 : memref<16384x128xf32, #tpu.memory_space<hbm>>) dst(%arg6 : memref<512x128xf32, #tpu.memory_space<vmem>>)
    "tpu.region"() ({
      %run_scoped3A = tpu.sem_alloc : memref<!tpu.dma_semaphore, #tpu.memory_space<semaphore_mem>>
      %dma_start3A_41 = arith.constant 0 : i32
      %dma_start3A_42 = tpu.memref_slice %arg4[%add3A_26, %dma_start3A_41] : memref<81920x128xf32, #tpu.memory_space<hbm>> -> memref<512x128xf32, #tpu.memory_space<hbm>>
      %dma_start3A_43 = arith.constant 0 : i32
      %dma_start3A_44 = tpu.memref_slice %arg4[%add3A_26, %dma_start3A_43] : memref<81920x128xf32, #tpu.memory_space<hbm>> -> memref<512x128xf32, #tpu.memory_space<hbm>>
      tpu.enqueue_dma source(%arg6 : memref<512x128xf32, #tpu.memory_space<vmem>>) target(%dma_start3A_44 : memref<512x128xf32, #tpu.memory_space<hbm>>) target_semaphore(%run_scoped3A : memref<!tpu.dma_semaphore, #tpu.memory_space<semaphore_mem>>)
      %dma_wait3A_45 = arith.constant 0 : i32
      %dma_wait3A_46 = tpu.memref_slice %arg4[%add3A_26, %dma_wait3A_45] : memref<81920x128xf32, #tpu.memory_space<hbm>> -> memref<512x128xf32, #tpu.memory_space<hbm>>
      %dma_wait3A_47 = arith.constant 0 : i32
      %dma_wait3A_48 = tpu.memref_slice %arg4[%add3A_26, %dma_wait3A_47] : memref<81920x128xf32, #tpu.memory_space<hbm>> -> memref<512x128xf32, #tpu.memory_space<hbm>>
      tpu.wait_dma2 semaphore(%run_scoped3A : memref<!tpu.dma_semaphore, #tpu.memory_space<semaphore_mem>>) src(%arg6 : memref<512x128xf32, #tpu.memory_space<vmem>>) dst(%dma_wait3A_48 : memref<512x128xf32, #tpu.memory_space<hbm>>)
      tpu.yield
    }) : () -> ()
    %add3A_33 = arith.constant 2048 : i32
    %add3A_34 = arith.addi %mul3A_2, %add3A_33 : i32
    "tpu.region"() ({
      %run_scoped3A = tpu.sem_alloc : memref<!tpu.dma_semaphore, #tpu.memory_space<semaphore_mem>>
      %dma_start3A_41 = tpu.memref_slice %arg3[%add3A_34] : memref<81920xi32, #tpu.memory_space<hbm>> -> memref<512xi32, #tpu.memory_space<hbm>>
      %dma_start3A_42 = tpu.memref_slice %arg3[%add3A_34] : memref<81920xi32, #tpu.memory_space<hbm>> -> memref<512xi32, #tpu.memory_space<hbm>>
      tpu.enqueue_dma source(%dma_start3A_42 : memref<512xi32, #tpu.memory_space<hbm>>) target(%arg5 : memref<512xi32, #tpu.memory_space<vmem>>) target_semaphore(%run_scoped3A : memref<!tpu.dma_semaphore, #tpu.memory_space<semaphore_mem>>)
      %dma_wait3A_43 = tpu.memref_slice %arg3[%add3A_34] : memref<81920xi32, #tpu.memory_space<hbm>> -> memref<512xi32, #tpu.memory_space<hbm>>
      %dma_wait3A_44 = tpu.memref_slice %arg3[%add3A_34] : memref<81920xi32, #tpu.memory_space<hbm>> -> memref<512xi32, #tpu.memory_space<hbm>>
      tpu.wait_dma2 semaphore(%run_scoped3A : memref<!tpu.dma_semaphore, #tpu.memory_space<semaphore_mem>>) src(%dma_wait3A_44 : memref<512xi32, #tpu.memory_space<hbm>>) dst(%arg5 : memref<512xi32, #tpu.memory_space<vmem>>)
      tpu.yield
    }) : () -> ()
    %dma_start3A_35 = arith.constant 0 : i32
    %dma_start3A_36 = arith.constant 0 : i32
    %dma_start3A_37 = tpu.memref_slice %arg2[%dma_start3A_35, %dma_start3A_36] : memref<16384x128xf32, #tpu.memory_space<hbm>> -> memref<16384x128xf32, #tpu.memory_space<hbm>>
    tpu.enqueue_indirect_dma source(%dma_start3A_37 : memref<16384x128xf32, #tpu.memory_space<hbm>>) target(%arg6 : memref<512x128xf32, #tpu.memory_space<vmem>>) offsets(%arg5 : memref<512xi32, #tpu.memory_space<vmem>>) semaphore(%arg7 : memref<!tpu.dma_semaphore, #tpu.memory_space<semaphore_mem>>)
    %dma_wait3A_38 = arith.constant 0 : i32
    %dma_wait3A_39 = arith.constant 0 : i32
    %dma_wait3A_40 = tpu.memref_slice %arg2[%dma_wait3A_38, %dma_wait3A_39] : memref<16384x128xf32, #tpu.memory_space<hbm>> -> memref<16384x128xf32, #tpu.memory_space<hbm>>
    tpu.wait_indirect_dma semaphore(%arg7 : memref<!tpu.dma_semaphore, #tpu.memory_space<semaphore_mem>>) src(%dma_wait3A_40 : memref<16384x128xf32, #tpu.memory_space<hbm>>) dst(%arg6 : memref<512x128xf32, #tpu.memory_space<vmem>>)
    "tpu.region"() ({
      %run_scoped3A = tpu.sem_alloc : memref<!tpu.dma_semaphore, #tpu.memory_space<semaphore_mem>>
      %dma_start3A_41 = arith.constant 0 : i32
      %dma_start3A_42 = tpu.memref_slice %arg4[%add3A_34, %dma_start3A_41] : memref<81920x128xf32, #tpu.memory_space<hbm>> -> memref<512x128xf32, #tpu.memory_space<hbm>>
      %dma_start3A_43 = arith.constant 0 : i32
      %dma_start3A_44 = tpu.memref_slice %arg4[%add3A_34, %dma_start3A_43] : memref<81920x128xf32, #tpu.memory_space<hbm>> -> memref<512x128xf32, #tpu.memory_space<hbm>>
      tpu.enqueue_dma source(%arg6 : memref<512x128xf32, #tpu.memory_space<vmem>>) target(%dma_start3A_44 : memref<512x128xf32, #tpu.memory_space<hbm>>) target_semaphore(%run_scoped3A : memref<!tpu.dma_semaphore, #tpu.memory_space<semaphore_mem>>)
      %dma_wait3A_45 = arith.constant 0 : i32
      %dma_wait3A_46 = tpu.memref_slice %arg4[%add3A_34, %dma_wait3A_45] : memref<81920x128xf32, #tpu.memory_space<hbm>> -> memref<512x128xf32, #tpu.memory_space<hbm>>
      %dma_wait3A_47 = arith.constant 0 : i32
      %dma_wait3A_48 = tpu.memref_slice %arg4[%add3A_34, %dma_wait3A_47] : memref<81920x128xf32, #tpu.memory_space<hbm>> -> memref<512x128xf32, #tpu.memory_space<hbm>>
      tpu.wait_dma2 semaphore(%run_scoped3A : memref<!tpu.dma_semaphore, #tpu.memory_space<semaphore_mem>>) src(%arg6 : memref<512x128xf32, #tpu.memory_space<vmem>>) dst(%dma_wait3A_48 : memref<512x128xf32, #tpu.memory_space<hbm>>)
      tpu.yield
    }) : () -> ()
    return
  }
}

#map = affine_map<(d0, d1) -> (0, 0)>
#map1 = affine_map<(d0, d1) -> (0)>
module attributes {stable_mosaic.version = 14 : i64} {
  func.func @k(%arg0: i32, %arg1: i32, %arg2: memref<16384x128xf32, #tpu.memory_space<hbm>>, %arg3: memref<81920xi32, #tpu.memory_space<hbm>>, %arg4: memref<81920x128xf32, #tpu.memory_space<hbm>>, %arg5: memref<512xi32, #tpu.memory_space<vmem>>, %arg6: memref<512x128xf32, #tpu.memory_space<vmem>>, %arg7: memref<!tpu.dma_semaphore, #tpu.memory_space<semaphore_mem>>) attributes {dimension_semantics = [#tpu.dimension_semantics<core_parallel>, #tpu.dimension_semantics<subcore_parallel>], iteration_bounds = array<i64: 2, 16>, scalar_prefetch = 0 : i64, scratch_operands = 3 : i64, tpu.core_type = #tpu.core_type<sc_vector_subcore>, window_params = [{transform_indices = #map}, {transform_indices = #map1}, {transform_indices = #map}]} {
    %mul3A = arith.constant 2 : i32
    %mul3A_0 = arith.muli %arg1, %mul3A : i32
    %add3A = arith.addi %mul3A_0, %arg0 : i32
    %mul3A_1 = arith.constant 2560 : i32
    %mul3A_2 = arith.muli %add3A, %mul3A_1 : i32
    %add3A_3 = arith.constant 0 : i32
    %add3A_4 = arith.addi %mul3A_2, %add3A_3 : i32
    "tpu.region"() ({
      %run_scoped3A = tpu.sem_alloc : memref<!tpu.dma_semaphore, #tpu.memory_space<semaphore_mem>>
      %dma_start3A_41 = tpu.memref_slice %arg3[%add3A_4] : memref<81920xi32, #tpu.memory_space<hbm>> -> memref<512xi32, #tpu.memory_space<hbm>>
      %dma_start3A_42 = tpu.memref_slice %arg3[%add3A_4] : memref<81920xi32, #tpu.memory_space<hbm>> -> memref<512xi32, #tpu.memory_space<hbm>>
      tpu.enqueue_dma source(%dma_start3A_42 : memref<512xi32, #tpu.memory_space<hbm>>) target(%arg5 : memref<512xi32, #tpu.memory_space<vmem>>) target_semaphore(%run_scoped3A : memref<!tpu.dma_semaphore, #tpu.memory_space<semaphore_mem>>)
      %dma_wait3A_43 = tpu.memref_slice %arg3[%add3A_4] : memref<81920xi32, #tpu.memory_space<hbm>> -> memref<512xi32, #tpu.memory_space<hbm>>
      %dma_wait3A_44 = tpu.memref_slice %arg3[%add3A_4] : memref<81920xi32, #tpu.memory_space<hbm>> -> memref<512xi32, #tpu.memory_space<hbm>>
      tpu.wait_dma2 semaphore(%run_scoped3A : memref<!tpu.dma_semaphore, #tpu.memory_space<semaphore_mem>>) src(%dma_wait3A_44 : memref<512xi32, #tpu.memory_space<hbm>>) dst(%arg5 : memref<512xi32, #tpu.memory_space<vmem>>)
      tpu.yield
    }) : () -> ()
    %dma_start3A = arith.constant 0 : i32
    %dma_start3A_5 = arith.constant 0 : i32
    %dma_start3A_6 = tpu.memref_slice %arg2[%dma_start3A, %dma_start3A_5] : memref<16384x128xf32, #tpu.memory_space<hbm>> -> memref<16384x128xf32, #tpu.memory_space<hbm>>
    tpu.enqueue_indirect_dma source(%dma_start3A_6 : memref<16384x128xf32, #tpu.memory_space<hbm>>) target(%arg6 : memref<512x128xf32, #tpu.memory_space<vmem>>) offsets(%arg5 : memref<512xi32, #tpu.memory_space<vmem>>) semaphore(%arg7 : memref<!tpu.dma_semaphore, #tpu.memory_space<semaphore_mem>>)
    %dma_wait3A = arith.constant 0 : i32
    %dma_wait3A_7 = arith.constant 0 : i32
    %dma_wait3A_8 = tpu.memref_slice %arg2[%dma_wait3A, %dma_wait3A_7] : memref<16384x128xf32, #tpu.memory_space<hbm>> -> memref<16384x128xf32, #tpu.memory_space<hbm>>
    tpu.wait_indirect_dma semaphore(%arg7 : memref<!tpu.dma_semaphore, #tpu.memory_space<semaphore_mem>>) src(%dma_wait3A_8 : memref<16384x128xf32, #tpu.memory_space<hbm>>) dst(%arg6 : memref<512x128xf32, #tpu.memory_space<vmem>>)
    "tpu.region"() ({
      %run_scoped3A = tpu.sem_alloc : memref<!tpu.dma_semaphore, #tpu.memory_space<semaphore_mem>>
      %dma_start3A_41 = arith.constant 0 : i32
      %dma_start3A_42 = tpu.memref_slice %arg4[%add3A_4, %dma_start3A_41] : memref<81920x128xf32, #tpu.memory_space<hbm>> -> memref<512x128xf32, #tpu.memory_space<hbm>>
      %dma_start3A_43 = arith.constant 0 : i32
      %dma_start3A_44 = tpu.memref_slice %arg4[%add3A_4, %dma_start3A_43] : memref<81920x128xf32, #tpu.memory_space<hbm>> -> memref<512x128xf32, #tpu.memory_space<hbm>>
      tpu.enqueue_dma source(%arg6 : memref<512x128xf32, #tpu.memory_space<vmem>>) target(%dma_start3A_44 : memref<512x128xf32, #tpu.memory_space<hbm>>) target_semaphore(%run_scoped3A : memref<!tpu.dma_semaphore, #tpu.memory_space<semaphore_mem>>)
      %dma_wait3A_45 = arith.constant 0 : i32
      %dma_wait3A_46 = tpu.memref_slice %arg4[%add3A_4, %dma_wait3A_45] : memref<81920x128xf32, #tpu.memory_space<hbm>> -> memref<512x128xf32, #tpu.memory_space<hbm>>
      %dma_wait3A_47 = arith.constant 0 : i32
      %dma_wait3A_48 = tpu.memref_slice %arg4[%add3A_4, %dma_wait3A_47] : memref<81920x128xf32, #tpu.memory_space<hbm>> -> memref<512x128xf32, #tpu.memory_space<hbm>>
      tpu.wait_dma2 semaphore(%run_scoped3A : memref<!tpu.dma_semaphore, #tpu.memory_space<semaphore_mem>>) src(%arg6 : memref<512x128xf32, #tpu.memory_space<vmem>>) dst(%dma_wait3A_48 : memref<512x128xf32, #tpu.memory_space<hbm>>)
      tpu.yield
    }) : () -> ()
    %add3A_9 = arith.constant 512 : i32
    %add3A_10 = arith.addi %mul3A_2, %add3A_9 : i32
    "tpu.region"() ({
      %run_scoped3A = tpu.sem_alloc : memref<!tpu.dma_semaphore, #tpu.memory_space<semaphore_mem>>
      %dma_start3A_41 = tpu.memref_slice %arg3[%add3A_10] : memref<81920xi32, #tpu.memory_space<hbm>> -> memref<512xi32, #tpu.memory_space<hbm>>
      %dma_start3A_42 = tpu.memref_slice %arg3[%add3A_10] : memref<81920xi32, #tpu.memory_space<hbm>> -> memref<512xi32, #tpu.memory_space<hbm>>
      tpu.enqueue_dma source(%dma_start3A_42 : memref<512xi32, #tpu.memory_space<hbm>>) target(%arg5 : memref<512xi32, #tpu.memory_space<vmem>>) target_semaphore(%run_scoped3A : memref<!tpu.dma_semaphore, #tpu.memory_space<semaphore_mem>>)
      %dma_wait3A_43 = tpu.memref_slice %arg3[%add3A_10] : memref<81920xi32, #tpu.memory_space<hbm>> -> memref<512xi32, #tpu.memory_space<hbm>>
      %dma_wait3A_44 = tpu.memref_slice %arg3[%add3A_10] : memref<81920xi32, #tpu.memory_space<hbm>> -> memref<512xi32, #tpu.memory_space<hbm>>
      tpu.wait_dma2 semaphore(%run_scoped3A : memref<!tpu.dma_semaphore, #tpu.memory_space<semaphore_mem>>) src(%dma_wait3A_44 : memref<512xi32, #tpu.memory_space<hbm>>) dst(%arg5 : memref<512xi32, #tpu.memory_space<vmem>>)
      tpu.yield
    }) : () -> ()
    %dma_start3A_11 = arith.constant 0 : i32
    %dma_start3A_12 = arith.constant 0 : i32
    %dma_start3A_13 = tpu.memref_slice %arg2[%dma_start3A_11, %dma_start3A_12] : memref<16384x128xf32, #tpu.memory_space<hbm>> -> memref<16384x128xf32, #tpu.memory_space<hbm>>
    tpu.enqueue_indirect_dma source(%dma_start3A_13 : memref<16384x128xf32, #tpu.memory_space<hbm>>) target(%arg6 : memref<512x128xf32, #tpu.memory_space<vmem>>) offsets(%arg5 : memref<512xi32, #tpu.memory_space<vmem>>) semaphore(%arg7 : memref<!tpu.dma_semaphore, #tpu.memory_space<semaphore_mem>>)
    %dma_wait3A_14 = arith.constant 0 : i32
    %dma_wait3A_15 = arith.constant 0 : i32
    %dma_wait3A_16 = tpu.memref_slice %arg2[%dma_wait3A_14, %dma_wait3A_15] : memref<16384x128xf32, #tpu.memory_space<hbm>> -> memref<16384x128xf32, #tpu.memory_space<hbm>>
    tpu.wait_indirect_dma semaphore(%arg7 : memref<!tpu.dma_semaphore, #tpu.memory_space<semaphore_mem>>) src(%dma_wait3A_16 : memref<16384x128xf32, #tpu.memory_space<hbm>>) dst(%arg6 : memref<512x128xf32, #tpu.memory_space<vmem>>)
    "tpu.region"() ({
      %run_scoped3A = tpu.sem_alloc : memref<!tpu.dma_semaphore, #tpu.memory_space<semaphore_mem>>
      %dma_start3A_41 = arith.constant 0 : i32
      %dma_start3A_42 = tpu.memref_slice %arg4[%add3A_10, %dma_start3A_41] : memref<81920x128xf32, #tpu.memory_space<hbm>> -> memref<512x128xf32, #tpu.memory_space<hbm>>
      %dma_start3A_43 = arith.constant 0 : i32
      %dma_start3A_44 = tpu.memref_slice %arg4[%add3A_10, %dma_start3A_43] : memref<81920x128xf32, #tpu.memory_space<hbm>> -> memref<512x128xf32, #tpu.memory_space<hbm>>
      tpu.enqueue_dma source(%arg6 : memref<512x128xf32, #tpu.memory_space<vmem>>) target(%dma_start3A_44 : memref<512x128xf32, #tpu.memory_space<hbm>>) target_semaphore(%run_scoped3A : memref<!tpu.dma_semaphore, #tpu.memory_space<semaphore_mem>>)
      %dma_wait3A_45 = arith.constant 0 : i32
      %dma_wait3A_46 = tpu.memref_slice %arg4[%add3A_10, %dma_wait3A_45] : memref<81920x128xf32, #tpu.memory_space<hbm>> -> memref<512x128xf32, #tpu.memory_space<hbm>>
      %dma_wait3A_47 = arith.constant 0 : i32
      %dma_wait3A_48 = tpu.memref_slice %arg4[%add3A_10, %dma_wait3A_47] : memref<81920x128xf32, #tpu.memory_space<hbm>> -> memref<512x128xf32, #tpu.memory_space<hbm>>
      tpu.wait_dma2 semaphore(%run_scoped3A : memref<!tpu.dma_semaphore, #tpu.memory_space<semaphore_mem>>) src(%arg6 : memref<512x128xf32, #tpu.memory_space<vmem>>) dst(%dma_wait3A_48 : memref<512x128xf32, #tpu.memory_space<hbm>>)
      tpu.yield
    }) : () -> ()
    %add3A_17 = arith.constant 1024 : i32
    %add3A_18 = arith.addi %mul3A_2, %add3A_17 : i32
    "tpu.region"() ({
      %run_scoped3A = tpu.sem_alloc : memref<!tpu.dma_semaphore, #tpu.memory_space<semaphore_mem>>
      %dma_start3A_41 = tpu.memref_slice %arg3[%add3A_18] : memref<81920xi32, #tpu.memory_space<hbm>> -> memref<512xi32, #tpu.memory_space<hbm>>
      %dma_start3A_42 = tpu.memref_slice %arg3[%add3A_18] : memref<81920xi32, #tpu.memory_space<hbm>> -> memref<512xi32, #tpu.memory_space<hbm>>
      tpu.enqueue_dma source(%dma_start3A_42 : memref<512xi32, #tpu.memory_space<hbm>>) target(%arg5 : memref<512xi32, #tpu.memory_space<vmem>>) target_semaphore(%run_scoped3A : memref<!tpu.dma_semaphore, #tpu.memory_space<semaphore_mem>>)
      %dma_wait3A_43 = tpu.memref_slice %arg3[%add3A_18] : memref<81920xi32, #tpu.memory_space<hbm>> -> memref<512xi32, #tpu.memory_space<hbm>>
      %dma_wait3A_44 = tpu.memref_slice %arg3[%add3A_18] : memref<81920xi32, #tpu.memory_space<hbm>> -> memref<512xi32, #tpu.memory_space<hbm>>
      tpu.wait_dma2 semaphore(%run_scoped3A : memref<!tpu.dma_semaphore, #tpu.memory_space<semaphore_mem>>) src(%dma_wait3A_44 : memref<512xi32, #tpu.memory_space<hbm>>) dst(%arg5 : memref<512xi32, #tpu.memory_space<vmem>>)
      tpu.yield
    }) : () -> ()
    %dma_start3A_19 = arith.constant 0 : i32
    %dma_start3A_20 = arith.constant 0 : i32
    %dma_start3A_21 = tpu.memref_slice %arg2[%dma_start3A_19, %dma_start3A_20] : memref<16384x128xf32, #tpu.memory_space<hbm>> -> memref<16384x128xf32, #tpu.memory_space<hbm>>
    tpu.enqueue_indirect_dma source(%dma_start3A_21 : memref<16384x128xf32, #tpu.memory_space<hbm>>) target(%arg6 : memref<512x128xf32, #tpu.memory_space<vmem>>) offsets(%arg5 : memref<512xi32, #tpu.memory_space<vmem>>) semaphore(%arg7 : memref<!tpu.dma_semaphore, #tpu.memory_space<semaphore_mem>>)
    %dma_wait3A_22 = arith.constant 0 : i32
    %dma_wait3A_23 = arith.constant 0 : i32
    %dma_wait3A_24 = tpu.memref_slice %arg2[%dma_wait3A_22, %dma_wait3A_23] : memref<16384x128xf32, #tpu.memory_space<hbm>> -> memref<16384x128xf32, #tpu.memory_space<hbm>>
    tpu.wait_indirect_dma semaphore(%arg7 : memref<!tpu.dma_semaphore, #tpu.memory_space<semaphore_mem>>) src(%dma_wait3A_24 : memref<16384x128xf32, #tpu.memory_space<hbm>>) dst(%arg6 : memref<512x128xf32, #tpu.memory_space<vmem>>)
    "tpu.region"() ({
      %run_scoped3A = tpu.sem_alloc : memref<!tpu.dma_semaphore, #tpu.memory_space<semaphore_mem>>
      %dma_start3A_41 = arith.constant 0 : i32
      %dma_start3A_42 = tpu.memref_slice %arg4[%add3A_18, %dma_start3A_41] : memref<81920x128xf32, #tpu.memory_space<hbm>> -> memref<512x128xf32, #tpu.memory_space<hbm>>
      %dma_start3A_43 = arith.constant 0 : i32
      %dma_start3A_44 = tpu.memref_slice %arg4[%add3A_18, %dma_start3A_43] : memref<81920x128xf32, #tpu.memory_space<hbm>> -> memref<512x128xf32, #tpu.memory_space<hbm>>
      tpu.enqueue_dma source(%arg6 : memref<512x128xf32, #tpu.memory_space<vmem>>) target(%dma_start3A_44 : memref<512x128xf32, #tpu.memory_space<hbm>>) target_semaphore(%run_scoped3A : memref<!tpu.dma_semaphore, #tpu.memory_space<semaphore_mem>>)
      %dma_wait3A_45 = arith.constant 0 : i32
      %dma_wait3A_46 = tpu.memref_slice %arg4[%add3A_18, %dma_wait3A_45] : memref<81920x128xf32, #tpu.memory_space<hbm>> -> memref<512x128xf32, #tpu.memory_space<hbm>>
      %dma_wait3A_47 = arith.constant 0 : i32
      %dma_wait3A_48 = tpu.memref_slice %arg4[%add3A_18, %dma_wait3A_47] : memref<81920x128xf32, #tpu.memory_space<hbm>> -> memref<512x128xf32, #tpu.memory_space<hbm>>
      tpu.wait_dma2 semaphore(%run_scoped3A : memref<!tpu.dma_semaphore, #tpu.memory_space<semaphore_mem>>) src(%arg6 : memref<512x128xf32, #tpu.memory_space<vmem>>) dst(%dma_wait3A_48 : memref<512x128xf32, #tpu.memory_space<hbm>>)
      tpu.yield
    }) : () -> ()
    %add3A_25 = arith.constant 1536 : i32
    %add3A_26 = arith.addi %mul3A_2, %add3A_25 : i32
    "tpu.region"() ({
      %run_scoped3A = tpu.sem_alloc : memref<!tpu.dma_semaphore, #tpu.memory_space<semaphore_mem>>
      %dma_start3A_41 = tpu.memref_slice %arg3[%add3A_26] : memref<81920xi32, #tpu.memory_space<hbm>> -> memref<512xi32, #tpu.memory_space<hbm>>
      %dma_start3A_42 = tpu.memref_slice %arg3[%add3A_26] : memref<81920xi32, #tpu.memory_space<hbm>> -> memref<512xi32, #tpu.memory_space<hbm>>
      tpu.enqueue_dma source(%dma_start3A_42 : memref<512xi32, #tpu.memory_space<hbm>>) target(%arg5 : memref<512xi32, #tpu.memory_space<vmem>>) target_semaphore(%run_scoped3A : memref<!tpu.dma_semaphore, #tpu.memory_space<semaphore_mem>>)
      %dma_wait3A_43 = tpu.memref_slice %arg3[%add3A_26] : memref<81920xi32, #tpu.memory_space<hbm>> -> memref<512xi32, #tpu.memory_space<hbm>>
      %dma_wait3A_44 = tpu.memref_slice %arg3[%add3A_26] : memref<81920xi32, #tpu.memory_space<hbm>> -> memref<512xi32, #tpu.memory_space<hbm>>
      tpu.wait_dma2 semaphore(%run_scoped3A : memref<!tpu.dma_semaphore, #tpu.memory_space<semaphore_mem>>) src(%dma_wait3A_44 : memref<512xi32, #tpu.memory_space<hbm>>) dst(%arg5 : memref<512xi32, #tpu.memory_space<vmem>>)
      tpu.yield
    }) : () -> ()
    %dma_start3A_27 = arith.constant 0 : i32
    %dma_start3A_28 = arith.constant 0 : i32
    %dma_start3A_29 = tpu.memref_slice %arg2[%dma_start3A_27, %dma_start3A_28] : memref<16384x128xf32, #tpu.memory_space<hbm>> -> memref<16384x128xf32, #tpu.memory_space<hbm>>
    tpu.enqueue_indirect_dma source(%dma_start3A_29 : memref<16384x128xf32, #tpu.memory_space<hbm>>) target(%arg6 : memref<512x128xf32, #tpu.memory_space<vmem>>) offsets(%arg5 : memref<512xi32, #tpu.memory_space<vmem>>) semaphore(%arg7 : memref<!tpu.dma_semaphore, #tpu.memory_space<semaphore_mem>>)
    %dma_wait3A_30 = arith.constant 0 : i32
    %dma_wait3A_31 = arith.constant 0 : i32
    %dma_wait3A_32 = tpu.memref_slice %arg2[%dma_wait3A_30, %dma_wait3A_31] : memref<16384x128xf32, #tpu.memory_space<hbm>> -> memref<16384x128xf32, #tpu.memory_space<hbm>>
    tpu.wait_indirect_dma semaphore(%arg7 : memref<!tpu.dma_semaphore, #tpu.memory_space<semaphore_mem>>) src(%dma_wait3A_32 : memref<16384x128xf32, #tpu.memory_space<hbm>>) dst(%arg6 : memref<512x128xf32, #tpu.memory_space<vmem>>)
    "tpu.region"() ({
      %run_scoped3A = tpu.sem_alloc : memref<!tpu.dma_semaphore, #tpu.memory_space<semaphore_mem>>
      %dma_start3A_41 = arith.constant 0 : i32
      %dma_start3A_42 = tpu.memref_slice %arg4[%add3A_26, %dma_start3A_41] : memref<81920x128xf32, #tpu.memory_space<hbm>> -> memref<512x128xf32, #tpu.memory_space<hbm>>
      %dma_start3A_43 = arith.constant 0 : i32
      %dma_start3A_44 = tpu.memref_slice %arg4[%add3A_26, %dma_start3A_43] : memref<81920x128xf32, #tpu.memory_space<hbm>> -> memref<512x128xf32, #tpu.memory_space<hbm>>
      tpu.enqueue_dma source(%arg6 : memref<512x128xf32, #tpu.memory_space<vmem>>) target(%dma_start3A_44 : memref<512x128xf32, #tpu.memory_space<hbm>>) target_semaphore(%run_scoped3A : memref<!tpu.dma_semaphore, #tpu.memory_space<semaphore_mem>>)
      %dma_wait3A_45 = arith.constant 0 : i32
      %dma_wait3A_46 = tpu.memref_slice %arg4[%add3A_26, %dma_wait3A_45] : memref<81920x128xf32, #tpu.memory_space<hbm>> -> memref<512x128xf32, #tpu.memory_space<hbm>>
      %dma_wait3A_47 = arith.constant 0 : i32
      %dma_wait3A_48 = tpu.memref_slice %arg4[%add3A_26, %dma_wait3A_47] : memref<81920x128xf32, #tpu.memory_space<hbm>> -> memref<512x128xf32, #tpu.memory_space<hbm>>
      tpu.wait_dma2 semaphore(%run_scoped3A : memref<!tpu.dma_semaphore, #tpu.memory_space<semaphore_mem>>) src(%arg6 : memref<512x128xf32, #tpu.memory_space<vmem>>) dst(%dma_wait3A_48 : memref<512x128xf32, #tpu.memory_space<hbm>>)
      tpu.yield
    }) : () -> ()
    %add3A_33 = arith.constant 2048 : i32
    %add3A_34 = arith.addi %mul3A_2, %add3A_33 : i32
    "tpu.region"() ({
      %run_scoped3A = tpu.sem_alloc : memref<!tpu.dma_semaphore, #tpu.memory_space<semaphore_mem>>
      %dma_start3A_41 = tpu.memref_slice %arg3[%add3A_34] : memref<81920xi32, #tpu.memory_space<hbm>> -> memref<512xi32, #tpu.memory_space<hbm>>
      %dma_start3A_42 = tpu.memref_slice %arg3[%add3A_34] : memref<81920xi32, #tpu.memory_space<hbm>> -> memref<512xi32, #tpu.memory_space<hbm>>
      tpu.enqueue_dma source(%dma_start3A_42 : memref<512xi32, #tpu.memory_space<hbm>>) target(%arg5 : memref<512xi32, #tpu.memory_space<vmem>>) target_semaphore(%run_scoped3A : memref<!tpu.dma_semaphore, #tpu.memory_space<semaphore_mem>>)
      %dma_wait3A_43 = tpu.memref_slice %arg3[%add3A_34] : memref<81920xi32, #tpu.memory_space<hbm>> -> memref<512xi32, #tpu.memory_space<hbm>>
      %dma_wait3A_44 = tpu.memref_slice %arg3[%add3A_34] : memref<81920xi32, #tpu.memory_space<hbm>> -> memref<512xi32, #tpu.memory_space<hbm>>
      tpu.wait_dma2 semaphore(%run_scoped3A : memref<!tpu.dma_semaphore, #tpu.memory_space<semaphore_mem>>) src(%dma_wait3A_44 : memref<512xi32, #tpu.memory_space<hbm>>) dst(%arg5 : memref<512xi32, #tpu.memory_space<vmem>>)
      tpu.yield
    }) : () -> ()
    %dma_start3A_35 = arith.constant 0 : i32
    %dma_start3A_36 = arith.constant 0 : i32
    %dma_start3A_37 = tpu.memref_slice %arg2[%dma_start3A_35, %dma_start3A_36] : memref<16384x128xf32, #tpu.memory_space<hbm>> -> memref<16384x128xf32, #tpu.memory_space<hbm>>
    tpu.enqueue_indirect_dma source(%dma_start3A_37 : memref<16384x128xf32, #tpu.memory_space<hbm>>) target(%arg6 : memref<512x128xf32, #tpu.memory_space<vmem>>) offsets(%arg5 : memref<512xi32, #tpu.memory_space<vmem>>) semaphore(%arg7 : memref<!tpu.dma_semaphore, #tpu.memory_space<semaphore_mem>>)
    %dma_wait3A_38 = arith.constant 0 : i32
    %dma_wait3A_39 = arith.constant 0 : i32
    %dma_wait3A_40 = tpu.memref_slice %arg2[%dma_wait3A_38, %dma_wait3A_39] : memref<16384x128xf32, #tpu.memory_space<hbm>> -> memref<16384x128xf32, #tpu.memory_space<hbm>>
    tpu.wait_indirect_dma semaphore(%arg7 : memref<!tpu.dma_semaphore, #tpu.memory_space<semaphore_mem>>) src(%dma_wait3A_40 : memref<16384x128xf32, #tpu.memory_space<hbm>>) dst(%arg6 : memref<512x128xf32, #tpu.memory_space<vmem>>)
    "tpu.region"() ({
      %run_scoped3A = tpu.sem_alloc : memref<!tpu.dma_semaphore, #tpu.memory_space<semaphore_mem>>
      %dma_start3A_41 = arith.constant 0 : i32
      %dma_start3A_42 = tpu.memref_slice %arg4[%add3A_34, %dma_start3A_41] : memref<81920x128xf32, #tpu.memory_space<hbm>> -> memref<512x128xf32, #tpu.memory_space<hbm>>
      %dma_start3A_43 = arith.constant 0 : i32
      %dma_start3A_44 = tpu.memref_slice %arg4[%add3A_34, %dma_start3A_43] : memref<81920x128xf32, #tpu.memory_space<hbm>> -> memref<512x128xf32, #tpu.memory_space<hbm>>
      tpu.enqueue_dma source(%arg6 : memref<512x128xf32, #tpu.memory_space<vmem>>) target(%dma_start3A_44 : memref<512x128xf32, #tpu.memory_space<hbm>>) target_semaphore(%run_scoped3A : memref<!tpu.dma_semaphore, #tpu.memory_space<semaphore_mem>>)
      %dma_wait3A_45 = arith.constant 0 : i32
      %dma_wait3A_46 = tpu.memref_slice %arg4[%add3A_34, %dma_wait3A_45] : memref<81920x128xf32, #tpu.memory_space<hbm>> -> memref<512x128xf32, #tpu.memory_space<hbm>>
      %dma_wait3A_47 = arith.constant 0 : i32
      %dma_wait3A_48 = tpu.memref_slice %arg4[%add3A_34, %dma_wait3A_47] : memref<81920x128xf32, #tpu.memory_space<hbm>> -> memref<512x128xf32, #tpu.memory_space<hbm>>
      tpu.wait_dma2 semaphore(%run_scoped3A : memref<!tpu.dma_semaphore, #tpu.memory_space<semaphore_mem>>) src(%arg6 : memref<512x128xf32, #tpu.memory_space<vmem>>) dst(%dma_wait3A_48 : memref<512x128xf32, #tpu.memory_space<hbm>>)
      tpu.yield
    }) : () -> ()
    return
  }
}

module attributes {stable_mosaic.version = 14 : i64} {
  func.func @_k1_body(%arg0: i32, %arg1: memref<1x1024x4xf32, #tpu.memory_space<vmem>>, %arg2: memref<4x128xf32, #tpu.memory_space<vmem>>, %arg3: memref<4x128xf32, #tpu.memory_space<vmem>>, %arg4: memref<1x128xf32, #tpu.memory_space<vmem>>, %arg5: memref<1x1x8xf32, #tpu.memory_space<vmem>>, %arg6: memref<1x1024x128xf32, #tpu.memory_space<vmem>>, %arg7: memref<1x1024x128xf32, #tpu.memory_space<vmem>>, %arg8: memref<5x1x1x1024xi32, #tpu.memory_space<vmem>>) attributes {dimension_semantics = [#tpu.dimension_semantics<arbitrary>], iteration_bounds = array<i64: 16>, scalar_prefetch = 0 : i64, scratch_operands = 0 : i64, tpu.core_type = #tpu.core_type<tc>, window_params = [{transform_indices = @transform_0, window_bounds = array<i64: 1, 1024, 4>}, {pipeline_mode = #tpu.pipeline_mode<synchronous>, transform_indices = @transform_1, window_bounds = array<i64: 4, 128>}, {pipeline_mode = #tpu.pipeline_mode<synchronous>, transform_indices = @transform_2, window_bounds = array<i64: 4, 128>}, {pipeline_mode = #tpu.pipeline_mode<synchronous>, transform_indices = @transform_3, window_bounds = array<i64: 1, 128>}, {transform_indices = @transform_4, window_bounds = array<i64: 1, 1, 8>}, {transform_indices = @transform_5, window_bounds = array<i64: 1, 1024, 128>}, {transform_indices = @transform_6, window_bounds = array<i64: 1, 1024, 128>}, {transform_indices = @transform_7, window_bounds = array<i64: 5, 1, 1, 1024>}]} {
    %get3A = arith.constant 0 : index
    %get3A_0 = arith.constant 0 : index
    %get3A_1 = arith.constant 0 : index
    %get3A_2 = vector.load %arg1[%get3A, %get3A_0, %get3A_1] : memref<1x1024x4xf32, #tpu.memory_space<vmem>>, vector<1x1024x4xf32>
    %get3A_3 = vector.shape_cast %get3A_2 : vector<1x1024x4xf32> to vector<1024x4xf32>
    %mul3A = arith.mulf %get3A_3, %get3A_3 : vector<1024x4xf32>
    %reduce_sum3A = arith.constant dense<0.000000e+00> : vector<1024xf32>
    %reduce_sum3A_4 = vector.multi_reduction <add>, %mul3A, %reduce_sum3A [1] : vector<1024x4xf32> to vector<1024xf32>
    %dot_general3A = arith.constant dense<0.000000e+00> : vector<1024x1024xf32>
    %dot_general3A_5 = tpu.matmul %get3A_3, %get3A_3, %dot_general3A {dimension_numbers = #tpu.dot_dimension_numbers<[1], [1], [0], [0], [0, 0, 1, 0], [], []>, transpose_lhs_hint = false} : vector<1024x4xf32>, vector<1024x4xf32>, vector<1024x1024xf32> -> vector<1024x1024xf32>
    %broadcast_in_dim3A = vector.shape_cast %reduce_sum3A_4 : vector<1024xf32> to vector<1024x1xf32>
    %mul3A_6 = arith.constant 2.000000e+00 : f32
    %mul3A_7 = vector.broadcast %mul3A_6 : f32 to vector<1024x1024xf32>
    %mul3A_8 = arith.mulf %mul3A_7, %dot_general3A_5 : vector<1024x1024xf32>
    %sub3A = vector.broadcast %broadcast_in_dim3A : vector<1024x1xf32> to vector<1024x1024xf32>
    %sub3A_9 = arith.subf %sub3A, %mul3A_8 : vector<1024x1024xf32>
    %broadcast_in_dim3A_10 = vector.shape_cast %reduce_sum3A_4 : vector<1024xf32> to vector<1x1024xf32>
    %add3A = vector.broadcast %broadcast_in_dim3A_10 : vector<1x1024xf32> to vector<1024x1024xf32>
    %add3A_11 = arith.addf %sub3A_9, %add3A : vector<1024x1024xf32>
    %iota3A = tpu.iota {dimensions = array<i32: 0>} : vector<1024x1024xi32>
    %iota3A_12 = tpu.iota {dimensions = array<i32: 1>} : vector<1024x1024xi32>
    %eq3A = arith.cmpi eq, %iota3A, %iota3A_12 : vector<1024x1024xi32>
    %add3A_13 = arith.constant 1.000000e+09 : f32
    %add3A_14 = vector.broadcast %add3A_13 : f32 to vector<1024x1024xf32>
    %add3A_15 = arith.addf %add3A_11, %add3A_14 : vector<1024x1024xf32>
    %select_n3A = arith.select %eq3A, %add3A_15, %add3A_11 : vector<1024x1024xi1>, vector<1024x1024xf32>
    %bitcast_convert_type3A = tpu.bitcast %select_n3A : vector<1024x1024xf32> -> vector<1024x1024xi32>
    %shift_right_arithmetic3A = arith.constant 31 : i32
    %shift_right_arithmetic3A_16 = vector.broadcast %shift_right_arithmetic3A : i32 to vector<1024x1024xi32>
    %shift_right_arithmetic3A_17 = arith.shrsi %bitcast_convert_type3A, %shift_right_arithmetic3A_16 : vector<1024x1024xi32>
    %and3A = arith.constant 2147483647 : i32
    %and3A_18 = vector.broadcast %and3A : i32 to vector<1024x1024xi32>
    %and3A_19 = arith.andi %shift_right_arithmetic3A_17, %and3A_18 : vector<1024x1024xi32>
    %xor3A = arith.xori %bitcast_convert_type3A, %and3A_19 : vector<1024x1024xi32>
    %reduce_min3A = arith.constant dense<2147483647> : vector<1024xi32>
    %reduce_min3A_20 = vector.multi_reduction <minsi>, %xor3A, %reduce_min3A [1] : vector<1024x1024xi32> to vector<1024xi32>
    %broadcast_in_dim3A_21 = vector.shape_cast %reduce_min3A_20 : vector<1024xi32> to vector<1024x1xi32>
    %reduce_max3A = arith.constant dense<-2147483648> : vector<1024xi32>
    %reduce_max3A_22 = vector.multi_reduction <maxsi>, %xor3A, %reduce_max3A [1] : vector<1024x1024xi32> to vector<1024xi32>
    %broadcast_in_dim3A_23 = vector.shape_cast %reduce_max3A_22 : vector<1024xi32> to vector<1024x1xi32>
    %scan3A = arith.constant 0 : i32
    %scan3A_24 = arith.constant 32 : i32
    %scan3A_25 = arith.addi %scan3A, %scan3A_24 : i32
    %scan3A_26 = arith.constant 1 : i32
    %scan3A_27:2 = scf.for %scan3A_348 = %scan3A to %scan3A_25 step %scan3A_26 iter_args(%scan3A_349 = %broadcast_in_dim3A_21, %scan3A_350 = %broadcast_in_dim3A_23) -> (vector<1024x1xi32>, vector<1024x1xi32>)  : i32 {
      %shift_right_arithmetic3A_351 = arith.constant 1 : i32
      %shift_right_arithmetic3A_352 = vector.broadcast %shift_right_arithmetic3A_351 : i32 to vector<1024x1xi32>
      %shift_right_arithmetic3A_353 = arith.shrsi %scan3A_349, %shift_right_arithmetic3A_352 : vector<1024x1xi32>
      %shift_right_arithmetic3A_354 = arith.constant 1 : i32
      %shift_right_arithmetic3A_355 = vector.broadcast %shift_right_arithmetic3A_354 : i32 to vector<1024x1xi32>
      %shift_right_arithmetic3A_356 = arith.shrsi %scan3A_350, %shift_right_arithmetic3A_355 : vector<1024x1xi32>
      %add3A_357 = arith.addi %shift_right_arithmetic3A_353, %shift_right_arithmetic3A_356 : vector<1024x1xi32>
      %and3A_358 = arith.andi %scan3A_349, %scan3A_350 : vector<1024x1xi32>
      %and3A_359 = arith.constant 1 : i32
      %and3A_360 = vector.broadcast %and3A_359 : i32 to vector<1024x1xi32>
      %and3A_361 = arith.andi %and3A_358, %and3A_360 : vector<1024x1xi32>
      %add3A_362 = arith.addi %add3A_357, %and3A_361 : vector<1024x1xi32>
      %le3A_363 = vector.broadcast %add3A_362 : vector<1024x1xi32> to vector<1024x1024xi32>
      %le3A_364 = arith.cmpi sle, %xor3A, %le3A_363 : vector<1024x1024xi32>
      %convert_element_type3A_365 = arith.extui %le3A_364 : vector<1024x1024xi1> to vector<1024x1024xi32>
      %reduce_sum3A_366 = arith.constant dense<0> : vector<1024xi32>
      %reduce_sum3A_367 = vector.multi_reduction <add>, %convert_element_type3A_365, %reduce_sum3A_366 [1] : vector<1024x1024xi32> to vector<1024xi32>
      %broadcast_in_dim3A_368 = vector.shape_cast %reduce_sum3A_367 : vector<1024xi32> to vector<1024x1xi32>
      %ge3A = arith.constant 50 : i32
      %ge3A_369 = vector.broadcast %ge3A : i32 to vector<1024x1xi32>
      %ge3A_370 = arith.cmpi sge, %broadcast_in_dim3A_368, %ge3A_369 : vector<1024x1xi32>
      %add3A_371 = arith.constant 1 : i32
      %add3A_372 = vector.broadcast %add3A_371 : i32 to vector<1024x1xi32>
      %add3A_373 = arith.addi %add3A_362, %add3A_372 : vector<1024x1xi32>
      %select_n3A_374 = arith.select %ge3A_370, %scan3A_349, %add3A_373 : vector<1024x1xi1>, vector<1024x1xi32>
      %select_n3A_375 = arith.select %ge3A_370, %scan3A_350, %add3A_362 : vector<1024x1xi1>, vector<1024x1xi32>
      scf.yield %select_n3A_374, %select_n3A_375 : vector<1024x1xi32>, vector<1024x1xi32>
    }
    %le3A = vector.broadcast %scan3A_27#0 : vector<1024x1xi32> to vector<1024x1024xi32>
    %le3A_28 = arith.cmpi sle, %xor3A, %le3A : vector<1024x1024xi32>
    %eq3A_29 = vector.broadcast %scan3A_27#0 : vector<1024x1xi32> to vector<1024x1024xi32>
    %eq3A_30 = arith.cmpi eq, %xor3A, %eq3A_29 : vector<1024x1024xi32>
    %convert_element_type3A = arith.extui %le3A_28 : vector<1024x1024xi1> to vector<1024x1024xi32>
    %convert_element_type3A_31 = arith.sitofp %convert_element_type3A : vector<1024x1024xi32> to vector<1024x1024xf32>
    %reduce_sum3A_32 = arith.constant dense<0.000000e+00> : vector<1024xf32>
    %reduce_sum3A_33 = vector.multi_reduction <add>, %convert_element_type3A_31, %reduce_sum3A_32 [1] : vector<1024x1024xf32> to vector<1024xf32>
    %convert_element_type3A_34 = arith.extui %eq3A_30 : vector<1024x1024xi1> to vector<1024x1024xi32>
    %convert_element_type3A_35 = arith.sitofp %convert_element_type3A_34 : vector<1024x1024xi32> to vector<1024x1024xf32>
    %reduce_sum3A_36 = arith.constant dense<0.000000e+00> : vector<1024xf32>
    %reduce_sum3A_37 = vector.multi_reduction <add>, %convert_element_type3A_35, %reduce_sum3A_36 [1] : vector<1024x1024xf32> to vector<1024xf32>
    %sub3A_38 = arith.subf %reduce_sum3A_33, %reduce_sum3A_37 : vector<1024xf32>
    %sub3A_39 = arith.constant 5.000000e+01 : f32
    %sub3A_40 = vector.broadcast %sub3A_39 : f32 to vector<1024xf32>
    %sub3A_41 = arith.subf %sub3A_40, %sub3A_38 : vector<1024xf32>
    %div3A = arith.divf %sub3A_41, %reduce_sum3A_37 : vector<1024xf32>
    %slice3A = vector.extract_strided_slice %get3A_3 {offsets = [0, 0], sizes = [1024, 1], strides = [1, 1]} : vector<1024x4xf32> to vector<1024x1xf32>
    %squeeze3A = vector.shape_cast %slice3A : vector<1024x1xf32> to vector<1024xf32>
    %broadcast_in_dim3A_42 = vector.shape_cast %squeeze3A : vector<1024xf32> to vector<1024x1xf32>
    %broadcast_in_dim3A_43 = vector.shape_cast %squeeze3A : vector<1024xf32> to vector<1x1024xf32>
    %eq3A_44 = vector.broadcast %broadcast_in_dim3A_42 : vector<1024x1xf32> to vector<1024x1024xf32>
    %eq3A_45 = vector.broadcast %broadcast_in_dim3A_43 : vector<1x1024xf32> to vector<1024x1024xf32>
    %eq3A_46 = arith.cmpf oeq, %eq3A_44, %eq3A_45 : vector<1024x1024xf32>
    %and3A_47 = arith.andi %le3A_28, %eq3A_46 : vector<1024x1024xi1>
    %convert_element_type3A_48 = arith.extui %and3A_47 : vector<1024x1024xi1> to vector<1024x1024xi32>
    %convert_element_type3A_49 = arith.sitofp %convert_element_type3A_48 : vector<1024x1024xi32> to vector<1024x1024xf32>
    %reduce_sum3A_50 = arith.constant dense<0.000000e+00> : vector<1024xf32>
    %reduce_sum3A_51 = vector.multi_reduction <add>, %convert_element_type3A_49, %reduce_sum3A_50 [1] : vector<1024x1024xf32> to vector<1024xf32>
    %and3A_52 = arith.andi %eq3A_30, %eq3A_46 : vector<1024x1024xi1>
    %convert_element_type3A_53 = arith.extui %and3A_52 : vector<1024x1024xi1> to vector<1024x1024xi32>
    %convert_element_type3A_54 = arith.sitofp %convert_element_type3A_53 : vector<1024x1024xi32> to vector<1024x1024xf32>
    %reduce_sum3A_55 = arith.constant dense<0.000000e+00> : vector<1024xf32>
    %reduce_sum3A_56 = vector.multi_reduction <add>, %convert_element_type3A_54, %reduce_sum3A_55 [1] : vector<1024x1024xf32> to vector<1024xf32>
    %sub3A_57 = arith.subf %reduce_sum3A_51, %reduce_sum3A_56 : vector<1024xf32>
    %mul3A_58 = arith.mulf %reduce_sum3A_56, %div3A : vector<1024xf32>
    %add3A_59 = arith.addf %sub3A_57, %mul3A_58 : vector<1024xf32>
    %reduce_sum3A_60 = vector.shape_cast %add3A_59 : vector<1024xf32> to vector<1x1024xf32>
    %reduce_sum3A_61 = arith.constant dense<0.000000e+00> : vector<1xf32>
    %reduce_sum3A_62 = vector.multi_reduction <add>, %reduce_sum3A_60, %reduce_sum3A_61 [1] : vector<1x1024xf32> to vector<1xf32>
    %reduce_sum3A_63 = vector.shape_cast %reduce_sum3A_62 : vector<1xf32> to vector<1x1xf32>
    %reduce_sum3A_64 = vector.extract %reduce_sum3A_63[0, 0] : f32 from vector<1x1xf32>
    %div3A_65 = arith.constant 5.120000e+04 : f32
    %div3A_66 = arith.divf %reduce_sum3A_64, %div3A_65 : f32
    %slice3A_67 = vector.extract_strided_slice %get3A_3 {offsets = [0, 1], sizes = [1024, 1], strides = [1, 1]} : vector<1024x4xf32> to vector<1024x1xf32>
    %squeeze3A_68 = vector.shape_cast %slice3A_67 : vector<1024x1xf32> to vector<1024xf32>
    %broadcast_in_dim3A_69 = vector.shape_cast %squeeze3A_68 : vector<1024xf32> to vector<1024x1xf32>
    %broadcast_in_dim3A_70 = vector.shape_cast %squeeze3A_68 : vector<1024xf32> to vector<1x1024xf32>
    %eq3A_71 = vector.broadcast %broadcast_in_dim3A_69 : vector<1024x1xf32> to vector<1024x1024xf32>
    %eq3A_72 = vector.broadcast %broadcast_in_dim3A_70 : vector<1x1024xf32> to vector<1024x1024xf32>
    %eq3A_73 = arith.cmpf oeq, %eq3A_71, %eq3A_72 : vector<1024x1024xf32>
    %and3A_74 = arith.andi %le3A_28, %eq3A_73 : vector<1024x1024xi1>
    %convert_element_type3A_75 = arith.extui %and3A_74 : vector<1024x1024xi1> to vector<1024x1024xi32>
    %convert_element_type3A_76 = arith.sitofp %convert_element_type3A_75 : vector<1024x1024xi32> to vector<1024x1024xf32>
    %reduce_sum3A_77 = arith.constant dense<0.000000e+00> : vector<1024xf32>
    %reduce_sum3A_78 = vector.multi_reduction <add>, %convert_element_type3A_76, %reduce_sum3A_77 [1] : vector<1024x1024xf32> to vector<1024xf32>
    %and3A_79 = arith.andi %eq3A_30, %eq3A_73 : vector<1024x1024xi1>
    %convert_element_type3A_80 = arith.extui %and3A_79 : vector<1024x1024xi1> to vector<1024x1024xi32>
    %convert_element_type3A_81 = arith.sitofp %convert_element_type3A_80 : vector<1024x1024xi32> to vector<1024x1024xf32>
    %reduce_sum3A_82 = arith.constant dense<0.000000e+00> : vector<1024xf32>
    %reduce_sum3A_83 = vector.multi_reduction <add>, %convert_element_type3A_81, %reduce_sum3A_82 [1] : vector<1024x1024xf32> to vector<1024xf32>
    %sub3A_84 = arith.subf %reduce_sum3A_78, %reduce_sum3A_83 : vector<1024xf32>
    %mul3A_85 = arith.mulf %reduce_sum3A_83, %div3A : vector<1024xf32>
    %add3A_86 = arith.addf %sub3A_84, %mul3A_85 : vector<1024xf32>
    %reduce_sum3A_87 = vector.shape_cast %add3A_86 : vector<1024xf32> to vector<1x1024xf32>
    %reduce_sum3A_88 = arith.constant dense<0.000000e+00> : vector<1xf32>
    %reduce_sum3A_89 = vector.multi_reduction <add>, %reduce_sum3A_87, %reduce_sum3A_88 [1] : vector<1x1024xf32> to vector<1xf32>
    %reduce_sum3A_90 = vector.shape_cast %reduce_sum3A_89 : vector<1xf32> to vector<1x1xf32>
    %reduce_sum3A_91 = vector.extract %reduce_sum3A_90[0, 0] : f32 from vector<1x1xf32>
    %div3A_92 = arith.constant 5.120000e+04 : f32
    %div3A_93 = arith.divf %reduce_sum3A_91, %div3A_92 : f32
    %slice3A_94 = vector.extract_strided_slice %get3A_3 {offsets = [0, 2], sizes = [1024, 1], strides = [1, 1]} : vector<1024x4xf32> to vector<1024x1xf32>
    %squeeze3A_95 = vector.shape_cast %slice3A_94 : vector<1024x1xf32> to vector<1024xf32>
    %broadcast_in_dim3A_96 = vector.shape_cast %squeeze3A_95 : vector<1024xf32> to vector<1024x1xf32>
    %broadcast_in_dim3A_97 = vector.shape_cast %squeeze3A_95 : vector<1024xf32> to vector<1x1024xf32>
    %eq3A_98 = vector.broadcast %broadcast_in_dim3A_96 : vector<1024x1xf32> to vector<1024x1024xf32>
    %eq3A_99 = vector.broadcast %broadcast_in_dim3A_97 : vector<1x1024xf32> to vector<1024x1024xf32>
    %eq3A_100 = arith.cmpf oeq, %eq3A_98, %eq3A_99 : vector<1024x1024xf32>
    %and3A_101 = arith.andi %le3A_28, %eq3A_100 : vector<1024x1024xi1>
    %convert_element_type3A_102 = arith.extui %and3A_101 : vector<1024x1024xi1> to vector<1024x1024xi32>
    %convert_element_type3A_103 = arith.sitofp %convert_element_type3A_102 : vector<1024x1024xi32> to vector<1024x1024xf32>
    %reduce_sum3A_104 = arith.constant dense<0.000000e+00> : vector<1024xf32>
    %reduce_sum3A_105 = vector.multi_reduction <add>, %convert_element_type3A_103, %reduce_sum3A_104 [1] : vector<1024x1024xf32> to vector<1024xf32>
    %and3A_106 = arith.andi %eq3A_30, %eq3A_100 : vector<1024x1024xi1>
    %convert_element_type3A_107 = arith.extui %and3A_106 : vector<1024x1024xi1> to vector<1024x1024xi32>
    %convert_element_type3A_108 = arith.sitofp %convert_element_type3A_107 : vector<1024x1024xi32> to vector<1024x1024xf32>
    %reduce_sum3A_109 = arith.constant dense<0.000000e+00> : vector<1024xf32>
    %reduce_sum3A_110 = vector.multi_reduction <add>, %convert_element_type3A_108, %reduce_sum3A_109 [1] : vector<1024x1024xf32> to vector<1024xf32>
    %sub3A_111 = arith.subf %reduce_sum3A_105, %reduce_sum3A_110 : vector<1024xf32>
    %mul3A_112 = arith.mulf %reduce_sum3A_110, %div3A : vector<1024xf32>
    %add3A_113 = arith.addf %sub3A_111, %mul3A_112 : vector<1024xf32>
    %reduce_sum3A_114 = vector.shape_cast %add3A_113 : vector<1024xf32> to vector<1x1024xf32>
    %reduce_sum3A_115 = arith.constant dense<0.000000e+00> : vector<1xf32>
    %reduce_sum3A_116 = vector.multi_reduction <add>, %reduce_sum3A_114, %reduce_sum3A_115 [1] : vector<1x1024xf32> to vector<1xf32>
    %reduce_sum3A_117 = vector.shape_cast %reduce_sum3A_116 : vector<1xf32> to vector<1x1xf32>
    %reduce_sum3A_118 = vector.extract %reduce_sum3A_117[0, 0] : f32 from vector<1x1xf32>
    %div3A_119 = arith.constant 5.120000e+04 : f32
    %div3A_120 = arith.divf %reduce_sum3A_118, %div3A_119 : f32
    %slice3A_121 = vector.extract_strided_slice %get3A_3 {offsets = [0, 3], sizes = [1024, 1], strides = [1, 1]} : vector<1024x4xf32> to vector<1024x1xf32>
    %squeeze3A_122 = vector.shape_cast %slice3A_121 : vector<1024x1xf32> to vector<1024xf32>
    %broadcast_in_dim3A_123 = vector.shape_cast %squeeze3A_122 : vector<1024xf32> to vector<1024x1xf32>
    %broadcast_in_dim3A_124 = vector.shape_cast %squeeze3A_122 : vector<1024xf32> to vector<1x1024xf32>
    %eq3A_125 = vector.broadcast %broadcast_in_dim3A_123 : vector<1024x1xf32> to vector<1024x1024xf32>
    %eq3A_126 = vector.broadcast %broadcast_in_dim3A_124 : vector<1x1024xf32> to vector<1024x1024xf32>
    %eq3A_127 = arith.cmpf oeq, %eq3A_125, %eq3A_126 : vector<1024x1024xf32>
    %and3A_128 = arith.andi %le3A_28, %eq3A_127 : vector<1024x1024xi1>
    %convert_element_type3A_129 = arith.extui %and3A_128 : vector<1024x1024xi1> to vector<1024x1024xi32>
    %convert_element_type3A_130 = arith.sitofp %convert_element_type3A_129 : vector<1024x1024xi32> to vector<1024x1024xf32>
    %reduce_sum3A_131 = arith.constant dense<0.000000e+00> : vector<1024xf32>
    %reduce_sum3A_132 = vector.multi_reduction <add>, %convert_element_type3A_130, %reduce_sum3A_131 [1] : vector<1024x1024xf32> to vector<1024xf32>
    %and3A_133 = arith.andi %eq3A_30, %eq3A_127 : vector<1024x1024xi1>
    %convert_element_type3A_134 = arith.extui %and3A_133 : vector<1024x1024xi1> to vector<1024x1024xi32>
    %convert_element_type3A_135 = arith.sitofp %convert_element_type3A_134 : vector<1024x1024xi32> to vector<1024x1024xf32>
    %reduce_sum3A_136 = arith.constant dense<0.000000e+00> : vector<1024xf32>
    %reduce_sum3A_137 = vector.multi_reduction <add>, %convert_element_type3A_135, %reduce_sum3A_136 [1] : vector<1024x1024xf32> to vector<1024xf32>
    %sub3A_138 = arith.subf %reduce_sum3A_132, %reduce_sum3A_137 : vector<1024xf32>
    %mul3A_139 = arith.mulf %reduce_sum3A_137, %div3A : vector<1024xf32>
    %add3A_140 = arith.addf %sub3A_138, %mul3A_139 : vector<1024xf32>
    %reduce_sum3A_141 = vector.shape_cast %add3A_140 : vector<1024xf32> to vector<1x1024xf32>
    %reduce_sum3A_142 = arith.constant dense<0.000000e+00> : vector<1xf32>
    %reduce_sum3A_143 = vector.multi_reduction <add>, %reduce_sum3A_141, %reduce_sum3A_142 [1] : vector<1x1024xf32> to vector<1xf32>
    %reduce_sum3A_144 = vector.shape_cast %reduce_sum3A_143 : vector<1xf32> to vector<1x1xf32>
    %reduce_sum3A_145 = vector.extract %reduce_sum3A_144[0, 0] : f32 from vector<1x1xf32>
    %div3A_146 = arith.constant 5.120000e+04 : f32
    %div3A_147 = arith.divf %reduce_sum3A_145, %div3A_146 : f32
    %iota3A_148 = tpu.iota {dimensions = array<i32: 1>} : vector<1x8xi32>
    %broadcast_in_dim3A_149 = arith.constant 0.000000e+00 : f32
    %broadcast_in_dim3A_150 = vector.broadcast %broadcast_in_dim3A_149 : f32 to vector<1x8xf32>
    %eq3A_151 = arith.constant 0 : i32
    %eq3A_152 = vector.broadcast %eq3A_151 : i32 to vector<1x8xi32>
    %eq3A_153 = arith.cmpi eq, %iota3A_148, %eq3A_152 : vector<1x8xi32>
    %jit3A = arith.constant 0.000000e+00 : f32
    %broadcast_in_dim3A_154 = vector.broadcast %div3A_66 : f32 to vector<1x8xf32>
    %broadcast_in_dim3A_155 = vector.broadcast %jit3A : f32 to vector<1x8xf32>
    %select_n3A_156 = arith.select %eq3A_153, %broadcast_in_dim3A_154, %broadcast_in_dim3A_155 : vector<1x8xi1>, vector<1x8xf32>
    %add3A_157 = arith.addf %broadcast_in_dim3A_150, %select_n3A_156 : vector<1x8xf32>
    %eq3A_158 = arith.constant 1 : i32
    %eq3A_159 = vector.broadcast %eq3A_158 : i32 to vector<1x8xi32>
    %eq3A_160 = arith.cmpi eq, %iota3A_148, %eq3A_159 : vector<1x8xi32>
    %jit3A_161 = arith.constant 0.000000e+00 : f32
    %broadcast_in_dim3A_162 = vector.broadcast %div3A_93 : f32 to vector<1x8xf32>
    %broadcast_in_dim3A_163 = vector.broadcast %jit3A_161 : f32 to vector<1x8xf32>
    %select_n3A_164 = arith.select %eq3A_160, %broadcast_in_dim3A_162, %broadcast_in_dim3A_163 : vector<1x8xi1>, vector<1x8xf32>
    %add3A_165 = arith.addf %add3A_157, %select_n3A_164 : vector<1x8xf32>
    %eq3A_166 = arith.constant 2 : i32
    %eq3A_167 = vector.broadcast %eq3A_166 : i32 to vector<1x8xi32>
    %eq3A_168 = arith.cmpi eq, %iota3A_148, %eq3A_167 : vector<1x8xi32>
    %jit3A_169 = arith.constant 0.000000e+00 : f32
    %broadcast_in_dim3A_170 = vector.broadcast %div3A_120 : f32 to vector<1x8xf32>
    %broadcast_in_dim3A_171 = vector.broadcast %jit3A_169 : f32 to vector<1x8xf32>
    %select_n3A_172 = arith.select %eq3A_168, %broadcast_in_dim3A_170, %broadcast_in_dim3A_171 : vector<1x8xi1>, vector<1x8xf32>
    %add3A_173 = arith.addf %add3A_165, %select_n3A_172 : vector<1x8xf32>
    %eq3A_174 = arith.constant 3 : i32
    %eq3A_175 = vector.broadcast %eq3A_174 : i32 to vector<1x8xi32>
    %eq3A_176 = arith.cmpi eq, %iota3A_148, %eq3A_175 : vector<1x8xi32>
    %jit3A_177 = arith.constant 0.000000e+00 : f32
    %broadcast_in_dim3A_178 = vector.broadcast %div3A_147 : f32 to vector<1x8xf32>
    %broadcast_in_dim3A_179 = vector.broadcast %jit3A_177 : f32 to vector<1x8xf32>
    %select_n3A_180 = arith.select %eq3A_176, %broadcast_in_dim3A_178, %broadcast_in_dim3A_179 : vector<1x8xi1>, vector<1x8xf32>
    %add3A_181 = arith.addf %add3A_173, %select_n3A_180 : vector<1x8xf32>
    %swap3A = arith.constant 0 : index
    %swap3A_182 = arith.constant 0 : index
    %swap3A_183 = arith.constant 0 : index
    %swap3A_184 = vector.load %arg5[%swap3A, %swap3A_182, %swap3A_183] : memref<1x1x8xf32, #tpu.memory_space<vmem>>, vector<1x1x8xf32>
    %swap3A_185 = vector.shape_cast %swap3A_184 : vector<1x1x8xf32> to vector<1x8xf32>
    %swap3A_186 = vector.shape_cast %add3A_181 : vector<1x8xf32> to vector<1x1x8xf32>
    tpu.vector_store %arg5[%swap3A, %swap3A_182, %swap3A_183], %swap3A_186 {strides = array<i32>} : memref<1x1x8xf32, #tpu.memory_space<vmem>>, vector<1x1x8xf32>,
    %reduce_min3A_187 = arith.constant dense<0x7F800000> : vector<1024xf32>
    %reduce_min3A_188 = vector.multi_reduction <minimumf>, %add3A_11, %reduce_min3A_187 [1] : vector<1024x1024xf32> to vector<1024xf32>
    %broadcast_in_dim3A_189 = vector.shape_cast %reduce_min3A_188 : vector<1024xf32> to vector<1024x1xf32>
    %eq3A_190 = vector.broadcast %broadcast_in_dim3A_189 : vector<1024x1xf32> to vector<1024x1024xf32>
    %eq3A_191 = arith.cmpf oeq, %add3A_11, %eq3A_190 : vector<1024x1024xf32>
    %jit3A_192 = arith.constant 1024 : i32
    %broadcast_in_dim3A_193 = vector.broadcast %jit3A_192 : i32 to vector<1024x1024xi32>
    %select_n3A_194 = arith.select %eq3A_191, %iota3A_12, %broadcast_in_dim3A_193 : vector<1024x1024xi1>, vector<1024x1024xi32>
    %reduce_min3A_195 = arith.constant dense<2147483647> : vector<1024xi32>
    %reduce_min3A_196 = vector.multi_reduction <minsi>, %select_n3A_194, %reduce_min3A_195 [1] : vector<1024x1024xi32> to vector<1024xi32>
    %mul3A_197 = arith.constant 1024 : i32
    %mul3A_198 = arith.muli %arg0, %mul3A_197 : i32
    %add3A_199 = vector.broadcast %mul3A_198 : i32 to vector<1024xi32>
    %add3A_200 = arith.addi %reduce_min3A_196, %add3A_199 : vector<1024xi32>
    %broadcast_in_dim3A_201 = vector.shape_cast %reduce_min3A_196 : vector<1024xi32> to vector<1024x1xi32>
    %eq3A_202 = vector.broadcast %broadcast_in_dim3A_201 : vector<1024x1xi32> to vector<1024x1024xi32>
    %eq3A_203 = arith.cmpi eq, %iota3A_12, %eq3A_202 : vector<1024x1024xi32>
    %jit3A_204 = arith.constant 0x7F800000 : f32
    %broadcast_in_dim3A_205 = vector.broadcast %jit3A_204 : f32 to vector<1024x1024xf32>
    %select_n3A_206 = arith.select %eq3A_203, %broadcast_in_dim3A_205, %add3A_11 : vector<1024x1024xi1>, vector<1024x1024xf32>
    %reduce_min3A_207 = arith.constant dense<0x7F800000> : vector<1024xf32>
    %reduce_min3A_208 = vector.multi_reduction <minimumf>, %select_n3A_206, %reduce_min3A_207 [1] : vector<1024x1024xf32> to vector<1024xf32>
    %broadcast_in_dim3A_209 = vector.shape_cast %reduce_min3A_208 : vector<1024xf32> to vector<1024x1xf32>
    %eq3A_210 = vector.broadcast %broadcast_in_dim3A_209 : vector<1024x1xf32> to vector<1024x1024xf32>
    %eq3A_211 = arith.cmpf oeq, %select_n3A_206, %eq3A_210 : vector<1024x1024xf32>
    %jit3A_212 = arith.constant 1024 : i32
    %broadcast_in_dim3A_213 = vector.broadcast %jit3A_212 : i32 to vector<1024x1024xi32>
    %select_n3A_214 = arith.select %eq3A_211, %iota3A_12, %broadcast_in_dim3A_213 : vector<1024x1024xi1>, vector<1024x1024xi32>
    %reduce_min3A_215 = arith.constant dense<2147483647> : vector<1024xi32>
    %reduce_min3A_216 = vector.multi_reduction <minsi>, %select_n3A_214, %reduce_min3A_215 [1] : vector<1024x1024xi32> to vector<1024xi32>
    %mul3A_217 = arith.constant 1024 : i32
    %mul3A_218 = arith.muli %arg0, %mul3A_217 : i32
    %add3A_219 = vector.broadcast %mul3A_218 : i32 to vector<1024xi32>
    %add3A_220 = arith.addi %reduce_min3A_216, %add3A_219 : vector<1024xi32>
    %broadcast_in_dim3A_221 = vector.shape_cast %reduce_min3A_216 : vector<1024xi32> to vector<1024x1xi32>
    %eq3A_222 = vector.broadcast %broadcast_in_dim3A_221 : vector<1024x1xi32> to vector<1024x1024xi32>
    %eq3A_223 = arith.cmpi eq, %iota3A_12, %eq3A_222 : vector<1024x1024xi32>
    %jit3A_224 = arith.constant 0x7F800000 : f32
    %broadcast_in_dim3A_225 = vector.broadcast %jit3A_224 : f32 to vector<1024x1024xf32>
    %select_n3A_226 = arith.select %eq3A_223, %broadcast_in_dim3A_225, %select_n3A_206 : vector<1024x1024xi1>, vector<1024x1024xf32>
    %reduce_min3A_227 = arith.constant dense<0x7F800000> : vector<1024xf32>
    %reduce_min3A_228 = vector.multi_reduction <minimumf>, %select_n3A_226, %reduce_min3A_227 [1] : vector<1024x1024xf32> to vector<1024xf32>
    %broadcast_in_dim3A_229 = vector.shape_cast %reduce_min3A_228 : vector<1024xf32> to vector<1024x1xf32>
    %eq3A_230 = vector.broadcast %broadcast_in_dim3A_229 : vector<1024x1xf32> to vector<1024x1024xf32>
    %eq3A_231 = arith.cmpf oeq, %select_n3A_226, %eq3A_230 : vector<1024x1024xf32>
    %jit3A_232 = arith.constant 1024 : i32
    %broadcast_in_dim3A_233 = vector.broadcast %jit3A_232 : i32 to vector<1024x1024xi32>
    %select_n3A_234 = arith.select %eq3A_231, %iota3A_12, %broadcast_in_dim3A_233 : vector<1024x1024xi1>, vector<1024x1024xi32>
    %reduce_min3A_235 = arith.constant dense<2147483647> : vector<1024xi32>
    %reduce_min3A_236 = vector.multi_reduction <minsi>, %select_n3A_234, %reduce_min3A_235 [1] : vector<1024x1024xi32> to vector<1024xi32>
    %mul3A_237 = arith.constant 1024 : i32
    %mul3A_238 = arith.muli %arg0, %mul3A_237 : i32
    %add3A_239 = vector.broadcast %mul3A_238 : i32 to vector<1024xi32>
    %add3A_240 = arith.addi %reduce_min3A_236, %add3A_239 : vector<1024xi32>
    %broadcast_in_dim3A_241 = vector.shape_cast %reduce_min3A_236 : vector<1024xi32> to vector<1024x1xi32>
    %eq3A_242 = vector.broadcast %broadcast_in_dim3A_241 : vector<1024x1xi32> to vector<1024x1024xi32>
    %eq3A_243 = arith.cmpi eq, %iota3A_12, %eq3A_242 : vector<1024x1024xi32>
    %jit3A_244 = arith.constant 0x7F800000 : f32
    %broadcast_in_dim3A_245 = vector.broadcast %jit3A_244 : f32 to vector<1024x1024xf32>
    %select_n3A_246 = arith.select %eq3A_243, %broadcast_in_dim3A_245, %select_n3A_226 : vector<1024x1024xi1>, vector<1024x1024xf32>
    %reduce_min3A_247 = arith.constant dense<0x7F800000> : vector<1024xf32>
    %reduce_min3A_248 = vector.multi_reduction <minimumf>, %select_n3A_246, %reduce_min3A_247 [1] : vector<1024x1024xf32> to vector<1024xf32>
    %broadcast_in_dim3A_249 = vector.shape_cast %reduce_min3A_248 : vector<1024xf32> to vector<1024x1xf32>
    %eq3A_250 = vector.broadcast %broadcast_in_dim3A_249 : vector<1024x1xf32> to vector<1024x1024xf32>
    %eq3A_251 = arith.cmpf oeq, %select_n3A_246, %eq3A_250 : vector<1024x1024xf32>
    %jit3A_252 = arith.constant 1024 : i32
    %broadcast_in_dim3A_253 = vector.broadcast %jit3A_252 : i32 to vector<1024x1024xi32>
    %select_n3A_254 = arith.select %eq3A_251, %iota3A_12, %broadcast_in_dim3A_253 : vector<1024x1024xi1>, vector<1024x1024xi32>
    %reduce_min3A_255 = arith.constant dense<2147483647> : vector<1024xi32>
    %reduce_min3A_256 = vector.multi_reduction <minsi>, %select_n3A_254, %reduce_min3A_255 [1] : vector<1024x1024xi32> to vector<1024xi32>
    %mul3A_257 = arith.constant 1024 : i32
    %mul3A_258 = arith.muli %arg0, %mul3A_257 : i32
    %add3A_259 = vector.broadcast %mul3A_258 : i32 to vector<1024xi32>
    %add3A_260 = arith.addi %reduce_min3A_256, %add3A_259 : vector<1024xi32>
    %broadcast_in_dim3A_261 = vector.shape_cast %reduce_min3A_256 : vector<1024xi32> to vector<1024x1xi32>
    %eq3A_262 = vector.broadcast %broadcast_in_dim3A_261 : vector<1024x1xi32> to vector<1024x1024xi32>
    %eq3A_263 = arith.cmpi eq, %iota3A_12, %eq3A_262 : vector<1024x1024xi32>
    %jit3A_264 = arith.constant 0x7F800000 : f32
    %broadcast_in_dim3A_265 = vector.broadcast %jit3A_264 : f32 to vector<1024x1024xf32>
    %select_n3A_266 = arith.select %eq3A_263, %broadcast_in_dim3A_265, %select_n3A_246 : vector<1024x1024xi1>, vector<1024x1024xf32>
    %reduce_min3A_267 = arith.constant dense<0x7F800000> : vector<1024xf32>
    %reduce_min3A_268 = vector.multi_reduction <minimumf>, %select_n3A_266, %reduce_min3A_267 [1] : vector<1024x1024xf32> to vector<1024xf32>
    %broadcast_in_dim3A_269 = vector.shape_cast %reduce_min3A_268 : vector<1024xf32> to vector<1024x1xf32>
    %eq3A_270 = vector.broadcast %broadcast_in_dim3A_269 : vector<1024x1xf32> to vector<1024x1024xf32>
    %eq3A_271 = arith.cmpf oeq, %select_n3A_266, %eq3A_270 : vector<1024x1024xf32>
    %jit3A_272 = arith.constant 1024 : i32
    %broadcast_in_dim3A_273 = vector.broadcast %jit3A_272 : i32 to vector<1024x1024xi32>
    %select_n3A_274 = arith.select %eq3A_271, %iota3A_12, %broadcast_in_dim3A_273 : vector<1024x1024xi1>, vector<1024x1024xi32>
    %reduce_min3A_275 = arith.constant dense<2147483647> : vector<1024xi32>
    %reduce_min3A_276 = vector.multi_reduction <minsi>, %select_n3A_274, %reduce_min3A_275 [1] : vector<1024x1024xi32> to vector<1024xi32>
    %mul3A_277 = arith.constant 1024 : i32
    %mul3A_278 = arith.muli %arg0, %mul3A_277 : i32
    %add3A_279 = vector.broadcast %mul3A_278 : i32 to vector<1024xi32>
    %add3A_280 = arith.addi %reduce_min3A_276, %add3A_279 : vector<1024xi32>
    %broadcast_in_dim3A_281 = vector.shape_cast %add3A_200 : vector<1024xi32> to vector<1x1024xi32>
    %swap3A_282 = arith.constant 0 : index
    %swap3A_283 = arith.constant 0 : index
    %swap3A_284 = arith.constant 0 : index
    %swap3A_285 = arith.constant 0 : index
    %swap3A_286 = vector.load %arg8[%swap3A_282, %swap3A_283, %swap3A_284, %swap3A_285] : memref<5x1x1x1024xi32, #tpu.memory_space<vmem>>, vector<1x1x1x1024xi32>
    %swap3A_287 = vector.shape_cast %swap3A_286 : vector<1x1x1x1024xi32> to vector<1x1024xi32>
    %swap3A_288 = vector.shape_cast %broadcast_in_dim3A_281 : vector<1x1024xi32> to vector<1x1x1x1024xi32>
    tpu.vector_store %arg8[%swap3A_282, %swap3A_283, %swap3A_284, %swap3A_285], %swap3A_288 {strides = array<i32>} : memref<5x1x1x1024xi32, #tpu.memory_space<vmem>>, vector<1x1x1x1024xi32>,
    %broadcast_in_dim3A_289 = vector.shape_cast %add3A_220 : vector<1024xi32> to vector<1x1024xi32>
    %swap3A_290 = arith.constant 1 : index
    %swap3A_291 = arith.constant 0 : index
    %swap3A_292 = arith.constant 0 : index
    %swap3A_293 = arith.constant 0 : index
    %swap3A_294 = vector.load %arg8[%swap3A_290, %swap3A_291, %swap3A_292, %swap3A_293] : memref<5x1x1x1024xi32, #tpu.memory_space<vmem>>, vector<1x1x1x1024xi32>
    %swap3A_295 = vector.shape_cast %swap3A_294 : vector<1x1x1x1024xi32> to vector<1x1024xi32>
    %swap3A_296 = vector.shape_cast %broadcast_in_dim3A_289 : vector<1x1024xi32> to vector<1x1x1x1024xi32>
    tpu.vector_store %arg8[%swap3A_290, %swap3A_291, %swap3A_292, %swap3A_293], %swap3A_296 {strides = array<i32>} : memref<5x1x1x1024xi32, #tpu.memory_space<vmem>>, vector<1x1x1x1024xi32>,
    %broadcast_in_dim3A_297 = vector.shape_cast %add3A_240 : vector<1024xi32> to vector<1x1024xi32>
    %swap3A_298 = arith.constant 2 : index
    %swap3A_299 = arith.constant 0 : index
    %swap3A_300 = arith.constant 0 : index
    %swap3A_301 = arith.constant 0 : index
    %swap3A_302 = vector.load %arg8[%swap3A_298, %swap3A_299, %swap3A_300, %swap3A_301] : memref<5x1x1x1024xi32, #tpu.memory_space<vmem>>, vector<1x1x1x1024xi32>
    %swap3A_303 = vector.shape_cast %swap3A_302 : vector<1x1x1x1024xi32> to vector<1x1024xi32>
    %swap3A_304 = vector.shape_cast %broadcast_in_dim3A_297 : vector<1x1024xi32> to vector<1x1x1x1024xi32>
    tpu.vector_store %arg8[%swap3A_298, %swap3A_299, %swap3A_300, %swap3A_301], %swap3A_304 {strides = array<i32>} : memref<5x1x1x1024xi32, #tpu.memory_space<vmem>>, vector<1x1x1x1024xi32>,
    %broadcast_in_dim3A_305 = vector.shape_cast %add3A_260 : vector<1024xi32> to vector<1x1024xi32>
    %swap3A_306 = arith.constant 3 : index
    %swap3A_307 = arith.constant 0 : index
    %swap3A_308 = arith.constant 0 : index
    %swap3A_309 = arith.constant 0 : index
    %swap3A_310 = vector.load %arg8[%swap3A_306, %swap3A_307, %swap3A_308, %swap3A_309] : memref<5x1x1x1024xi32, #tpu.memory_space<vmem>>, vector<1x1x1x1024xi32>
    %swap3A_311 = vector.shape_cast %swap3A_310 : vector<1x1x1x1024xi32> to vector<1x1024xi32>
    %swap3A_312 = vector.shape_cast %broadcast_in_dim3A_305 : vector<1x1024xi32> to vector<1x1x1x1024xi32>
    tpu.vector_store %arg8[%swap3A_306, %swap3A_307, %swap3A_308, %swap3A_309], %swap3A_312 {strides = array<i32>} : memref<5x1x1x1024xi32, #tpu.memory_space<vmem>>, vector<1x1x1x1024xi32>,
    %broadcast_in_dim3A_313 = vector.shape_cast %add3A_280 : vector<1024xi32> to vector<1x1024xi32>
    %swap3A_314 = arith.constant 4 : index
    %swap3A_315 = arith.constant 0 : index
    %swap3A_316 = arith.constant 0 : index
    %swap3A_317 = arith.constant 0 : index
    %swap3A_318 = vector.load %arg8[%swap3A_314, %swap3A_315, %swap3A_316, %swap3A_317] : memref<5x1x1x1024xi32, #tpu.memory_space<vmem>>, vector<1x1x1x1024xi32>
    %swap3A_319 = vector.shape_cast %swap3A_318 : vector<1x1x1x1024xi32> to vector<1x1024xi32>
    %swap3A_320 = vector.shape_cast %broadcast_in_dim3A_313 : vector<1x1024xi32> to vector<1x1x1x1024xi32>
    tpu.vector_store %arg8[%swap3A_314, %swap3A_315, %swap3A_316, %swap3A_317], %swap3A_320 {strides = array<i32>} : memref<5x1x1x1024xi32, #tpu.memory_space<vmem>>, vector<1x1x1x1024xi32>,
    %get3A_321 = arith.constant 0 : index
    %get3A_322 = arith.constant 0 : index
    %get3A_323 = vector.load %arg2[%get3A_321, %get3A_322] : memref<4x128xf32, #tpu.memory_space<vmem>>, vector<4x128xf32>
    %dot_general3A_324 = arith.constant dense<0.000000e+00> : vector<1024x128xf32>
    %dot_general3A_325 = tpu.matmul %get3A_3, %get3A_323, %dot_general3A_324 {dimension_numbers = #tpu.dot_dimension_numbers<[1], [0], [0], [1], [0, 0, 1, 1], [], []>, transpose_lhs_hint = false} : vector<1024x4xf32>, vector<4x128xf32>, vector<1024x128xf32> -> vector<1024x128xf32>
    %get3A_326 = arith.constant 0 : index
    %get3A_327 = arith.constant 0 : index
    %get3A_328 = vector.load %arg4[%get3A_326, %get3A_327] : memref<1x128xf32, #tpu.memory_space<vmem>>, vector<1x128xf32>
    %add3A_329 = vector.broadcast %get3A_328 : vector<1x128xf32> to vector<1024x128xf32>
    %add3A_330 = arith.addf %dot_general3A_325, %add3A_329 : vector<1024x128xf32>
    %swap3A_331 = arith.constant 0 : index
    %swap3A_332 = arith.constant 0 : index
    %swap3A_333 = arith.constant 0 : index
    %swap3A_334 = vector.load %arg6[%swap3A_331, %swap3A_332, %swap3A_333] : memref<1x1024x128xf32, #tpu.memory_space<vmem>>, vector<1x1024x128xf32>
    %swap3A_335 = vector.shape_cast %swap3A_334 : vector<1x1024x128xf32> to vector<1024x128xf32>
    %swap3A_336 = vector.shape_cast %add3A_330 : vector<1024x128xf32> to vector<1x1024x128xf32>
    tpu.vector_store %arg6[%swap3A_331, %swap3A_332, %swap3A_333], %swap3A_336 {strides = array<i32>} : memref<1x1024x128xf32, #tpu.memory_space<vmem>>, vector<1x1024x128xf32>,
    %get3A_337 = arith.constant 0 : index
    %get3A_338 = arith.constant 0 : index
    %get3A_339 = vector.load %arg3[%get3A_337, %get3A_338] : memref<4x128xf32, #tpu.memory_space<vmem>>, vector<4x128xf32>
    %dot_general3A_340 = arith.constant dense<0.000000e+00> : vector<1024x128xf32>
    %dot_general3A_341 = tpu.matmul %get3A_3, %get3A_339, %dot_general3A_340 {dimension_numbers = #tpu.dot_dimension_numbers<[1], [0], [0], [1], [0, 0, 1, 1], [], []>, transpose_lhs_hint = false} : vector<1024x4xf32>, vector<4x128xf32>, vector<1024x128xf32> -> vector<1024x128xf32>
    %swap3A_342 = arith.constant 0 : index
    %swap3A_343 = arith.constant 0 : index
    %swap3A_344 = arith.constant 0 : index
    %swap3A_345 = vector.load %arg7[%swap3A_342, %swap3A_343, %swap3A_344] : memref<1x1024x128xf32, #tpu.memory_space<vmem>>, vector<1x1024x128xf32>
    %swap3A_346 = vector.shape_cast %swap3A_345 : vector<1x1024x128xf32> to vector<1024x128xf32>
    %swap3A_347 = vector.shape_cast %dot_general3A_341 : vector<1024x128xf32> to vector<1x1024x128xf32>
    tpu.vector_store %arg7[%swap3A_342, %swap3A_343, %swap3A_344], %swap3A_347 {strides = array<i32>} : memref<1x1024x128xf32, #tpu.memory_space<vmem>>, vector<1x1024x128xf32>,
    return
  }
  func.func @transform_0(%arg0: i32) -> (i32, i32, i32) {
    %c0_i32 = arith.constant 0 : i32
    %c0_i32_0 = arith.constant 0 : i32
    %c0_i32_1 = arith.constant 0 : i32
    return %arg0, %c0_i32, %c0_i32_0 : i32, i32, i32
  }
  func.func @transform_1(%arg0: i32) -> (i32, i32) {
    %c0_i32 = arith.constant 0 : i32
    %c0_i32_0 = arith.constant 0 : i32
    %c0_i32_1 = arith.constant 0 : i32
    return %c0_i32, %c0_i32_0 : i32, i32
  }
  func.func @transform_2(%arg0: i32) -> (i32, i32) {
    %c0_i32 = arith.constant 0 : i32
    %c0_i32_0 = arith.constant 0 : i32
    %c0_i32_1 = arith.constant 0 : i32
    return %c0_i32, %c0_i32_0 : i32, i32
  }
  func.func @transform_3(%arg0: i32) -> (i32, i32) {
    %c0_i32 = arith.constant 0 : i32
    %c0_i32_0 = arith.constant 0 : i32
    %c0_i32_1 = arith.constant 0 : i32
    return %c0_i32, %c0_i32_0 : i32, i32
  }
  func.func @transform_4(%arg0: i32) -> (i32, i32, i32) {
    %c0_i32 = arith.constant 0 : i32
    %c0_i32_0 = arith.constant 0 : i32
    %c0_i32_1 = arith.constant 0 : i32
    return %arg0, %c0_i32, %c0_i32_0 : i32, i32, i32
  }
  func.func @transform_5(%arg0: i32) -> (i32, i32, i32) {
    %c0_i32 = arith.constant 0 : i32
    %c0_i32_0 = arith.constant 0 : i32
    %c0_i32_1 = arith.constant 0 : i32
    return %arg0, %c0_i32, %c0_i32_0 : i32, i32, i32
  }
  func.func @transform_6(%arg0: i32) -> (i32, i32, i32) {
    %c0_i32 = arith.constant 0 : i32
    %c0_i32_0 = arith.constant 0 : i32
    %c0_i32_1 = arith.constant 0 : i32
    return %arg0, %c0_i32, %c0_i32_0 : i32, i32, i32
  }
  func.func @transform_7(%arg0: i32) -> (i32, i32, i32, i32) {
    %c0_i32 = arith.constant 0 : i32
    %c0_i32_0 = arith.constant 0 : i32
    %c0_i32_1 = arith.constant 0 : i32
    %c0_i32_2 = arith.constant 0 : i32
    return %c0_i32, %arg0, %c0_i32_0, %c0_i32_1 : i32, i32, i32, i32
  }
}

module attributes {stable_mosaic.version = 14 : i64} {
  func.func @_k2_body(%arg0: i32, %arg1: memref<1x1024x128xf32, #tpu.memory_space<vmem>>, %arg2: memref<5x1x1024x128xf32, #tpu.memory_space<vmem>>, %arg3: memref<128x64xf32, #tpu.memory_space<vmem>>, %arg4: memref<1x64xf32, #tpu.memory_space<vmem>>, %arg5: memref<64x128xf32, #tpu.memory_space<vmem>>, %arg6: memref<64x128xf32, #tpu.memory_space<vmem>>, %arg7: memref<1x128xf32, #tpu.memory_space<vmem>>, %arg8: memref<1x1024x64xf32, #tpu.memory_space<vmem>>, %arg9: memref<1x1024x128xf32, #tpu.memory_space<vmem>>, %arg10: memref<1x1024x128xf32, #tpu.memory_space<vmem>>, %arg11: memref<5x1x1x1024xi32, #tpu.memory_space<vmem>>) attributes {dimension_semantics = [#tpu.dimension_semantics<arbitrary>], iteration_bounds = array<i64: 16>, scalar_prefetch = 0 : i64, scratch_operands = 0 : i64, tpu.core_type = #tpu.core_type<tc>, window_params = [{transform_indices = @transform_0, window_bounds = array<i64: 1, 1024, 128>}, {transform_indices = @transform_1, window_bounds = array<i64: 5, 1, 1024, 128>}, {pipeline_mode = #tpu.pipeline_mode<synchronous>, transform_indices = @transform_2, window_bounds = array<i64: 128, 64>}, {pipeline_mode = #tpu.pipeline_mode<synchronous>, transform_indices = @transform_3, window_bounds = array<i64: 1, 64>}, {pipeline_mode = #tpu.pipeline_mode<synchronous>, transform_indices = @transform_4, window_bounds = array<i64: 64, 128>}, {pipeline_mode = #tpu.pipeline_mode<synchronous>, transform_indices = @transform_5, window_bounds = array<i64: 64, 128>}, {pipeline_mode = #tpu.pipeline_mode<synchronous>, transform_indices = @transform_6, window_bounds = array<i64: 1, 128>}, {transform_indices = @transform_7, window_bounds = array<i64: 1, 1024, 64>}, {transform_indices = @transform_8, window_bounds = array<i64: 1, 1024, 128>}, {transform_indices = @transform_9, window_bounds = array<i64: 1, 1024, 128>}, {transform_indices = @transform_10, window_bounds = array<i64: 5, 1, 1, 1024>}]} {
    %get3A = arith.constant 0 : index
    %get3A_0 = arith.constant 0 : index
    %get3A_1 = arith.constant 0 : index
    %get3A_2 = vector.load %arg1[%get3A, %get3A_0, %get3A_1] : memref<1x1024x128xf32, #tpu.memory_space<vmem>>, vector<1x1024x128xf32>
    %get3A_3 = vector.shape_cast %get3A_2 : vector<1x1024x128xf32> to vector<1024x128xf32>
    %get3A_4 = arith.constant 0 : index
    %get3A_5 = arith.constant 0 : index
    %get3A_6 = arith.constant 0 : index
    %get3A_7 = arith.constant 0 : index
    %get3A_8 = vector.load %arg2[%get3A_4, %get3A_5, %get3A_6, %get3A_7] : memref<5x1x1024x128xf32, #tpu.memory_space<vmem>>, vector<1x1x1024x128xf32>
    %get3A_9 = vector.shape_cast %get3A_8 : vector<1x1x1024x128xf32> to vector<1024x128xf32>
    %add3A = arith.addf %get3A_3, %get3A_9 : vector<1024x128xf32>
    %ge3A = arith.constant 0.000000e+00 : f32
    %ge3A_10 = vector.broadcast %ge3A : f32 to vector<1024x128xf32>
    %ge3A_11 = arith.cmpf oge, %add3A, %ge3A_10 : vector<1024x128xf32>
    %mul3A = arith.constant 0.00999999977 : f32
    %mul3A_12 = vector.broadcast %mul3A : f32 to vector<1024x128xf32>
    %mul3A_13 = arith.mulf %mul3A_12, %add3A : vector<1024x128xf32>
    %select_n3A = arith.select %ge3A_11, %add3A, %mul3A_13 : vector<1024x128xi1>, vector<1024x128xf32>
    %get3A_14 = arith.constant 0 : index
    %get3A_15 = arith.constant 0 : index
    %get3A_16 = vector.load %arg3[%get3A_14, %get3A_15] : memref<128x64xf32, #tpu.memory_space<vmem>>, vector<128x64xf32>
    %dot_general3A = arith.constant dense<0.000000e+00> : vector<1024x64xf32>
    %dot_general3A_17 = tpu.matmul %select_n3A, %get3A_16, %dot_general3A {dimension_numbers = #tpu.dot_dimension_numbers<[1], [0], [0], [1], [0, 0, 1, 1], [], []>, transpose_lhs_hint = false} : vector<1024x128xf32>, vector<128x64xf32>, vector<1024x64xf32> -> vector<1024x64xf32>
    %get3A_18 = arith.constant 0 : index
    %get3A_19 = arith.constant 0 : index
    %get3A_20 = vector.load %arg4[%get3A_18, %get3A_19] : memref<1x64xf32, #tpu.memory_space<vmem>>, vector<1x64xf32>
    %add3A_21 = vector.broadcast %get3A_20 : vector<1x64xf32> to vector<1024x64xf32>
    %add3A_22 = arith.addf %dot_general3A_17, %add3A_21 : vector<1024x64xf32>
    %ge3A_23 = arith.constant 0.000000e+00 : f32
    %ge3A_24 = vector.broadcast %ge3A_23 : f32 to vector<1024x64xf32>
    %ge3A_25 = arith.cmpf oge, %add3A_22, %ge3A_24 : vector<1024x64xf32>
    %mul3A_26 = arith.constant 0.00999999977 : f32
    %mul3A_27 = vector.broadcast %mul3A_26 : f32 to vector<1024x64xf32>
    %mul3A_28 = arith.mulf %mul3A_27, %add3A_22 : vector<1024x64xf32>
    %select_n3A_29 = arith.select %ge3A_25, %add3A_22, %mul3A_28 : vector<1024x64xi1>, vector<1024x64xf32>
    %get3A_30 = arith.constant 1 : index
    %get3A_31 = arith.constant 0 : index
    %get3A_32 = arith.constant 0 : index
    %get3A_33 = arith.constant 0 : index
    %get3A_34 = vector.load %arg2[%get3A_30, %get3A_31, %get3A_32, %get3A_33] : memref<5x1x1024x128xf32, #tpu.memory_space<vmem>>, vector<1x1x1024x128xf32>
    %get3A_35 = vector.shape_cast %get3A_34 : vector<1x1x1024x128xf32> to vector<1024x128xf32>
    %add3A_36 = arith.addf %get3A_3, %get3A_35 : vector<1024x128xf32>
    %ge3A_37 = arith.constant 0.000000e+00 : f32
    %ge3A_38 = vector.broadcast %ge3A_37 : f32 to vector<1024x128xf32>
    %ge3A_39 = arith.cmpf oge, %add3A_36, %ge3A_38 : vector<1024x128xf32>
    %mul3A_40 = arith.constant 0.00999999977 : f32
    %mul3A_41 = vector.broadcast %mul3A_40 : f32 to vector<1024x128xf32>
    %mul3A_42 = arith.mulf %mul3A_41, %add3A_36 : vector<1024x128xf32>
    %select_n3A_43 = arith.select %ge3A_39, %add3A_36, %mul3A_42 : vector<1024x128xi1>, vector<1024x128xf32>
    %get3A_44 = arith.constant 0 : index
    %get3A_45 = arith.constant 0 : index
    %get3A_46 = vector.load %arg3[%get3A_44, %get3A_45] : memref<128x64xf32, #tpu.memory_space<vmem>>, vector<128x64xf32>
    %dot_general3A_47 = arith.constant dense<0.000000e+00> : vector<1024x64xf32>
    %dot_general3A_48 = tpu.matmul %select_n3A_43, %get3A_46, %dot_general3A_47 {dimension_numbers = #tpu.dot_dimension_numbers<[1], [0], [0], [1], [0, 0, 1, 1], [], []>, transpose_lhs_hint = false} : vector<1024x128xf32>, vector<128x64xf32>, vector<1024x64xf32> -> vector<1024x64xf32>
    %get3A_49 = arith.constant 0 : index
    %get3A_50 = arith.constant 0 : index
    %get3A_51 = vector.load %arg4[%get3A_49, %get3A_50] : memref<1x64xf32, #tpu.memory_space<vmem>>, vector<1x64xf32>
    %add3A_52 = vector.broadcast %get3A_51 : vector<1x64xf32> to vector<1024x64xf32>
    %add3A_53 = arith.addf %dot_general3A_48, %add3A_52 : vector<1024x64xf32>
    %ge3A_54 = arith.constant 0.000000e+00 : f32
    %ge3A_55 = vector.broadcast %ge3A_54 : f32 to vector<1024x64xf32>
    %ge3A_56 = arith.cmpf oge, %add3A_53, %ge3A_55 : vector<1024x64xf32>
    %mul3A_57 = arith.constant 0.00999999977 : f32
    %mul3A_58 = vector.broadcast %mul3A_57 : f32 to vector<1024x64xf32>
    %mul3A_59 = arith.mulf %mul3A_58, %add3A_53 : vector<1024x64xf32>
    %select_n3A_60 = arith.select %ge3A_56, %add3A_53, %mul3A_59 : vector<1024x64xi1>, vector<1024x64xf32>
    %add3A_61 = arith.addf %select_n3A_29, %select_n3A_60 : vector<1024x64xf32>
    %get3A_62 = arith.constant 2 : index
    %get3A_63 = arith.constant 0 : index
    %get3A_64 = arith.constant 0 : index
    %get3A_65 = arith.constant 0 : index
    %get3A_66 = vector.load %arg2[%get3A_62, %get3A_63, %get3A_64, %get3A_65] : memref<5x1x1024x128xf32, #tpu.memory_space<vmem>>, vector<1x1x1024x128xf32>
    %get3A_67 = vector.shape_cast %get3A_66 : vector<1x1x1024x128xf32> to vector<1024x128xf32>
    %add3A_68 = arith.addf %get3A_3, %get3A_67 : vector<1024x128xf32>
    %ge3A_69 = arith.constant 0.000000e+00 : f32
    %ge3A_70 = vector.broadcast %ge3A_69 : f32 to vector<1024x128xf32>
    %ge3A_71 = arith.cmpf oge, %add3A_68, %ge3A_70 : vector<1024x128xf32>
    %mul3A_72 = arith.constant 0.00999999977 : f32
    %mul3A_73 = vector.broadcast %mul3A_72 : f32 to vector<1024x128xf32>
    %mul3A_74 = arith.mulf %mul3A_73, %add3A_68 : vector<1024x128xf32>
    %select_n3A_75 = arith.select %ge3A_71, %add3A_68, %mul3A_74 : vector<1024x128xi1>, vector<1024x128xf32>
    %get3A_76 = arith.constant 0 : index
    %get3A_77 = arith.constant 0 : index
    %get3A_78 = vector.load %arg3[%get3A_76, %get3A_77] : memref<128x64xf32, #tpu.memory_space<vmem>>, vector<128x64xf32>
    %dot_general3A_79 = arith.constant dense<0.000000e+00> : vector<1024x64xf32>
    %dot_general3A_80 = tpu.matmul %select_n3A_75, %get3A_78, %dot_general3A_79 {dimension_numbers = #tpu.dot_dimension_numbers<[1], [0], [0], [1], [0, 0, 1, 1], [], []>, transpose_lhs_hint = false} : vector<1024x128xf32>, vector<128x64xf32>, vector<1024x64xf32> -> vector<1024x64xf32>
    %get3A_81 = arith.constant 0 : index
    %get3A_82 = arith.constant 0 : index
    %get3A_83 = vector.load %arg4[%get3A_81, %get3A_82] : memref<1x64xf32, #tpu.memory_space<vmem>>, vector<1x64xf32>
    %add3A_84 = vector.broadcast %get3A_83 : vector<1x64xf32> to vector<1024x64xf32>
    %add3A_85 = arith.addf %dot_general3A_80, %add3A_84 : vector<1024x64xf32>
    %ge3A_86 = arith.constant 0.000000e+00 : f32
    %ge3A_87 = vector.broadcast %ge3A_86 : f32 to vector<1024x64xf32>
    %ge3A_88 = arith.cmpf oge, %add3A_85, %ge3A_87 : vector<1024x64xf32>
    %mul3A_89 = arith.constant 0.00999999977 : f32
    %mul3A_90 = vector.broadcast %mul3A_89 : f32 to vector<1024x64xf32>
    %mul3A_91 = arith.mulf %mul3A_90, %add3A_85 : vector<1024x64xf32>
    %select_n3A_92 = arith.select %ge3A_88, %add3A_85, %mul3A_91 : vector<1024x64xi1>, vector<1024x64xf32>
    %add3A_93 = arith.addf %add3A_61, %select_n3A_92 : vector<1024x64xf32>
    %get3A_94 = arith.constant 3 : index
    %get3A_95 = arith.constant 0 : index
    %get3A_96 = arith.constant 0 : index
    %get3A_97 = arith.constant 0 : index
    %get3A_98 = vector.load %arg2[%get3A_94, %get3A_95, %get3A_96, %get3A_97] : memref<5x1x1024x128xf32, #tpu.memory_space<vmem>>, vector<1x1x1024x128xf32>
    %get3A_99 = vector.shape_cast %get3A_98 : vector<1x1x1024x128xf32> to vector<1024x128xf32>
    %add3A_100 = arith.addf %get3A_3, %get3A_99 : vector<1024x128xf32>
    %ge3A_101 = arith.constant 0.000000e+00 : f32
    %ge3A_102 = vector.broadcast %ge3A_101 : f32 to vector<1024x128xf32>
    %ge3A_103 = arith.cmpf oge, %add3A_100, %ge3A_102 : vector<1024x128xf32>
    %mul3A_104 = arith.constant 0.00999999977 : f32
    %mul3A_105 = vector.broadcast %mul3A_104 : f32 to vector<1024x128xf32>
    %mul3A_106 = arith.mulf %mul3A_105, %add3A_100 : vector<1024x128xf32>
    %select_n3A_107 = arith.select %ge3A_103, %add3A_100, %mul3A_106 : vector<1024x128xi1>, vector<1024x128xf32>
    %get3A_108 = arith.constant 0 : index
    %get3A_109 = arith.constant 0 : index
    %get3A_110 = vector.load %arg3[%get3A_108, %get3A_109] : memref<128x64xf32, #tpu.memory_space<vmem>>, vector<128x64xf32>
    %dot_general3A_111 = arith.constant dense<0.000000e+00> : vector<1024x64xf32>
    %dot_general3A_112 = tpu.matmul %select_n3A_107, %get3A_110, %dot_general3A_111 {dimension_numbers = #tpu.dot_dimension_numbers<[1], [0], [0], [1], [0, 0, 1, 1], [], []>, transpose_lhs_hint = false} : vector<1024x128xf32>, vector<128x64xf32>, vector<1024x64xf32> -> vector<1024x64xf32>
    %get3A_113 = arith.constant 0 : index
    %get3A_114 = arith.constant 0 : index
    %get3A_115 = vector.load %arg4[%get3A_113, %get3A_114] : memref<1x64xf32, #tpu.memory_space<vmem>>, vector<1x64xf32>
    %add3A_116 = vector.broadcast %get3A_115 : vector<1x64xf32> to vector<1024x64xf32>
    %add3A_117 = arith.addf %dot_general3A_112, %add3A_116 : vector<1024x64xf32>
    %ge3A_118 = arith.constant 0.000000e+00 : f32
    %ge3A_119 = vector.broadcast %ge3A_118 : f32 to vector<1024x64xf32>
    %ge3A_120 = arith.cmpf oge, %add3A_117, %ge3A_119 : vector<1024x64xf32>
    %mul3A_121 = arith.constant 0.00999999977 : f32
    %mul3A_122 = vector.broadcast %mul3A_121 : f32 to vector<1024x64xf32>
    %mul3A_123 = arith.mulf %mul3A_122, %add3A_117 : vector<1024x64xf32>
    %select_n3A_124 = arith.select %ge3A_120, %add3A_117, %mul3A_123 : vector<1024x64xi1>, vector<1024x64xf32>
    %add3A_125 = arith.addf %add3A_93, %select_n3A_124 : vector<1024x64xf32>
    %get3A_126 = arith.constant 4 : index
    %get3A_127 = arith.constant 0 : index
    %get3A_128 = arith.constant 0 : index
    %get3A_129 = arith.constant 0 : index
    %get3A_130 = vector.load %arg2[%get3A_126, %get3A_127, %get3A_128, %get3A_129] : memref<5x1x1024x128xf32, #tpu.memory_space<vmem>>, vector<1x1x1024x128xf32>
    %get3A_131 = vector.shape_cast %get3A_130 : vector<1x1x1024x128xf32> to vector<1024x128xf32>
    %add3A_132 = arith.addf %get3A_3, %get3A_131 : vector<1024x128xf32>
    %ge3A_133 = arith.constant 0.000000e+00 : f32
    %ge3A_134 = vector.broadcast %ge3A_133 : f32 to vector<1024x128xf32>
    %ge3A_135 = arith.cmpf oge, %add3A_132, %ge3A_134 : vector<1024x128xf32>
    %mul3A_136 = arith.constant 0.00999999977 : f32
    %mul3A_137 = vector.broadcast %mul3A_136 : f32 to vector<1024x128xf32>
    %mul3A_138 = arith.mulf %mul3A_137, %add3A_132 : vector<1024x128xf32>
    %select_n3A_139 = arith.select %ge3A_135, %add3A_132, %mul3A_138 : vector<1024x128xi1>, vector<1024x128xf32>
    %get3A_140 = arith.constant 0 : index
    %get3A_141 = arith.constant 0 : index
    %get3A_142 = vector.load %arg3[%get3A_140, %get3A_141] : memref<128x64xf32, #tpu.memory_space<vmem>>, vector<128x64xf32>
    %dot_general3A_143 = arith.constant dense<0.000000e+00> : vector<1024x64xf32>
    %dot_general3A_144 = tpu.matmul %select_n3A_139, %get3A_142, %dot_general3A_143 {dimension_numbers = #tpu.dot_dimension_numbers<[1], [0], [0], [1], [0, 0, 1, 1], [], []>, transpose_lhs_hint = false} : vector<1024x128xf32>, vector<128x64xf32>, vector<1024x64xf32> -> vector<1024x64xf32>
    %get3A_145 = arith.constant 0 : index
    %get3A_146 = arith.constant 0 : index
    %get3A_147 = vector.load %arg4[%get3A_145, %get3A_146] : memref<1x64xf32, #tpu.memory_space<vmem>>, vector<1x64xf32>
    %add3A_148 = vector.broadcast %get3A_147 : vector<1x64xf32> to vector<1024x64xf32>
    %add3A_149 = arith.addf %dot_general3A_144, %add3A_148 : vector<1024x64xf32>
    %ge3A_150 = arith.constant 0.000000e+00 : f32
    %ge3A_151 = vector.broadcast %ge3A_150 : f32 to vector<1024x64xf32>
    %ge3A_152 = arith.cmpf oge, %add3A_149, %ge3A_151 : vector<1024x64xf32>
    %mul3A_153 = arith.constant 0.00999999977 : f32
    %mul3A_154 = vector.broadcast %mul3A_153 : f32 to vector<1024x64xf32>
    %mul3A_155 = arith.mulf %mul3A_154, %add3A_149 : vector<1024x64xf32>
    %select_n3A_156 = arith.select %ge3A_152, %add3A_149, %mul3A_155 : vector<1024x64xi1>, vector<1024x64xf32>
    %add3A_157 = arith.addf %add3A_125, %select_n3A_156 : vector<1024x64xf32>
    %swap3A = arith.constant 0 : index
    %swap3A_158 = arith.constant 0 : index
    %swap3A_159 = arith.constant 0 : index
    %swap3A_160 = vector.load %arg8[%swap3A, %swap3A_158, %swap3A_159] : memref<1x1024x64xf32, #tpu.memory_space<vmem>>, vector<1x1024x64xf32>
    %swap3A_161 = vector.shape_cast %swap3A_160 : vector<1x1024x64xf32> to vector<1024x64xf32>
    %swap3A_162 = vector.shape_cast %add3A_157 : vector<1024x64xf32> to vector<1x1024x64xf32>
    tpu.vector_store %arg8[%swap3A, %swap3A_158, %swap3A_159], %swap3A_162 {strides = array<i32>} : memref<1x1024x64xf32, #tpu.memory_space<vmem>>, vector<1x1024x64xf32>,
    %mul3A_163 = arith.mulf %add3A_157, %add3A_157 : vector<1024x64xf32>
    %reduce_sum3A = arith.constant dense<0.000000e+00> : vector<1024xf32>
    %reduce_sum3A_164 = vector.multi_reduction <add>, %mul3A_163, %reduce_sum3A [1] : vector<1024x64xf32> to vector<1024xf32>
    %dot_general3A_165 = arith.constant dense<0.000000e+00> : vector<1024x1024xf32>
    %dot_general3A_166 = tpu.matmul %add3A_157, %add3A_157, %dot_general3A_165 {dimension_numbers = #tpu.dot_dimension_numbers<[1], [1], [0], [0], [0, 0, 1, 0], [], []>, transpose_lhs_hint = false} : vector<1024x64xf32>, vector<1024x64xf32>, vector<1024x1024xf32> -> vector<1024x1024xf32>
    %broadcast_in_dim3A = vector.shape_cast %reduce_sum3A_164 : vector<1024xf32> to vector<1024x1xf32>
    %mul3A_167 = arith.constant 2.000000e+00 : f32
    %mul3A_168 = vector.broadcast %mul3A_167 : f32 to vector<1024x1024xf32>
    %mul3A_169 = arith.mulf %mul3A_168, %dot_general3A_166 : vector<1024x1024xf32>
    %sub3A = vector.broadcast %broadcast_in_dim3A : vector<1024x1xf32> to vector<1024x1024xf32>
    %sub3A_170 = arith.subf %sub3A, %mul3A_169 : vector<1024x1024xf32>
    %broadcast_in_dim3A_171 = vector.shape_cast %reduce_sum3A_164 : vector<1024xf32> to vector<1x1024xf32>
    %add3A_172 = vector.broadcast %broadcast_in_dim3A_171 : vector<1x1024xf32> to vector<1024x1024xf32>
    %add3A_173 = arith.addf %sub3A_170, %add3A_172 : vector<1024x1024xf32>
    %iota3A = tpu.iota {dimensions = array<i32: 1>} : vector<1024x1024xi32>
    %reduce_min3A = arith.constant dense<0x7F800000> : vector<1024xf32>
    %reduce_min3A_174 = vector.multi_reduction <minimumf>, %add3A_173, %reduce_min3A [1] : vector<1024x1024xf32> to vector<1024xf32>
    %broadcast_in_dim3A_175 = vector.shape_cast %reduce_min3A_174 : vector<1024xf32> to vector<1024x1xf32>
    %eq3A = vector.broadcast %broadcast_in_dim3A_175 : vector<1024x1xf32> to vector<1024x1024xf32>
    %eq3A_176 = arith.cmpf oeq, %add3A_173, %eq3A : vector<1024x1024xf32>
    %jit3A = arith.constant 1024 : i32
    %broadcast_in_dim3A_177 = vector.broadcast %jit3A : i32 to vector<1024x1024xi32>
    %select_n3A_178 = arith.select %eq3A_176, %iota3A, %broadcast_in_dim3A_177 : vector<1024x1024xi1>, vector<1024x1024xi32>
    %reduce_min3A_179 = arith.constant dense<2147483647> : vector<1024xi32>
    %reduce_min3A_180 = vector.multi_reduction <minsi>, %select_n3A_178, %reduce_min3A_179 [1] : vector<1024x1024xi32> to vector<1024xi32>
    %mul3A_181 = arith.constant 1024 : i32
    %mul3A_182 = arith.muli %arg0, %mul3A_181 : i32
    %add3A_183 = vector.broadcast %mul3A_182 : i32 to vector<1024xi32>
    %add3A_184 = arith.addi %reduce_min3A_180, %add3A_183 : vector<1024xi32>
    %broadcast_in_dim3A_185 = vector.shape_cast %reduce_min3A_180 : vector<1024xi32> to vector<1024x1xi32>
    %eq3A_186 = vector.broadcast %broadcast_in_dim3A_185 : vector<1024x1xi32> to vector<1024x1024xi32>
    %eq3A_187 = arith.cmpi eq, %iota3A, %eq3A_186 : vector<1024x1024xi32>
    %jit3A_188 = arith.constant 0x7F800000 : f32
    %broadcast_in_dim3A_189 = vector.broadcast %jit3A_188 : f32 to vector<1024x1024xf32>
    %select_n3A_190 = arith.select %eq3A_187, %broadcast_in_dim3A_189, %add3A_173 : vector<1024x1024xi1>, vector<1024x1024xf32>
    %reduce_min3A_191 = arith.constant dense<0x7F800000> : vector<1024xf32>
    %reduce_min3A_192 = vector.multi_reduction <minimumf>, %select_n3A_190, %reduce_min3A_191 [1] : vector<1024x1024xf32> to vector<1024xf32>
    %broadcast_in_dim3A_193 = vector.shape_cast %reduce_min3A_192 : vector<1024xf32> to vector<1024x1xf32>
    %eq3A_194 = vector.broadcast %broadcast_in_dim3A_193 : vector<1024x1xf32> to vector<1024x1024xf32>
    %eq3A_195 = arith.cmpf oeq, %select_n3A_190, %eq3A_194 : vector<1024x1024xf32>
    %jit3A_196 = arith.constant 1024 : i32
    %broadcast_in_dim3A_197 = vector.broadcast %jit3A_196 : i32 to vector<1024x1024xi32>
    %select_n3A_198 = arith.select %eq3A_195, %iota3A, %broadcast_in_dim3A_197 : vector<1024x1024xi1>, vector<1024x1024xi32>
    %reduce_min3A_199 = arith.constant dense<2147483647> : vector<1024xi32>
    %reduce_min3A_200 = vector.multi_reduction <minsi>, %select_n3A_198, %reduce_min3A_199 [1] : vector<1024x1024xi32> to vector<1024xi32>
    %mul3A_201 = arith.constant 1024 : i32
    %mul3A_202 = arith.muli %arg0, %mul3A_201 : i32
    %add3A_203 = vector.broadcast %mul3A_202 : i32 to vector<1024xi32>
    %add3A_204 = arith.addi %reduce_min3A_200, %add3A_203 : vector<1024xi32>
    %broadcast_in_dim3A_205 = vector.shape_cast %reduce_min3A_200 : vector<1024xi32> to vector<1024x1xi32>
    %eq3A_206 = vector.broadcast %broadcast_in_dim3A_205 : vector<1024x1xi32> to vector<1024x1024xi32>
    %eq3A_207 = arith.cmpi eq, %iota3A, %eq3A_206 : vector<1024x1024xi32>
    %jit3A_208 = arith.constant 0x7F800000 : f32
    %broadcast_in_dim3A_209 = vector.broadcast %jit3A_208 : f32 to vector<1024x1024xf32>
    %select_n3A_210 = arith.select %eq3A_207, %broadcast_in_dim3A_209, %select_n3A_190 : vector<1024x1024xi1>, vector<1024x1024xf32>
    %reduce_min3A_211 = arith.constant dense<0x7F800000> : vector<1024xf32>
    %reduce_min3A_212 = vector.multi_reduction <minimumf>, %select_n3A_210, %reduce_min3A_211 [1] : vector<1024x1024xf32> to vector<1024xf32>
    %broadcast_in_dim3A_213 = vector.shape_cast %reduce_min3A_212 : vector<1024xf32> to vector<1024x1xf32>
    %eq3A_214 = vector.broadcast %broadcast_in_dim3A_213 : vector<1024x1xf32> to vector<1024x1024xf32>
    %eq3A_215 = arith.cmpf oeq, %select_n3A_210, %eq3A_214 : vector<1024x1024xf32>
    %jit3A_216 = arith.constant 1024 : i32
    %broadcast_in_dim3A_217 = vector.broadcast %jit3A_216 : i32 to vector<1024x1024xi32>
    %select_n3A_218 = arith.select %eq3A_215, %iota3A, %broadcast_in_dim3A_217 : vector<1024x1024xi1>, vector<1024x1024xi32>
    %reduce_min3A_219 = arith.constant dense<2147483647> : vector<1024xi32>
    %reduce_min3A_220 = vector.multi_reduction <minsi>, %select_n3A_218, %reduce_min3A_219 [1] : vector<1024x1024xi32> to vector<1024xi32>
    %mul3A_221 = arith.constant 1024 : i32
    %mul3A_222 = arith.muli %arg0, %mul3A_221 : i32
    %add3A_223 = vector.broadcast %mul3A_222 : i32 to vector<1024xi32>
    %add3A_224 = arith.addi %reduce_min3A_220, %add3A_223 : vector<1024xi32>
    %broadcast_in_dim3A_225 = vector.shape_cast %reduce_min3A_220 : vector<1024xi32> to vector<1024x1xi32>
    %eq3A_226 = vector.broadcast %broadcast_in_dim3A_225 : vector<1024x1xi32> to vector<1024x1024xi32>
    %eq3A_227 = arith.cmpi eq, %iota3A, %eq3A_226 : vector<1024x1024xi32>
    %jit3A_228 = arith.constant 0x7F800000 : f32
    %broadcast_in_dim3A_229 = vector.broadcast %jit3A_228 : f32 to vector<1024x1024xf32>
    %select_n3A_230 = arith.select %eq3A_227, %broadcast_in_dim3A_229, %select_n3A_210 : vector<1024x1024xi1>, vector<1024x1024xf32>
    %reduce_min3A_231 = arith.constant dense<0x7F800000> : vector<1024xf32>
    %reduce_min3A_232 = vector.multi_reduction <minimumf>, %select_n3A_230, %reduce_min3A_231 [1] : vector<1024x1024xf32> to vector<1024xf32>
    %broadcast_in_dim3A_233 = vector.shape_cast %reduce_min3A_232 : vector<1024xf32> to vector<1024x1xf32>
    %eq3A_234 = vector.broadcast %broadcast_in_dim3A_233 : vector<1024x1xf32> to vector<1024x1024xf32>
    %eq3A_235 = arith.cmpf oeq, %select_n3A_230, %eq3A_234 : vector<1024x1024xf32>
    %jit3A_236 = arith.constant 1024 : i32
    %broadcast_in_dim3A_237 = vector.broadcast %jit3A_236 : i32 to vector<1024x1024xi32>
    %select_n3A_238 = arith.select %eq3A_235, %iota3A, %broadcast_in_dim3A_237 : vector<1024x1024xi1>, vector<1024x1024xi32>
    %reduce_min3A_239 = arith.constant dense<2147483647> : vector<1024xi32>
    %reduce_min3A_240 = vector.multi_reduction <minsi>, %select_n3A_238, %reduce_min3A_239 [1] : vector<1024x1024xi32> to vector<1024xi32>
    %mul3A_241 = arith.constant 1024 : i32
    %mul3A_242 = arith.muli %arg0, %mul3A_241 : i32
    %add3A_243 = vector.broadcast %mul3A_242 : i32 to vector<1024xi32>
    %add3A_244 = arith.addi %reduce_min3A_240, %add3A_243 : vector<1024xi32>
    %broadcast_in_dim3A_245 = vector.shape_cast %reduce_min3A_240 : vector<1024xi32> to vector<1024x1xi32>
    %eq3A_246 = vector.broadcast %broadcast_in_dim3A_245 : vector<1024x1xi32> to vector<1024x1024xi32>
    %eq3A_247 = arith.cmpi eq, %iota3A, %eq3A_246 : vector<1024x1024xi32>
    %jit3A_248 = arith.constant 0x7F800000 : f32
    %broadcast_in_dim3A_249 = vector.broadcast %jit3A_248 : f32 to vector<1024x1024xf32>
    %select_n3A_250 = arith.select %eq3A_247, %broadcast_in_dim3A_249, %select_n3A_230 : vector<1024x1024xi1>, vector<1024x1024xf32>
    %reduce_min3A_251 = arith.constant dense<0x7F800000> : vector<1024xf32>
    %reduce_min3A_252 = vector.multi_reduction <minimumf>, %select_n3A_250, %reduce_min3A_251 [1] : vector<1024x1024xf32> to vector<1024xf32>
    %broadcast_in_dim3A_253 = vector.shape_cast %reduce_min3A_252 : vector<1024xf32> to vector<1024x1xf32>
    %eq3A_254 = vector.broadcast %broadcast_in_dim3A_253 : vector<1024x1xf32> to vector<1024x1024xf32>
    %eq3A_255 = arith.cmpf oeq, %select_n3A_250, %eq3A_254 : vector<1024x1024xf32>
    %jit3A_256 = arith.constant 1024 : i32
    %broadcast_in_dim3A_257 = vector.broadcast %jit3A_256 : i32 to vector<1024x1024xi32>
    %select_n3A_258 = arith.select %eq3A_255, %iota3A, %broadcast_in_dim3A_257 : vector<1024x1024xi1>, vector<1024x1024xi32>
    %reduce_min3A_259 = arith.constant dense<2147483647> : vector<1024xi32>
    %reduce_min3A_260 = vector.multi_reduction <minsi>, %select_n3A_258, %reduce_min3A_259 [1] : vector<1024x1024xi32> to vector<1024xi32>
    %mul3A_261 = arith.constant 1024 : i32
    %mul3A_262 = arith.muli %arg0, %mul3A_261 : i32
    %add3A_263 = vector.broadcast %mul3A_262 : i32 to vector<1024xi32>
    %add3A_264 = arith.addi %reduce_min3A_260, %add3A_263 : vector<1024xi32>
    %broadcast_in_dim3A_265 = vector.shape_cast %add3A_184 : vector<1024xi32> to vector<1x1024xi32>
    %swap3A_266 = arith.constant 0 : index
    %swap3A_267 = arith.constant 0 : index
    %swap3A_268 = arith.constant 0 : index
    %swap3A_269 = arith.constant 0 : index
    %swap3A_270 = vector.load %arg11[%swap3A_266, %swap3A_267, %swap3A_268, %swap3A_269] : memref<5x1x1x1024xi32, #tpu.memory_space<vmem>>, vector<1x1x1x1024xi32>
    %swap3A_271 = vector.shape_cast %swap3A_270 : vector<1x1x1x1024xi32> to vector<1x1024xi32>
    %swap3A_272 = vector.shape_cast %broadcast_in_dim3A_265 : vector<1x1024xi32> to vector<1x1x1x1024xi32>
    tpu.vector_store %arg11[%swap3A_266, %swap3A_267, %swap3A_268, %swap3A_269], %swap3A_272 {strides = array<i32>} : memref<5x1x1x1024xi32, #tpu.memory_space<vmem>>, vector<1x1x1x1024xi32>,
    %broadcast_in_dim3A_273 = vector.shape_cast %add3A_204 : vector<1024xi32> to vector<1x1024xi32>
    %swap3A_274 = arith.constant 1 : index
    %swap3A_275 = arith.constant 0 : index
    %swap3A_276 = arith.constant 0 : index
    %swap3A_277 = arith.constant 0 : index
    %swap3A_278 = vector.load %arg11[%swap3A_274, %swap3A_275, %swap3A_276, %swap3A_277] : memref<5x1x1x1024xi32, #tpu.memory_space<vmem>>, vector<1x1x1x1024xi32>
    %swap3A_279 = vector.shape_cast %swap3A_278 : vector<1x1x1x1024xi32> to vector<1x1024xi32>
    %swap3A_280 = vector.shape_cast %broadcast_in_dim3A_273 : vector<1x1024xi32> to vector<1x1x1x1024xi32>
    tpu.vector_store %arg11[%swap3A_274, %swap3A_275, %swap3A_276, %swap3A_277], %swap3A_280 {strides = array<i32>} : memref<5x1x1x1024xi32, #tpu.memory_space<vmem>>, vector<1x1x1x1024xi32>,
    %broadcast_in_dim3A_281 = vector.shape_cast %add3A_224 : vector<1024xi32> to vector<1x1024xi32>
    %swap3A_282 = arith.constant 2 : index
    %swap3A_283 = arith.constant 0 : index
    %swap3A_284 = arith.constant 0 : index
    %swap3A_285 = arith.constant 0 : index
    %swap3A_286 = vector.load %arg11[%swap3A_282, %swap3A_283, %swap3A_284, %swap3A_285] : memref<5x1x1x1024xi32, #tpu.memory_space<vmem>>, vector<1x1x1x1024xi32>
    %swap3A_287 = vector.shape_cast %swap3A_286 : vector<1x1x1x1024xi32> to vector<1x1024xi32>
    %swap3A_288 = vector.shape_cast %broadcast_in_dim3A_281 : vector<1x1024xi32> to vector<1x1x1x1024xi32>
    tpu.vector_store %arg11[%swap3A_282, %swap3A_283, %swap3A_284, %swap3A_285], %swap3A_288 {strides = array<i32>} : memref<5x1x1x1024xi32, #tpu.memory_space<vmem>>, vector<1x1x1x1024xi32>,
    %broadcast_in_dim3A_289 = vector.shape_cast %add3A_244 : vector<1024xi32> to vector<1x1024xi32>
    %swap3A_290 = arith.constant 3 : index
    %swap3A_291 = arith.constant 0 : index
    %swap3A_292 = arith.constant 0 : index
    %swap3A_293 = arith.constant 0 : index
    %swap3A_294 = vector.load %arg11[%swap3A_290, %swap3A_291, %swap3A_292, %swap3A_293] : memref<5x1x1x1024xi32, #tpu.memory_space<vmem>>, vector<1x1x1x1024xi32>
    %swap3A_295 = vector.shape_cast %swap3A_294 : vector<1x1x1x1024xi32> to vector<1x1024xi32>
    %swap3A_296 = vector.shape_cast %broadcast_in_dim3A_289 : vector<1x1024xi32> to vector<1x1x1x1024xi32>
    tpu.vector_store %arg11[%swap3A_290, %swap3A_291, %swap3A_292, %swap3A_293], %swap3A_296 {strides = array<i32>} : memref<5x1x1x1024xi32, #tpu.memory_space<vmem>>, vector<1x1x1x1024xi32>,
    %broadcast_in_dim3A_297 = vector.shape_cast %add3A_264 : vector<1024xi32> to vector<1x1024xi32>
    %swap3A_298 = arith.constant 4 : index
    %swap3A_299 = arith.constant 0 : index
    %swap3A_300 = arith.constant 0 : index
    %swap3A_301 = arith.constant 0 : index
    %swap3A_302 = vector.load %arg11[%swap3A_298, %swap3A_299, %swap3A_300, %swap3A_301] : memref<5x1x1x1024xi32, #tpu.memory_space<vmem>>, vector<1x1x1x1024xi32>
    %swap3A_303 = vector.shape_cast %swap3A_302 : vector<1x1x1x1024xi32> to vector<1x1024xi32>
    %swap3A_304 = vector.shape_cast %broadcast_in_dim3A_297 : vector<1x1024xi32> to vector<1x1x1x1024xi32>
    tpu.vector_store %arg11[%swap3A_298, %swap3A_299, %swap3A_300, %swap3A_301], %swap3A_304 {strides = array<i32>} : memref<5x1x1x1024xi32, #tpu.memory_space<vmem>>, vector<1x1x1x1024xi32>,
    %get3A_305 = arith.constant 0 : index
    %get3A_306 = arith.constant 0 : index
    %get3A_307 = vector.load %arg5[%get3A_305, %get3A_306] : memref<64x128xf32, #tpu.memory_space<vmem>>, vector<64x128xf32>
    %dot_general3A_308 = arith.constant dense<0.000000e+00> : vector<1024x128xf32>
    %dot_general3A_309 = tpu.matmul %add3A_157, %get3A_307, %dot_general3A_308 {dimension_numbers = #tpu.dot_dimension_numbers<[1], [0], [0], [1], [0, 0, 1, 1], [], []>, transpose_lhs_hint = false} : vector<1024x64xf32>, vector<64x128xf32>, vector<1024x128xf32> -> vector<1024x128xf32>
    %get3A_310 = arith.constant 0 : index
    %get3A_311 = arith.constant 0 : index
    %get3A_312 = vector.load %arg7[%get3A_310, %get3A_311] : memref<1x128xf32, #tpu.memory_space<vmem>>, vector<1x128xf32>
    %add3A_313 = vector.broadcast %get3A_312 : vector<1x128xf32> to vector<1024x128xf32>
    %add3A_314 = arith.addf %dot_general3A_309, %add3A_313 : vector<1024x128xf32>
    %swap3A_315 = arith.constant 0 : index
    %swap3A_316 = arith.constant 0 : index
    %swap3A_317 = arith.constant 0 : index
    %swap3A_318 = vector.load %arg9[%swap3A_315, %swap3A_316, %swap3A_317] : memref<1x1024x128xf32, #tpu.memory_space<vmem>>, vector<1x1024x128xf32>
    %swap3A_319 = vector.shape_cast %swap3A_318 : vector<1x1024x128xf32> to vector<1024x128xf32>
    %swap3A_320 = vector.shape_cast %add3A_314 : vector<1024x128xf32> to vector<1x1024x128xf32>
    tpu.vector_store %arg9[%swap3A_315, %swap3A_316, %swap3A_317], %swap3A_320 {strides = array<i32>} : memref<1x1024x128xf32, #tpu.memory_space<vmem>>, vector<1x1024x128xf32>,
    %get3A_321 = arith.constant 0 : index
    %get3A_322 = arith.constant 0 : index
    %get3A_323 = vector.load %arg6[%get3A_321, %get3A_322] : memref<64x128xf32, #tpu.memory_space<vmem>>, vector<64x128xf32>
    %dot_general3A_324 = arith.constant dense<0.000000e+00> : vector<1024x128xf32>
    %dot_general3A_325 = tpu.matmul %add3A_157, %get3A_323, %dot_general3A_324 {dimension_numbers = #tpu.dot_dimension_numbers<[1], [0], [0], [1], [0, 0, 1, 1], [], []>, transpose_lhs_hint = false} : vector<1024x64xf32>, vector<64x128xf32>, vector<1024x128xf32> -> vector<1024x128xf32>
    %swap3A_326 = arith.constant 0 : index
    %swap3A_327 = arith.constant 0 : index
    %swap3A_328 = arith.constant 0 : index
    %swap3A_329 = vector.load %arg10[%swap3A_326, %swap3A_327, %swap3A_328] : memref<1x1024x128xf32, #tpu.memory_space<vmem>>, vector<1x1024x128xf32>
    %swap3A_330 = vector.shape_cast %swap3A_329 : vector<1x1024x128xf32> to vector<1024x128xf32>
    %swap3A_331 = vector.shape_cast %dot_general3A_325 : vector<1024x128xf32> to vector<1x1024x128xf32>
    tpu.vector_store %arg10[%swap3A_326, %swap3A_327, %swap3A_328], %swap3A_331 {strides = array<i32>} : memref<1x1024x128xf32, #tpu.memory_space<vmem>>, vector<1x1024x128xf32>,
    return
  }
  func.func @transform_0(%arg0: i32) -> (i32, i32, i32) {
    %c0_i32 = arith.constant 0 : i32
    %c0_i32_0 = arith.constant 0 : i32
    %c0_i32_1 = arith.constant 0 : i32
    return %arg0, %c0_i32, %c0_i32_0 : i32, i32, i32
  }
  func.func @transform_1(%arg0: i32) -> (i32, i32, i32, i32) {
    %c0_i32 = arith.constant 0 : i32
    %c0_i32_0 = arith.constant 0 : i32
    %c0_i32_1 = arith.constant 0 : i32
    %c0_i32_2 = arith.constant 0 : i32
    return %c0_i32, %arg0, %c0_i32_0, %c0_i32_1 : i32, i32, i32, i32
  }
  func.func @transform_2(%arg0: i32) -> (i32, i32) {
    %c0_i32 = arith.constant 0 : i32
    %c0_i32_0 = arith.constant 0 : i32
    %c0_i32_1 = arith.constant 0 : i32
    return %c0_i32, %c0_i32_0 : i32, i32
  }
  func.func @transform_3(%arg0: i32) -> (i32, i32) {
    %c0_i32 = arith.constant 0 : i32
    %c0_i32_0 = arith.constant 0 : i32
    %c0_i32_1 = arith.constant 0 : i32
    return %c0_i32, %c0_i32_0 : i32, i32
  }
  func.func @transform_4(%arg0: i32) -> (i32, i32) {
    %c0_i32 = arith.constant 0 : i32
    %c0_i32_0 = arith.constant 0 : i32
    %c0_i32_1 = arith.constant 0 : i32
    return %c0_i32, %c0_i32_0 : i32, i32
  }
  func.func @transform_5(%arg0: i32) -> (i32, i32) {
    %c0_i32 = arith.constant 0 : i32
    %c0_i32_0 = arith.constant 0 : i32
    %c0_i32_1 = arith.constant 0 : i32
    return %c0_i32, %c0_i32_0 : i32, i32
  }
  func.func @transform_6(%arg0: i32) -> (i32, i32) {
    %c0_i32 = arith.constant 0 : i32
    %c0_i32_0 = arith.constant 0 : i32
    %c0_i32_1 = arith.constant 0 : i32
    return %c0_i32, %c0_i32_0 : i32, i32
  }
  func.func @transform_7(%arg0: i32) -> (i32, i32, i32) {
    %c0_i32 = arith.constant 0 : i32
    %c0_i32_0 = arith.constant 0 : i32
    %c0_i32_1 = arith.constant 0 : i32
    return %arg0, %c0_i32, %c0_i32_0 : i32, i32, i32
  }
  func.func @transform_8(%arg0: i32) -> (i32, i32, i32) {
    %c0_i32 = arith.constant 0 : i32
    %c0_i32_0 = arith.constant 0 : i32
    %c0_i32_1 = arith.constant 0 : i32
    return %arg0, %c0_i32, %c0_i32_0 : i32, i32, i32
  }
  func.func @transform_9(%arg0: i32) -> (i32, i32, i32) {
    %c0_i32 = arith.constant 0 : i32
    %c0_i32_0 = arith.constant 0 : i32
    %c0_i32_1 = arith.constant 0 : i32
    return %arg0, %c0_i32, %c0_i32_0 : i32, i32, i32
  }
  func.func @transform_10(%arg0: i32) -> (i32, i32, i32, i32) {
    %c0_i32 = arith.constant 0 : i32
    %c0_i32_0 = arith.constant 0 : i32
    %c0_i32_1 = arith.constant 0 : i32
    %c0_i32_2 = arith.constant 0 : i32
    return %c0_i32, %arg0, %c0_i32_0, %c0_i32_1 : i32, i32, i32, i32
  }
}

module attributes {stable_mosaic.version = 14 : i64} {
  func.func @_head_body(%arg0: memref<16x512xf32, #tpu.memory_space<vmem>>, %arg1: memref<512x256xf32, #tpu.memory_space<vmem>>, %arg2: memref<1x256xf32, #tpu.memory_space<vmem>>, %arg3: memref<256x16xf32, #tpu.memory_space<vmem>>, %arg4: memref<1x16xf32, #tpu.memory_space<vmem>>, %arg5: memref<16x16xf32, #tpu.memory_space<vmem>>) attributes {dimension_semantics = [], scalar_prefetch = 0 : i64, scratch_operands = 0 : i64, tpu.core_type = #tpu.core_type<tc>} {
    %get3A = arith.constant 0 : index
    %get3A_0 = arith.constant 0 : index
    %get3A_1 = vector.load %arg0[%get3A, %get3A_0] : memref<16x512xf32, #tpu.memory_space<vmem>>, vector<16x512xf32>
    %ge3A = arith.constant 0.000000e+00 : f32
    %ge3A_2 = vector.broadcast %ge3A : f32 to vector<16x512xf32>
    %ge3A_3 = arith.cmpf oge, %get3A_1, %ge3A_2 : vector<16x512xf32>
    %mul3A = arith.constant 0.00999999977 : f32
    %mul3A_4 = vector.broadcast %mul3A : f32 to vector<16x512xf32>
    %mul3A_5 = arith.mulf %mul3A_4, %get3A_1 : vector<16x512xf32>
    %select_n3A = arith.select %ge3A_3, %get3A_1, %mul3A_5 : vector<16x512xi1>, vector<16x512xf32>
    %get3A_6 = arith.constant 0 : index
    %get3A_7 = arith.constant 0 : index
    %get3A_8 = vector.load %arg1[%get3A_6, %get3A_7] : memref<512x256xf32, #tpu.memory_space<vmem>>, vector<512x256xf32>
    %dot_general3A = arith.constant dense<0.000000e+00> : vector<16x256xf32>
    %dot_general3A_9 = tpu.matmul %select_n3A, %get3A_8, %dot_general3A {dimension_numbers = #tpu.dot_dimension_numbers<[1], [0], [0], [1], [0, 0, 1, 1], [], []>, transpose_lhs_hint = false} : vector<16x512xf32>, vector<512x256xf32>, vector<16x256xf32> -> vector<16x256xf32>
    %get3A_10 = arith.constant 0 : index
    %get3A_11 = arith.constant 0 : index
    %get3A_12 = vector.load %arg2[%get3A_10, %get3A_11] : memref<1x256xf32, #tpu.memory_space<vmem>>, vector<1x256xf32>
    %add3A = vector.broadcast %get3A_12 : vector<1x256xf32> to vector<16x256xf32>
    %add3A_13 = arith.addf %dot_general3A_9, %add3A : vector<16x256xf32>
    %ge3A_14 = arith.constant 0.000000e+00 : f32
    %ge3A_15 = vector.broadcast %ge3A_14 : f32 to vector<16x256xf32>
    %ge3A_16 = arith.cmpf oge, %add3A_13, %ge3A_15 : vector<16x256xf32>
    %mul3A_17 = arith.constant 0.00999999977 : f32
    %mul3A_18 = vector.broadcast %mul3A_17 : f32 to vector<16x256xf32>
    %mul3A_19 = arith.mulf %mul3A_18, %add3A_13 : vector<16x256xf32>
    %select_n3A_20 = arith.select %ge3A_16, %add3A_13, %mul3A_19 : vector<16x256xi1>, vector<16x256xf32>
    %get3A_21 = arith.constant 0 : index
    %get3A_22 = arith.constant 0 : index
    %get3A_23 = vector.load %arg3[%get3A_21, %get3A_22] : memref<256x16xf32, #tpu.memory_space<vmem>>, vector<256x16xf32>
    %dot_general3A_24 = arith.constant dense<0.000000e+00> : vector<16x16xf32>
    %dot_general3A_25 = tpu.matmul %select_n3A_20, %get3A_23, %dot_general3A_24 {dimension_numbers = #tpu.dot_dimension_numbers<[1], [0], [0], [1], [0, 0, 1, 1], [], []>, transpose_lhs_hint = false} : vector<16x256xf32>, vector<256x16xf32>, vector<16x16xf32> -> vector<16x16xf32>
    %get3A_26 = arith.constant 0 : index
    %get3A_27 = arith.constant 0 : index
    %get3A_28 = vector.load %arg4[%get3A_26, %get3A_27] : memref<1x16xf32, #tpu.memory_space<vmem>>, vector<1x16xf32>
    %add3A_29 = vector.broadcast %get3A_28 : vector<1x16xf32> to vector<16x16xf32>
    %add3A_30 = arith.addf %dot_general3A_25, %add3A_29 : vector<16x16xf32>
    %swap3A = arith.constant 0 : index
    %swap3A_31 = arith.constant 0 : index
    %swap3A_32 = vector.load %arg5[%swap3A, %swap3A_31] : memref<16x16xf32, #tpu.memory_space<vmem>>, vector<16x16xf32>
    tpu.vector_store %arg5[%swap3A, %swap3A_31], %add3A_30 {strides = array<i32>} : memref<16x16xf32, #tpu.memory_space<vmem>>, vector<16x16xf32>,
    return
  }
}

module attributes {stable_mosaic.version = 14 : i64} {
  func.func @_k4_body(%arg0: i32, %arg1: memref<1x1024x128xf32, #tpu.memory_space<vmem>>, %arg2: memref<5x1x1024x128xf32, #tpu.memory_space<vmem>>, %arg3: memref<128x64xf32, #tpu.memory_space<vmem>>, %arg4: memref<1x64xf32, #tpu.memory_space<vmem>>, %arg5: memref<1x1024x4xf32, #tpu.memory_space<vmem>>, %arg6: memref<1x1024x64xf32, #tpu.memory_space<vmem>>, %arg7: memref<1x1024x64xf32, #tpu.memory_space<vmem>>, %arg8: memref<4x512xf32, #tpu.memory_space<vmem>>, %arg9: memref<64x512xf32, #tpu.memory_space<vmem>>, %arg10: memref<64x512xf32, #tpu.memory_space<vmem>>, %arg11: memref<64x512xf32, #tpu.memory_space<vmem>>, %arg12: memref<1x512xf32, #tpu.memory_space<vmem>>, %arg13: memref<512x256xf32, #tpu.memory_space<vmem>>, %arg14: memref<1x256xf32, #tpu.memory_space<vmem>>, %arg15: memref<1x1x256xf32, #tpu.memory_space<vmem>>) attributes {dimension_semantics = [#tpu.dimension_semantics<arbitrary>], iteration_bounds = array<i64: 16>, scalar_prefetch = 0 : i64, scratch_operands = 0 : i64, tpu.core_type = #tpu.core_type<tc>, window_params = [{transform_indices = @transform_0, window_bounds = array<i64: 1, 1024, 128>}, {transform_indices = @transform_1, window_bounds = array<i64: 5, 1, 1024, 128>}, {pipeline_mode = #tpu.pipeline_mode<synchronous>, transform_indices = @transform_2, window_bounds = array<i64: 128, 64>}, {pipeline_mode = #tpu.pipeline_mode<synchronous>, transform_indices = @transform_3, window_bounds = array<i64: 1, 64>}, {transform_indices = @transform_4, window_bounds = array<i64: 1, 1024, 4>}, {transform_indices = @transform_5, window_bounds = array<i64: 1, 1024, 64>}, {transform_indices = @transform_6, window_bounds = array<i64: 1, 1024, 64>}, {pipeline_mode = #tpu.pipeline_mode<synchronous>, transform_indices = @transform_7, window_bounds = array<i64: 4, 512>}, {pipeline_mode = #tpu.pipeline_mode<synchronous>, transform_indices = @transform_8, window_bounds = array<i64: 64, 512>}, {pipeline_mode = #tpu.pipeline_mode<synchronous>, transform_indices = @transform_9, window_bounds = array<i64: 64, 512>}, {pipeline_mode = #tpu.pipeline_mode<synchronous>, transform_indices = @transform_10, window_bounds = array<i64: 64, 512>}, {pipeline_mode = #tpu.pipeline_mode<synchronous>, transform_indices = @transform_11, window_bounds = array<i64: 1, 512>}, {pipeline_mode = #tpu.pipeline_mode<synchronous>, transform_indices = @transform_12, window_bounds = array<i64: 512, 256>}, {pipeline_mode = #tpu.pipeline_mode<synchronous>, transform_indices = @transform_13, window_bounds = array<i64: 1, 256>}, {transform_indices = @transform_14, window_bounds = array<i64: 1, 1, 256>}]} {
    %get3A = arith.constant 0 : index
    %get3A_0 = arith.constant 0 : index
    %get3A_1 = arith.constant 0 : index
    %get3A_2 = vector.load %arg1[%get3A, %get3A_0, %get3A_1] : memref<1x1024x128xf32, #tpu.memory_space<vmem>>, vector<1x1024x128xf32>
    %get3A_3 = vector.shape_cast %get3A_2 : vector<1x1024x128xf32> to vector<1024x128xf32>
    %get3A_4 = arith.constant 0 : index
    %get3A_5 = arith.constant 0 : index
    %get3A_6 = arith.constant 0 : index
    %get3A_7 = arith.constant 0 : index
    %get3A_8 = vector.load %arg2[%get3A_4, %get3A_5, %get3A_6, %get3A_7] : memref<5x1x1024x128xf32, #tpu.memory_space<vmem>>, vector<1x1x1024x128xf32>
    %get3A_9 = vector.shape_cast %get3A_8 : vector<1x1x1024x128xf32> to vector<1024x128xf32>
    %add3A = arith.addf %get3A_3, %get3A_9 : vector<1024x128xf32>
    %ge3A = arith.constant 0.000000e+00 : f32
    %ge3A_10 = vector.broadcast %ge3A : f32 to vector<1024x128xf32>
    %ge3A_11 = arith.cmpf oge, %add3A, %ge3A_10 : vector<1024x128xf32>
    %mul3A = arith.constant 0.00999999977 : f32
    %mul3A_12 = vector.broadcast %mul3A : f32 to vector<1024x128xf32>
    %mul3A_13 = arith.mulf %mul3A_12, %add3A : vector<1024x128xf32>
    %select_n3A = arith.select %ge3A_11, %add3A, %mul3A_13 : vector<1024x128xi1>, vector<1024x128xf32>
    %get3A_14 = arith.constant 0 : index
    %get3A_15 = arith.constant 0 : index
    %get3A_16 = vector.load %arg3[%get3A_14, %get3A_15] : memref<128x64xf32, #tpu.memory_space<vmem>>, vector<128x64xf32>
    %dot_general3A = arith.constant dense<0.000000e+00> : vector<1024x64xf32>
    %dot_general3A_17 = tpu.matmul %select_n3A, %get3A_16, %dot_general3A {dimension_numbers = #tpu.dot_dimension_numbers<[1], [0], [0], [1], [0, 0, 1, 1], [], []>, transpose_lhs_hint = false} : vector<1024x128xf32>, vector<128x64xf32>, vector<1024x64xf32> -> vector<1024x64xf32>
    %get3A_18 = arith.constant 0 : index
    %get3A_19 = arith.constant 0 : index
    %get3A_20 = vector.load %arg4[%get3A_18, %get3A_19] : memref<1x64xf32, #tpu.memory_space<vmem>>, vector<1x64xf32>
    %add3A_21 = vector.broadcast %get3A_20 : vector<1x64xf32> to vector<1024x64xf32>
    %add3A_22 = arith.addf %dot_general3A_17, %add3A_21 : vector<1024x64xf32>
    %ge3A_23 = arith.constant 0.000000e+00 : f32
    %ge3A_24 = vector.broadcast %ge3A_23 : f32 to vector<1024x64xf32>
    %ge3A_25 = arith.cmpf oge, %add3A_22, %ge3A_24 : vector<1024x64xf32>
    %mul3A_26 = arith.constant 0.00999999977 : f32
    %mul3A_27 = vector.broadcast %mul3A_26 : f32 to vector<1024x64xf32>
    %mul3A_28 = arith.mulf %mul3A_27, %add3A_22 : vector<1024x64xf32>
    %select_n3A_29 = arith.select %ge3A_25, %add3A_22, %mul3A_28 : vector<1024x64xi1>, vector<1024x64xf32>
    %get3A_30 = arith.constant 1 : index
    %get3A_31 = arith.constant 0 : index
    %get3A_32 = arith.constant 0 : index
    %get3A_33 = arith.constant 0 : index
    %get3A_34 = vector.load %arg2[%get3A_30, %get3A_31, %get3A_32, %get3A_33] : memref<5x1x1024x128xf32, #tpu.memory_space<vmem>>, vector<1x1x1024x128xf32>
    %get3A_35 = vector.shape_cast %get3A_34 : vector<1x1x1024x128xf32> to vector<1024x128xf32>
    %add3A_36 = arith.addf %get3A_3, %get3A_35 : vector<1024x128xf32>
    %ge3A_37 = arith.constant 0.000000e+00 : f32
    %ge3A_38 = vector.broadcast %ge3A_37 : f32 to vector<1024x128xf32>
    %ge3A_39 = arith.cmpf oge, %add3A_36, %ge3A_38 : vector<1024x128xf32>
    %mul3A_40 = arith.constant 0.00999999977 : f32
    %mul3A_41 = vector.broadcast %mul3A_40 : f32 to vector<1024x128xf32>
    %mul3A_42 = arith.mulf %mul3A_41, %add3A_36 : vector<1024x128xf32>
    %select_n3A_43 = arith.select %ge3A_39, %add3A_36, %mul3A_42 : vector<1024x128xi1>, vector<1024x128xf32>
    %get3A_44 = arith.constant 0 : index
    %get3A_45 = arith.constant 0 : index
    %get3A_46 = vector.load %arg3[%get3A_44, %get3A_45] : memref<128x64xf32, #tpu.memory_space<vmem>>, vector<128x64xf32>
    %dot_general3A_47 = arith.constant dense<0.000000e+00> : vector<1024x64xf32>
    %dot_general3A_48 = tpu.matmul %select_n3A_43, %get3A_46, %dot_general3A_47 {dimension_numbers = #tpu.dot_dimension_numbers<[1], [0], [0], [1], [0, 0, 1, 1], [], []>, transpose_lhs_hint = false} : vector<1024x128xf32>, vector<128x64xf32>, vector<1024x64xf32> -> vector<1024x64xf32>
    %get3A_49 = arith.constant 0 : index
    %get3A_50 = arith.constant 0 : index
    %get3A_51 = vector.load %arg4[%get3A_49, %get3A_50] : memref<1x64xf32, #tpu.memory_space<vmem>>, vector<1x64xf32>
    %add3A_52 = vector.broadcast %get3A_51 : vector<1x64xf32> to vector<1024x64xf32>
    %add3A_53 = arith.addf %dot_general3A_48, %add3A_52 : vector<1024x64xf32>
    %ge3A_54 = arith.constant 0.000000e+00 : f32
    %ge3A_55 = vector.broadcast %ge3A_54 : f32 to vector<1024x64xf32>
    %ge3A_56 = arith.cmpf oge, %add3A_53, %ge3A_55 : vector<1024x64xf32>
    %mul3A_57 = arith.constant 0.00999999977 : f32
    %mul3A_58 = vector.broadcast %mul3A_57 : f32 to vector<1024x64xf32>
    %mul3A_59 = arith.mulf %mul3A_58, %add3A_53 : vector<1024x64xf32>
    %select_n3A_60 = arith.select %ge3A_56, %add3A_53, %mul3A_59 : vector<1024x64xi1>, vector<1024x64xf32>
    %add3A_61 = arith.addf %select_n3A_29, %select_n3A_60 : vector<1024x64xf32>
    %get3A_62 = arith.constant 2 : index
    %get3A_63 = arith.constant 0 : index
    %get3A_64 = arith.constant 0 : index
    %get3A_65 = arith.constant 0 : index
    %get3A_66 = vector.load %arg2[%get3A_62, %get3A_63, %get3A_64, %get3A_65] : memref<5x1x1024x128xf32, #tpu.memory_space<vmem>>, vector<1x1x1024x128xf32>
    %get3A_67 = vector.shape_cast %get3A_66 : vector<1x1x1024x128xf32> to vector<1024x128xf32>
    %add3A_68 = arith.addf %get3A_3, %get3A_67 : vector<1024x128xf32>
    %ge3A_69 = arith.constant 0.000000e+00 : f32
    %ge3A_70 = vector.broadcast %ge3A_69 : f32 to vector<1024x128xf32>
    %ge3A_71 = arith.cmpf oge, %add3A_68, %ge3A_70 : vector<1024x128xf32>
    %mul3A_72 = arith.constant 0.00999999977 : f32
    %mul3A_73 = vector.broadcast %mul3A_72 : f32 to vector<1024x128xf32>
    %mul3A_74 = arith.mulf %mul3A_73, %add3A_68 : vector<1024x128xf32>
    %select_n3A_75 = arith.select %ge3A_71, %add3A_68, %mul3A_74 : vector<1024x128xi1>, vector<1024x128xf32>
    %get3A_76 = arith.constant 0 : index
    %get3A_77 = arith.constant 0 : index
    %get3A_78 = vector.load %arg3[%get3A_76, %get3A_77] : memref<128x64xf32, #tpu.memory_space<vmem>>, vector<128x64xf32>
    %dot_general3A_79 = arith.constant dense<0.000000e+00> : vector<1024x64xf32>
    %dot_general3A_80 = tpu.matmul %select_n3A_75, %get3A_78, %dot_general3A_79 {dimension_numbers = #tpu.dot_dimension_numbers<[1], [0], [0], [1], [0, 0, 1, 1], [], []>, transpose_lhs_hint = false} : vector<1024x128xf32>, vector<128x64xf32>, vector<1024x64xf32> -> vector<1024x64xf32>
    %get3A_81 = arith.constant 0 : index
    %get3A_82 = arith.constant 0 : index
    %get3A_83 = vector.load %arg4[%get3A_81, %get3A_82] : memref<1x64xf32, #tpu.memory_space<vmem>>, vector<1x64xf32>
    %add3A_84 = vector.broadcast %get3A_83 : vector<1x64xf32> to vector<1024x64xf32>
    %add3A_85 = arith.addf %dot_general3A_80, %add3A_84 : vector<1024x64xf32>
    %ge3A_86 = arith.constant 0.000000e+00 : f32
    %ge3A_87 = vector.broadcast %ge3A_86 : f32 to vector<1024x64xf32>
    %ge3A_88 = arith.cmpf oge, %add3A_85, %ge3A_87 : vector<1024x64xf32>
    %mul3A_89 = arith.constant 0.00999999977 : f32
    %mul3A_90 = vector.broadcast %mul3A_89 : f32 to vector<1024x64xf32>
    %mul3A_91 = arith.mulf %mul3A_90, %add3A_85 : vector<1024x64xf32>
    %select_n3A_92 = arith.select %ge3A_88, %add3A_85, %mul3A_91 : vector<1024x64xi1>, vector<1024x64xf32>
    %add3A_93 = arith.addf %add3A_61, %select_n3A_92 : vector<1024x64xf32>
    %get3A_94 = arith.constant 3 : index
    %get3A_95 = arith.constant 0 : index
    %get3A_96 = arith.constant 0 : index
    %get3A_97 = arith.constant 0 : index
    %get3A_98 = vector.load %arg2[%get3A_94, %get3A_95, %get3A_96, %get3A_97] : memref<5x1x1024x128xf32, #tpu.memory_space<vmem>>, vector<1x1x1024x128xf32>
    %get3A_99 = vector.shape_cast %get3A_98 : vector<1x1x1024x128xf32> to vector<1024x128xf32>
    %add3A_100 = arith.addf %get3A_3, %get3A_99 : vector<1024x128xf32>
    %ge3A_101 = arith.constant 0.000000e+00 : f32
    %ge3A_102 = vector.broadcast %ge3A_101 : f32 to vector<1024x128xf32>
    %ge3A_103 = arith.cmpf oge, %add3A_100, %ge3A_102 : vector<1024x128xf32>
    %mul3A_104 = arith.constant 0.00999999977 : f32
    %mul3A_105 = vector.broadcast %mul3A_104 : f32 to vector<1024x128xf32>
    %mul3A_106 = arith.mulf %mul3A_105, %add3A_100 : vector<1024x128xf32>
    %select_n3A_107 = arith.select %ge3A_103, %add3A_100, %mul3A_106 : vector<1024x128xi1>, vector<1024x128xf32>
    %get3A_108 = arith.constant 0 : index
    %get3A_109 = arith.constant 0 : index
    %get3A_110 = vector.load %arg3[%get3A_108, %get3A_109] : memref<128x64xf32, #tpu.memory_space<vmem>>, vector<128x64xf32>
    %dot_general3A_111 = arith.constant dense<0.000000e+00> : vector<1024x64xf32>
    %dot_general3A_112 = tpu.matmul %select_n3A_107, %get3A_110, %dot_general3A_111 {dimension_numbers = #tpu.dot_dimension_numbers<[1], [0], [0], [1], [0, 0, 1, 1], [], []>, transpose_lhs_hint = false} : vector<1024x128xf32>, vector<128x64xf32>, vector<1024x64xf32> -> vector<1024x64xf32>
    %get3A_113 = arith.constant 0 : index
    %get3A_114 = arith.constant 0 : index
    %get3A_115 = vector.load %arg4[%get3A_113, %get3A_114] : memref<1x64xf32, #tpu.memory_space<vmem>>, vector<1x64xf32>
    %add3A_116 = vector.broadcast %get3A_115 : vector<1x64xf32> to vector<1024x64xf32>
    %add3A_117 = arith.addf %dot_general3A_112, %add3A_116 : vector<1024x64xf32>
    %ge3A_118 = arith.constant 0.000000e+00 : f32
    %ge3A_119 = vector.broadcast %ge3A_118 : f32 to vector<1024x64xf32>
    %ge3A_120 = arith.cmpf oge, %add3A_117, %ge3A_119 : vector<1024x64xf32>
    %mul3A_121 = arith.constant 0.00999999977 : f32
    %mul3A_122 = vector.broadcast %mul3A_121 : f32 to vector<1024x64xf32>
    %mul3A_123 = arith.mulf %mul3A_122, %add3A_117 : vector<1024x64xf32>
    %select_n3A_124 = arith.select %ge3A_120, %add3A_117, %mul3A_123 : vector<1024x64xi1>, vector<1024x64xf32>
    %add3A_125 = arith.addf %add3A_93, %select_n3A_124 : vector<1024x64xf32>
    %get3A_126 = arith.constant 4 : index
    %get3A_127 = arith.constant 0 : index
    %get3A_128 = arith.constant 0 : index
    %get3A_129 = arith.constant 0 : index
    %get3A_130 = vector.load %arg2[%get3A_126, %get3A_127, %get3A_128, %get3A_129] : memref<5x1x1024x128xf32, #tpu.memory_space<vmem>>, vector<1x1x1024x128xf32>
    %get3A_131 = vector.shape_cast %get3A_130 : vector<1x1x1024x128xf32> to vector<1024x128xf32>
    %add3A_132 = arith.addf %get3A_3, %get3A_131 : vector<1024x128xf32>
    %ge3A_133 = arith.constant 0.000000e+00 : f32
    %ge3A_134 = vector.broadcast %ge3A_133 : f32 to vector<1024x128xf32>
    %ge3A_135 = arith.cmpf oge, %add3A_132, %ge3A_134 : vector<1024x128xf32>
    %mul3A_136 = arith.constant 0.00999999977 : f32
    %mul3A_137 = vector.broadcast %mul3A_136 : f32 to vector<1024x128xf32>
    %mul3A_138 = arith.mulf %mul3A_137, %add3A_132 : vector<1024x128xf32>
    %select_n3A_139 = arith.select %ge3A_135, %add3A_132, %mul3A_138 : vector<1024x128xi1>, vector<1024x128xf32>
    %get3A_140 = arith.constant 0 : index
    %get3A_141 = arith.constant 0 : index
    %get3A_142 = vector.load %arg3[%get3A_140, %get3A_141] : memref<128x64xf32, #tpu.memory_space<vmem>>, vector<128x64xf32>
    %dot_general3A_143 = arith.constant dense<0.000000e+00> : vector<1024x64xf32>
    %dot_general3A_144 = tpu.matmul %select_n3A_139, %get3A_142, %dot_general3A_143 {dimension_numbers = #tpu.dot_dimension_numbers<[1], [0], [0], [1], [0, 0, 1, 1], [], []>, transpose_lhs_hint = false} : vector<1024x128xf32>, vector<128x64xf32>, vector<1024x64xf32> -> vector<1024x64xf32>
    %get3A_145 = arith.constant 0 : index
    %get3A_146 = arith.constant 0 : index
    %get3A_147 = vector.load %arg4[%get3A_145, %get3A_146] : memref<1x64xf32, #tpu.memory_space<vmem>>, vector<1x64xf32>
    %add3A_148 = vector.broadcast %get3A_147 : vector<1x64xf32> to vector<1024x64xf32>
    %add3A_149 = arith.addf %dot_general3A_144, %add3A_148 : vector<1024x64xf32>
    %ge3A_150 = arith.constant 0.000000e+00 : f32
    %ge3A_151 = vector.broadcast %ge3A_150 : f32 to vector<1024x64xf32>
    %ge3A_152 = arith.cmpf oge, %add3A_149, %ge3A_151 : vector<1024x64xf32>
    %mul3A_153 = arith.constant 0.00999999977 : f32
    %mul3A_154 = vector.broadcast %mul3A_153 : f32 to vector<1024x64xf32>
    %mul3A_155 = arith.mulf %mul3A_154, %add3A_149 : vector<1024x64xf32>
    %select_n3A_156 = arith.select %ge3A_152, %add3A_149, %mul3A_155 : vector<1024x64xi1>, vector<1024x64xf32>
    %add3A_157 = arith.addf %add3A_125, %select_n3A_156 : vector<1024x64xf32>
    %get3A_158 = arith.constant 0 : index
    %get3A_159 = arith.constant 0 : index
    %get3A_160 = arith.constant 0 : index
    %get3A_161 = vector.load %arg5[%get3A_158, %get3A_159, %get3A_160] : memref<1x1024x4xf32, #tpu.memory_space<vmem>>, vector<1x1024x4xf32>
    %get3A_162 = vector.shape_cast %get3A_161 : vector<1x1024x4xf32> to vector<1024x4xf32>
    %get3A_163 = arith.constant 0 : index
    %get3A_164 = arith.constant 0 : index
    %get3A_165 = vector.load %arg8[%get3A_163, %get3A_164] : memref<4x512xf32, #tpu.memory_space<vmem>>, vector<4x512xf32>
    %dot_general3A_166 = arith.constant dense<0.000000e+00> : vector<1024x512xf32>
    %dot_general3A_167 = tpu.matmul %get3A_162, %get3A_165, %dot_general3A_166 {dimension_numbers = #tpu.dot_dimension_numbers<[1], [0], [0], [1], [0, 0, 1, 1], [], []>, transpose_lhs_hint = false} : vector<1024x4xf32>, vector<4x512xf32>, vector<1024x512xf32> -> vector<1024x512xf32>
    %get3A_168 = arith.constant 0 : index
    %get3A_169 = arith.constant 0 : index
    %get3A_170 = arith.constant 0 : index
    %get3A_171 = vector.load %arg6[%get3A_168, %get3A_169, %get3A_170] : memref<1x1024x64xf32, #tpu.memory_space<vmem>>, vector<1x1024x64xf32>
    %get3A_172 = vector.shape_cast %get3A_171 : vector<1x1024x64xf32> to vector<1024x64xf32>
    %get3A_173 = arith.constant 0 : index
    %get3A_174 = arith.constant 0 : index
    %get3A_175 = vector.load %arg9[%get3A_173, %get3A_174] : memref<64x512xf32, #tpu.memory_space<vmem>>, vector<64x512xf32>
    %dot_general3A_176 = arith.constant dense<0.000000e+00> : vector<1024x512xf32>
    %dot_general3A_177 = tpu.matmul %get3A_172, %get3A_175, %dot_general3A_176 {dimension_numbers = #tpu.dot_dimension_numbers<[1], [0], [0], [1], [0, 0, 1, 1], [], []>, transpose_lhs_hint = false} : vector<1024x64xf32>, vector<64x512xf32>, vector<1024x512xf32> -> vector<1024x512xf32>
    %add3A_178 = arith.addf %dot_general3A_167, %dot_general3A_177 : vector<1024x512xf32>
    %get3A_179 = arith.constant 0 : index
    %get3A_180 = arith.constant 0 : index
    %get3A_181 = arith.constant 0 : index
    %get3A_182 = vector.load %arg7[%get3A_179, %get3A_180, %get3A_181] : memref<1x1024x64xf32, #tpu.memory_space<vmem>>, vector<1x1024x64xf32>
    %get3A_183 = vector.shape_cast %get3A_182 : vector<1x1024x64xf32> to vector<1024x64xf32>
    %get3A_184 = arith.constant 0 : index
    %get3A_185 = arith.constant 0 : index
    %get3A_186 = vector.load %arg10[%get3A_184, %get3A_185] : memref<64x512xf32, #tpu.memory_space<vmem>>, vector<64x512xf32>
    %dot_general3A_187 = arith.constant dense<0.000000e+00> : vector<1024x512xf32>
    %dot_general3A_188 = tpu.matmul %get3A_183, %get3A_186, %dot_general3A_187 {dimension_numbers = #tpu.dot_dimension_numbers<[1], [0], [0], [1], [0, 0, 1, 1], [], []>, transpose_lhs_hint = false} : vector<1024x64xf32>, vector<64x512xf32>, vector<1024x512xf32> -> vector<1024x512xf32>
    %add3A_189 = arith.addf %add3A_178, %dot_general3A_188 : vector<1024x512xf32>
    %get3A_190 = arith.constant 0 : index
    %get3A_191 = arith.constant 0 : index
    %get3A_192 = vector.load %arg11[%get3A_190, %get3A_191] : memref<64x512xf32, #tpu.memory_space<vmem>>, vector<64x512xf32>
    %dot_general3A_193 = arith.constant dense<0.000000e+00> : vector<1024x512xf32>
    %dot_general3A_194 = tpu.matmul %add3A_157, %get3A_192, %dot_general3A_193 {dimension_numbers = #tpu.dot_dimension_numbers<[1], [0], [0], [1], [0, 0, 1, 1], [], []>, transpose_lhs_hint = false} : vector<1024x64xf32>, vector<64x512xf32>, vector<1024x512xf32> -> vector<1024x512xf32>
    %add3A_195 = arith.addf %add3A_189, %dot_general3A_194 : vector<1024x512xf32>
    %get3A_196 = arith.constant 0 : index
    %get3A_197 = arith.constant 0 : index
    %get3A_198 = vector.load %arg12[%get3A_196, %get3A_197] : memref<1x512xf32, #tpu.memory_space<vmem>>, vector<1x512xf32>
    %add3A_199 = vector.broadcast %get3A_198 : vector<1x512xf32> to vector<1024x512xf32>
    %add3A_200 = arith.addf %add3A_195, %add3A_199 : vector<1024x512xf32>
    %ge3A_201 = arith.constant 0.000000e+00 : f32
    %ge3A_202 = vector.broadcast %ge3A_201 : f32 to vector<1024x512xf32>
    %ge3A_203 = arith.cmpf oge, %add3A_200, %ge3A_202 : vector<1024x512xf32>
    %mul3A_204 = arith.constant 0.00999999977 : f32
    %mul3A_205 = vector.broadcast %mul3A_204 : f32 to vector<1024x512xf32>
    %mul3A_206 = arith.mulf %mul3A_205, %add3A_200 : vector<1024x512xf32>
    %select_n3A_207 = arith.select %ge3A_203, %add3A_200, %mul3A_206 : vector<1024x512xi1>, vector<1024x512xf32>
    %get3A_208 = arith.constant 0 : index
    %get3A_209 = arith.constant 0 : index
    %get3A_210 = vector.load %arg13[%get3A_208, %get3A_209] : memref<512x256xf32, #tpu.memory_space<vmem>>, vector<512x256xf32>
    %dot_general3A_211 = arith.constant dense<0.000000e+00> : vector<1024x256xf32>
    %dot_general3A_212 = tpu.matmul %select_n3A_207, %get3A_210, %dot_general3A_211 {dimension_numbers = #tpu.dot_dimension_numbers<[1], [0], [0], [1], [0, 0, 1, 1], [], []>, transpose_lhs_hint = false} : vector<1024x512xf32>, vector<512x256xf32>, vector<1024x256xf32> -> vector<1024x256xf32>
    %get3A_213 = arith.constant 0 : index
    %get3A_214 = arith.constant 0 : index
    %get3A_215 = vector.load %arg14[%get3A_213, %get3A_214] : memref<1x256xf32, #tpu.memory_space<vmem>>, vector<1x256xf32>
    %add3A_216 = vector.broadcast %get3A_215 : vector<1x256xf32> to vector<1024x256xf32>
    %add3A_217 = arith.addf %dot_general3A_212, %add3A_216 : vector<1024x256xf32>
    %reduce_sum3A = arith.constant dense<0.000000e+00> : vector<256xf32>
    %reduce_sum3A_218 = vector.multi_reduction <add>, %add3A_217, %reduce_sum3A [0] : vector<1024x256xf32> to vector<256xf32>
    %div3A = arith.constant 1.024000e+03 : f32
    %div3A_219 = vector.broadcast %div3A : f32 to vector<256xf32>
    %div3A_220 = arith.divf %reduce_sum3A_218, %div3A_219 : vector<256xf32>
    %broadcast_in_dim3A = vector.shape_cast %div3A_220 : vector<256xf32> to vector<1x256xf32>
    %swap3A = arith.constant 0 : index
    %swap3A_221 = arith.constant 0 : index
    %swap3A_222 = arith.constant 0 : index
    %swap3A_223 = vector.load %arg15[%swap3A, %swap3A_221, %swap3A_222] : memref<1x1x256xf32, #tpu.memory_space<vmem>>, vector<1x1x256xf32>
    %swap3A_224 = vector.shape_cast %swap3A_223 : vector<1x1x256xf32> to vector<1x256xf32>
    %swap3A_225 = vector.shape_cast %broadcast_in_dim3A : vector<1x256xf32> to vector<1x1x256xf32>
    tpu.vector_store %arg15[%swap3A, %swap3A_221, %swap3A_222], %swap3A_225 {strides = array<i32>} : memref<1x1x256xf32, #tpu.memory_space<vmem>>, vector<1x1x256xf32>,
    return
  }
  func.func @transform_0(%arg0: i32) -> (i32, i32, i32) {
    %c0_i32 = arith.constant 0 : i32
    %c0_i32_0 = arith.constant 0 : i32
    %c0_i32_1 = arith.constant 0 : i32
    return %arg0, %c0_i32, %c0_i32_0 : i32, i32, i32
  }
  func.func @transform_1(%arg0: i32) -> (i32, i32, i32, i32) {
    %c0_i32 = arith.constant 0 : i32
    %c0_i32_0 = arith.constant 0 : i32
    %c0_i32_1 = arith.constant 0 : i32
    %c0_i32_2 = arith.constant 0 : i32
    return %c0_i32, %arg0, %c0_i32_0, %c0_i32_1 : i32, i32, i32, i32
  }
  func.func @transform_2(%arg0: i32) -> (i32, i32) {
    %c0_i32 = arith.constant 0 : i32
    %c0_i32_0 = arith.constant 0 : i32
    %c0_i32_1 = arith.constant 0 : i32
    return %c0_i32, %c0_i32_0 : i32, i32
  }
  func.func @transform_3(%arg0: i32) -> (i32, i32) {
    %c0_i32 = arith.constant 0 : i32
    %c0_i32_0 = arith.constant 0 : i32
    %c0_i32_1 = arith.constant 0 : i32
    return %c0_i32, %c0_i32_0 : i32, i32
  }
  func.func @transform_4(%arg0: i32) -> (i32, i32, i32) {
    %c0_i32 = arith.constant 0 : i32
    %c0_i32_0 = arith.constant 0 : i32
    %c0_i32_1 = arith.constant 0 : i32
    return %arg0, %c0_i32, %c0_i32_0 : i32, i32, i32
  }
  func.func @transform_5(%arg0: i32) -> (i32, i32, i32) {
    %c0_i32 = arith.constant 0 : i32
    %c0_i32_0 = arith.constant 0 : i32
    %c0_i32_1 = arith.constant 0 : i32
    return %arg0, %c0_i32, %c0_i32_0 : i32, i32, i32
  }
  func.func @transform_6(%arg0: i32) -> (i32, i32, i32) {
    %c0_i32 = arith.constant 0 : i32
    %c0_i32_0 = arith.constant 0 : i32
    %c0_i32_1 = arith.constant 0 : i32
    return %arg0, %c0_i32, %c0_i32_0 : i32, i32, i32
  }
  func.func @transform_7(%arg0: i32) -> (i32, i32) {
    %c0_i32 = arith.constant 0 : i32
    %c0_i32_0 = arith.constant 0 : i32
    %c0_i32_1 = arith.constant 0 : i32
    return %c0_i32, %c0_i32_0 : i32, i32
  }
  func.func @transform_8(%arg0: i32) -> (i32, i32) {
    %c0_i32 = arith.constant 0 : i32
    %c0_i32_0 = arith.constant 0 : i32
    %c0_i32_1 = arith.constant 0 : i32
    return %c0_i32, %c0_i32_0 : i32, i32
  }
  func.func @transform_9(%arg0: i32) -> (i32, i32) {
    %c0_i32 = arith.constant 0 : i32
    %c0_i32_0 = arith.constant 0 : i32
    %c0_i32_1 = arith.constant 0 : i32
    return %c0_i32, %c0_i32_0 : i32, i32
  }
  func.func @transform_10(%arg0: i32) -> (i32, i32) {
    %c0_i32 = arith.constant 0 : i32
    %c0_i32_0 = arith.constant 0 : i32
    %c0_i32_1 = arith.constant 0 : i32
    return %c0_i32, %c0_i32_0 : i32, i32
  }
  func.func @transform_11(%arg0: i32) -> (i32, i32) {
    %c0_i32 = arith.constant 0 : i32
    %c0_i32_0 = arith.constant 0 : i32
    %c0_i32_1 = arith.constant 0 : i32
    return %c0_i32, %c0_i32_0 : i32, i32
  }
  func.func @transform_12(%arg0: i32) -> (i32, i32) {
    %c0_i32 = arith.constant 0 : i32
    %c0_i32_0 = arith.constant 0 : i32
    %c0_i32_1 = arith.constant 0 : i32
    return %c0_i32, %c0_i32_0 : i32, i32
  }
  func.func @transform_13(%arg0: i32) -> (i32, i32) {
    %c0_i32 = arith.constant 0 : i32
    %c0_i32_0 = arith.constant 0 : i32
    %c0_i32_1 = arith.constant 0 : i32
    return %c0_i32, %c0_i32_0 : i32, i32
  }
  func.func @transform_14(%arg0: i32) -> (i32, i32, i32) {
    %c0_i32 = arith.constant 0 : i32
    %c0_i32_0 = arith.constant 0 : i32
    %c0_i32_1 = arith.constant 0 : i32
    return %arg0, %c0_i32, %c0_i32_0 : i32, i32, i32
  }
}

</mosaic_0001>

<sc_bundles>
// kernel: kernel.10.cloned.1.call-start
scs
__scs_entry_jumppad:
0x0: {  	(pc) =	sbr.rel $0x88, $3  }
0x1: {  	(tag) =	ssettag $0x0;
	lr =	simm.s32 $0x1  }
0x2: {  	[smem:$0x3F8F] =	sst lr;
	_ =	strace $0xD0000000  }
0x3: {  	_ = 	snop  }
0x4: {  	_ = 	snop  }
0x5: {  	_ = 	snop  }
0x6: {  	_ = 	snop  }
0x7: {  	_ = 	snop  }
__scs_overlays_trampoline_lowered:
0x8: {  	[smem:$0x3F9E] =	sst s0  }
0x9: {  	[smem:$0x3F9F] =	sst s1  }
0xa: {  	[smem:$0x3FA0] =	sst s2  }
0xb: {  	[smem:$0x3FA1] =	sst s3  }
0xc: {  	[smem:$0x3FA2] =	sst s4  }
0xd: {  	[smem:$0x3FA3] =	sst s5  }
0xe: {  	[smem:$0x3FA4] =	sst s6  }
0xf: {  	[smem:$0x3FA5] =	sst s7  }
0x10: {  	[smem:$0x3FA6] =	sst s8  }
0x11: {  	[smem:$0x3FA7] =	sst s9;
	s0 =	simm.s32 @!p0 $0x0  }
0x12: {  	s1 =	sld [smem:$0x3F8D];
	s0 =	simm.s32 @p0 $0x1  }
0x13: {  	[smem:$0x3FA8] =	sst s0;
	s0 =	simm.s32 @!p1 $0x0  }
0x14: {  	s2 =	sld [smem:$0x3F8C];
	s0 =	simm.s32 @p1 $0x1  }
0x15: {  	[smem:$0x3FA9] =	sst s0;
	s0 =	simm.s32 @!p2 $0x0  }
0x16: {  	s3 =	sld [smem:$0x3FDB];
	s0 =	simm.s32 @p2 $0x1  }
0x17: {  	s4 =	simm.s32 $0x1BF5;
	[smem:$0x3FAB] =	sst s0  }
0x18: {  	s0 =	sld [smem:$0x3F8E];
	_ =	swait.ge [sflag:s4], $0x0  }
0x19: {  	s7 =	sld [smem:$0x3F8F]  }
0x1a: {  	s8 =	sadd.s32 $0xFFFFE003, lr  }
0x1b: {  	s9 =	sadd.s32 $0xFFFFFEF7, lr;
	s5 =	simm.s32 $0xFFFFFFFF;
	p2 =	slt.u32 s8, $0xFFFFF086  }
0x1c: {  	p1 =	slt.u32 s9, $0xF7A;
	s5 =	simm.s32 @!p2 $0x0  }
0x1d: {  	s5 =	simm.s32 @p1 $0x1;
	p0 =	seq.s32 s7, s2  }
0x1e: {  	s7 =	smul.u32 @!p0 $0xF7A, s2;
	p2 =	seq.s32 @!p0 s5, $0x0  }
0x1f: {  	s9 =	smul.u32 $0xF7A, s1;
	s8 =	simm.s32 @!p0 $0x1BF5;
	p2 =	por !p2, p0  }
0x20: {  	[sflag:s8] =	ssyncset.s32 @!p0 $0xFFFFF086;
	s6 =	sadd.s32 @!p0 s3, s7;
	s7 =	simm.s32 @!p0 $0x108  }
0x21: {  	s3 =	sadd.s32 s3, s9;
	s6 =	sadd.s32 @!p0 $0x88, s6;
	s7 =	simm.s32 @p2 $0x1082  }
0x22: {  	[simem:s7], [sflag:s8] =	dma.local @!p0 [hbm:s6], $0xF7A  }
0x23: {  	s9 =	sor.u32 $0xD0000000, s2;
	s6 =	simm.s32 $0x108;
	_ =	swait.ge @!p0 [sflag:s8], $0x0  }
0x24: {  	s3 =	sadd.s32 $0x88, s3;
	s6 =	simm.s32 @!p1 $0x1082;
	[sflag:s4] =	ssyncset.s32 $0xFFFFF086  }
0x25: {  	[simem:s6], [sflag:s4] =	dma.local [hbm:s3], $0xF7A  }
0x26: {  	[smem:$0x3F8F] =	sst s1;
	(tag) =	ssettag s2;
	_ =	strace s9  }
0x27: {  	s1 =	sld [smem:$0x3F9F]  }
0x28: {  	s2 =	sld [smem:$0x3FA0]  }
0x29: {  	s4 =	sld [smem:$0x3FA2]  }
0x2a: {  	p0 =	seq.s32 s5, $0x0;
	s5 =	sld [smem:$0x3FA3]  }
0x2b: {  	s6 =	sld [smem:$0x3FA4]  }
0x2c: {  	s7 =	sld [smem:$0x3FA5]  }
0x2d: {  	s3 =	simm.s32 $0x108;
	s8 =	sld [smem:$0x3FA6]  }
0x2e: {  	s3 =	simm.s32 @!p0 $0x1082;
	s9 =	sld [smem:$0x3FA7]  }
0x2f: {  	lr =	sadd.s32 s0, s3;
	s0 =	sld [smem:$0x3F9E]  }
0x30: {  	s3 =	sld [smem:$0x3FA1]  }
0x31: {  	[smem:$0x3FAA] =	sst s10  }
0x32: {  	s10 =	sld [smem:$0x3FA8];
	_ =	sdelay $0x3  }
0x33: {  	p0 =	seq.s32 s10, $0x1;
	s10 =	sld [smem:$0x3FAA];
	_ =	sdelay $0x3  }
0x34: {  	[smem:$0x3FAA] =	sst s10  }
0x35: {  	s10 =	sld [smem:$0x3FA9];
	_ =	sdelay $0x3  }
0x36: {  	p1 =	seq.s32 s10, $0x1;
	s10 =	sld [smem:$0x3FAA];
	_ =	sdelay $0x3  }
0x37: {  	[smem:$0x3FAA] =	sst s10  }
0x38: {  	s10 =	sld [smem:$0x3FAB]  }
0x39: {  	_ = 	snop;
	(pc) =	sbr.ind lr, $3  }
0x3a: {  	_ = 	snop  }
0x3b: {  	_ = 	snop  }
0x3c: {  	p2 =	seq.s32 s10, $0x1;
	s10 =	sld [smem:$0x3FAA]  }
0x3d: {  	_ =	shalt  }
0x3e: {  	_ =	shalt  }
0x3f: {  	_ =	shalt  }
0x40: {  	_ =	shalt  }
0x41: {  	_ =	shalt  }
0x42: {  	_ =	shalt  }
0x43: {  	_ =	shalt  }
0x44: {  	_ =	shalt  }
0x45: {  	_ =	shalt  }
0x46: {  	_ =	shalt  }
0x47: {  	_ =	shalt  }
0x48: {  	_ =	shalt  }
0x49: {  	_ =	shalt  }
0x4a: {  	_ =	shalt  }
0x4b: {  	_ =	shalt  }
0x4c: {  	_ =	shalt  }
0x4d: {  	_ =	shalt  }
0x4e: {  	_ =	shalt  }
0x4f: {  	_ =	shalt  }
0x50: {  	_ =	shalt  }
0x51: {  	_ =	shalt  }
0x52: {  	_ =	shalt  }
0x53: {  	_ =	shalt  }
0x54: {  	_ =	shalt  }
0x55: {  	_ =	shalt  }
0x56: {  	_ =	shalt  }
0x57: {  	_ =	shalt  }
0x58: {  	_ =	shalt  }
0x59: {  	_ =	shalt  }
0x5a: {  	_ =	shalt  }
0x5b: {  	_ =	shalt  }
0x5c: {  	_ =	shalt  }
0x5d: {  	_ =	shalt  }
0x5e: {  	_ =	shalt  }
0x5f: {  	_ =	shalt  }
0x60: {  	_ =	shalt  }
0x61: {  	_ =	shalt  }
0x62: {  	_ =	shalt  }
0x63: {  	_ =	shalt  }
0x64: {  	_ =	shalt  }
0x65: {  	_ =	shalt  }
0x66: {  	_ =	shalt  }
0x67: {  	_ =	shalt  }
0x68: {  	_ =	shalt  }
0x69: {  	_ =	shalt  }
0x6a: {  	_ =	shalt  }
0x6b: {  	_ =	shalt  }
0x6c: {  	_ =	shalt  }
0x6d: {  	_ =	shalt  }
0x6e: {  	_ =	shalt  }
0x6f: {  	_ =	shalt  }
0x70: {  	_ =	shalt  }
0x71: {  	_ =	shalt  }
0x72: {  	_ =	shalt  }
0x73: {  	_ =	shalt  }
0x74: {  	_ =	shalt  }
0x75: {  	_ =	shalt  }
0x76: {  	_ =	shalt  }
0x77: {  	_ =	shalt  }
0x78: {  	_ =	shalt  }
0x79: {  	_ =	shalt  }
0x7a: {  	_ =	shalt  }
0x7b: {  	_ =	shalt  }
0x7c: {  	_ =	shalt  }
0x7d: {  	_ =	shalt  }
0x7e: {  	_ =	shalt  }
0x7f: {  	_ =	shalt  }
0x80: {  	_ =	shalt  }
0x81: {  	_ =	shalt  }
0x82: {  	_ =	shalt  }
0x83: {  	_ =	shalt  }
0x84: {  	_ =	shalt  }
0x85: {  	_ =	shalt  }
0x86: {  	_ =	shalt  }
0x87: {  	_ =	shalt  }
.Lfunc_end0:
.L_simem_size_0:
called_computation_lowered:
.L_overlay_start_0:
0x88: {  	s2 =	sld [smem:$0x3FD9]  }
0x89: {  	s3 =	sld [smem:$0x3FFE];
	_ =	sdelay $0x1  }
0x8a: {  	s1 =	srdreg.scid  }
0x8b: {  	s0 =	sand.u32 $0x1, s1  }
0x8c: {  	s16 =	sshll.u32 s0, $0xA;
	s2 =	sadd.s32 s3, s2  }
0x8d: {  	s2 =	sadd.s32 s2, s16  }
0x8e: {  	[smem:$0x3FB6] =	sst s2  }
0x8f: {  	_ = 	snop  }
0x90: {  	(tm) =	ssettm $0x1  }
0x91: {  	s17 =	sld [smem:$0x3FFB];
	_ =	sdelay $0x3  }
0x92: {  	_ =	strace s17  }
0x93: {  	s2 =	sld [smem:$0x3FFC];
	_ =	sdelay $0x3  }
0x94: {  	_ =	strace s2  }
0x95: {  	s2 =	sld [smem:$0x3FFD];
	_ =	sdelay $0x3  }
0x96: {  	_ =	strace s2  }
0x97: {  	_ =	strace $0x8FFFFFFF  }
0x98: {  	s18 =	sld [smem:$0x3FDB];
	_ =	sdelay $0x1  }
0x99: {  	s19 =	simm.s32 $_scs_section_size  }
0x9a: {  	s4 =	simm.s32 $_size__tile_overlayer_lowered;
	s5 =	simm.s32 $_tile_overlayer_lowered  }
0x9b: {  	s22 =	simm.s32 $0x1BFF;
	s21 =	sshll.u32 s5, $0x1;
	s2 =	sadd.s32 s19, s18  }
0x9c: {  	s6 =	simm.s32 $0x0;
	s20 =	sshll.u32 s4, $0x1;
	s4 =	sadd.s32 s21, s2  }
0x9d: {  	[timem:s6], [sflag:s22] =	dma.local [hbm:s4], s20  }
0x9e: {  	_ =	swait.ge [sflag:s22], s20  }
0x9f: {  	s3 =	ssub.s32 $0x0, s20;
	[sflag:s22] =	ssyncset.done $0x0  }
0xa0: {  	[sflag:s22] =	ssyncadd.s32 s3;
	_ =	sdelay $0x1  }
0xa1: {  	s23 =	simm.s32 $0x1B8B  }
0xa2: {  	_ =	swait.ge [sflag:s23], $0x1  }
0xa3: {  	[sflag:s23] =	ssyncset.done $0x0  }
0xa4: {  	s25 =	simm.s32 $0x1B8E;
	s24 =	sld [smem:$0x3FFE];
	[sflag:s23] =	ssyncadd.s32 $0xFFFFFFFF  }
0xa5: {  	s26 =	simm.s32 $execute0_lowered;
	[smem:$0x3FD2] =	sst s25  }
0xa6: {  	s4 =	sshll.u32 s26, $0x1;
	_ =	strace $0x80000046;
	[dreg:$0x1] =	wrdreg $0xFFFFFFFF  }
0xa7: {  	s28 =	simm.s32 $_size_execute0_lowered;
	s2 =	sadd.s32 s2, s4;
	[dreg:$0x0] =	wrdreg $0x0  }
0xa8: {  	s4 =	sshll.u32 s28, $0x1;
	[dreg:$0x2] =	wrdreg s2  }
0xa9: {  	[dreg:$0x3] =	wrdreg s4  }
0xaa: {  	[dreg:$0x4] =	wrdreg $0xC0  }
0xab: {  	_ =	task [dreg:s6], $0x5FFFF  }
0xac: {  	[dreg:$0x1] =	wrdreg $0xFFFFFFFF  }
0xad: {  	[dreg:$0x0] =	wrdreg $0x60  }
0xae: {  	[dreg:$0x2] =	wrdreg s24  }
0xaf: {  	[dreg:$0x3] =	wrdreg $0x9  }
0xb0: {  	_ =	task.clear_ibuf [dreg:s6], $0x4FFFF;
	_ =	strace $0x90000046  }
0xb1: {  	s29 =	simm.s32 $0x9;
	_ =	strace $0x80000048  }
0xb2: {  	_ =	swait.ge [sflag:s29], $0x1  }
0xb3: {  	[sflag:s29] =	ssyncadd.s32 $0xFFFFFFFF  }
0xb4: {  	_ =	strace $0x90000048  }
0xb5: {  	_ =	sfence  }
0xb6: {  	s30 =	sld [smem:$0x0];
	_ =	sdelay $0x2  }
0xb7: {  	s31 =	sshll.u32 s1, $0xD;
	s1 =	sshrl.u32 s1, $0x2  }
0xb8: {  	s3 =	sand.u32 $0x4000, s31;
	s1 =	sadd.s32 s1, s30  }
0xb9: {  	s0 =	sor.u32 s3, s0;
	s1 =	sshll.u32 s1, $0x11  }
0xba: {  	s0 =	sor.u32 s1, s0  }
0xbb: {  	s0 =	sadd.s32 $0x8F2B, s0  }
0xbc: {  	[sflag:s0] =	ssyncadd.remote.s32 $0x1  }
0xbd: {  	_ =	sfence.sel $0xFFFF  }
0xbe: {  	[dreg:$0x0] =	wrdreg $0xFFFFFFFF;
	(pc) =	sbr.abs _section_cstart, $3  }
0xbf: {  	[dreg:$0x1] =	wrdreg $0xFFFFFFFF  }
0xc0: {  	_ =	task.clear_ibuf [dreg:s6], $0x2FFFF;
	_ =	strace $0x9FFFFFFF  }
0xc1: {  	(tm) =	ssettm $0x7FFFFFFF  }
tec
execute0_lowered:
.L_overlay_start_1:
0x0: {  	(tag) =	ssettag $0x1  }
0x1: {  	s1 =	srdreg.scid;
	s0 =	stileid.u32  }
0x2: {  	s16 =	sand.u32 $0x1, s1;
	s26 =	sshll.u32 s0, $0x1  }
0x3: {  	s8 =	sor.u32 s16, s26  }
0x4: {  	s9 =	rddreg [dreg:$0x0];
	s17 =	smul.u32 $0xA00, s8  }
0x5: {  	s2 =	simm.s32 $0x0;
	s1 =	rddreg [dreg:$0x1]  }
0x6: {  	[smem:$0x7FF] =	sst s2;
	s15 =	sadd.s32 $0x85800, s9;
	s3 =	sshrl.u32 s17, $0x3  }
0x7: {  	_ =	strace $0x80000047;
	s4 =	sadd.s32 s15, s3;
	s3 =	simm.s32 $0x2  }
0x8: {  	[tilespmem:s2], [sflag:$0x2] =	stream.linear.gather [hbm4b:s4+s2], $0x200, $0x38;
	[tilespmem:$0x10200] =	vst v63  }
0x9: {  	_ =	swait.ge [sflag:s3], $0x200  }
0xa: {  	s6 =	simm.s32 $0x200;
	[sflag:s3] =	ssyncset.done $0x0  }
0xb: {  	s7 =	simm.s32 $0x1;
	s5 =	sadd.s32 $0x45800, s9;
	[sflag:s3] =	ssyncadd.s32 $0xFFFFFE00  }
0xc: {  	[tilespmem:s6], [sflag:$0x1] =	stream.indirect.gather [hbm4b:s5+s6], $0x80, s2, s6, $0xb8;
	[tilespmem:$0x10200] =	vst v63  }
0xd: {  	s8 =	smul.u32 $0xA000, s8;
	_ =	swait.ge [sflag:s7], $0x10000  }
0xe: {  	s18 =	sadd.s32 $0xC8000, s9;
	[sflag:s7] =	ssyncset.done $0x0  }
0xf: {  	s8 =	sadd.s32 s18, s8;
	[sflag:s7] =	ssyncadd.s32 $0xFFFF0000  }
0x10: {  	[hbm4b:s8+s2] =	stream.linear.scatter [tilespmem:s6], [sflag:$0x2], $0x10000, $0x38;
	[tilespmem:$0x10200] =	vst v63  }
0x11: {  	s10 =	sadd.s32 $0x200, s17;
	_ =	swait.ge [sflag:s3], $0x10000  }
0x12: {  	s28 =	sshrl.u32 s10, $0x3;
	[sflag:s3] =	ssyncset.done $0x0  }
0x13: {  	s9 =	sadd.s32 s15, s28;
	[sflag:s3] =	ssyncadd.s32 $0xFFFF0000  }
0x14: {  	[tilespmem:s2], [sflag:$0x2] =	stream.linear.gather [hbm4b:s9+s2], $0x200, $0x38;
	[tilespmem:$0x10200] =	vst v63  }
0x15: {  	_ =	swait.ge [sflag:s3], $0x200  }
0x16: {  	[sflag:s3] =	ssyncset.done $0x0  }
0x17: {  	[sflag:s3] =	ssyncadd.s32 $0xFFFFFE00  }
0x18: {  	[tilespmem:s6], [sflag:$0x1] =	stream.indirect.gather [hbm4b:s5+s6], $0x80, s2, s6, $0xb8;
	[tilespmem:$0x10200] =	vst v63  }
0x19: {  	_ =	swait.ge [sflag:s7], $0x10000  }
0x1a: {  	s10 =	sshll.u32 s10, $0x4;
	[sflag:s7] =	ssyncset.done $0x0  }
0x1b: {  	s10 =	sadd.s32 s18, s10;
	[sflag:s7] =	ssyncadd.s32 $0xFFFF0000  }
0x1c: {  	[hbm4b:s10+s2] =	stream.linear.scatter [tilespmem:s6], [sflag:$0x2], $0x10000, $0x38;
	[tilespmem:$0x10200] =	vst v63  }
0x1d: {  	s12 =	sadd.s32 $0x400, s17;
	_ =	swait.ge [sflag:s3], $0x10000  }
0x1e: {  	s11 =	sshrl.u32 s12, $0x3;
	[sflag:s3] =	ssyncset.done $0x0  }
0x1f: {  	s11 =	sadd.s32 s15, s11;
	[sflag:s3] =	ssyncadd.s32 $0xFFFF0000  }
0x20: {  	[tilespmem:s2], [sflag:$0x2] =	stream.linear.gather [hbm4b:s11+s2], $0x200, $0x38;
	[tilespmem:$0x10200] =	vst v63  }
0x21: {  	_ =	swait.ge [sflag:s3], $0x200  }
0x22: {  	[sflag:s3] =	ssyncset.done $0x0  }
0x23: {  	[sflag:s3] =	ssyncadd.s32 $0xFFFFFE00  }
0x24: {  	[tilespmem:s6], [sflag:$0x1] =	stream.indirect.gather [hbm4b:s5+s6], $0x80, s2, s6, $0xb8;
	[tilespmem:$0x10200] =	vst v63  }
0x25: {  	_ =	swait.ge [sflag:s7], $0x10000  }
0x26: {  	s12 =	sshll.u32 s12, $0x4;
	[sflag:s7] =	ssyncset.done $0x0  }
0x27: {  	s12 =	sadd.s32 s18, s12;
	[sflag:s7] =	ssyncadd.s32 $0xFFFF0000  }
0x28: {  	[hbm4b:s12+s2] =	stream.linear.scatter [tilespmem:s6], [sflag:$0x2], $0x10000, $0x38;
	[tilespmem:$0x10200] =	vst v63  }
0x29: {  	s14 =	sadd.s32 $0x600, s17;
	_ =	swait.ge [sflag:s3], $0x10000  }
0x2a: {  	s13 =	sshrl.u32 s14, $0x3;
	[sflag:s3] =	ssyncset.done $0x0  }
0x2b: {  	s13 =	sadd.s32 s15, s13;
	[sflag:s3] =	ssyncadd.s32 $0xFFFF0000  }
0x2c: {  	[tilespmem:s2], [sflag:$0x2] =	stream.linear.gather [hbm4b:s13+s2], $0x200, $0x38;
	[tilespmem:$0x10200] =	vst v63  }
0x2d: {  	_ =	swait.ge [sflag:s3], $0x200  }
0x2e: {  	[sflag:s3] =	ssyncset.done $0x0  }
0x2f: {  	[sflag:s3] =	ssyncadd.s32 $0xFFFFFE00  }
0x30: {  	[tilespmem:s6], [sflag:$0x1] =	stream.indirect.gather [hbm4b:s5+s6], $0x80, s2, s6, $0xb8;
	[tilespmem:$0x10200] =	vst v63  }
0x31: {  	_ =	swait.ge [sflag:s7], $0x10000  }
0x32: {  	s14 =	sshll.u32 s14, $0x4;
	[sflag:s7] =	ssyncset.done $0x0  }
0x33: {  	s14 =	sadd.s32 s18, s14;
	[sflag:s7] =	ssyncadd.s32 $0xFFFF0000  }
0x34: {  	[hbm4b:s14+s2] =	stream.linear.scatter [tilespmem:s6], [sflag:$0x2], $0x10000, $0x38;
	[tilespmem:$0x10200] =	vst v63  }
0x35: {  	s17 =	sadd.s32 $0x800, s17;
	_ =	swait.ge [sflag:s3], $0x10000  }
0x36: {  	s19 =	sshrl.u32 s17, $0x3;
	[sflag:s3] =	ssyncset.done $0x0  }
0x37: {  	s16 =	ssub.s32 $0x2, s16;
	s15 =	sadd.s32 s15, s19;
	[sflag:s3] =	ssyncadd.s32 $0xFFFF0000  }
0x38: {  	[tilespmem:s2], [sflag:$0x2] =	stream.linear.gather [hbm4b:s15+s2], $0x200, $0x38;
	[tilespmem:$0x10200] =	vst v63  }
0x39: {  	s29 =	sshrl.u32 s16, $0x1;
	_ =	swait.ge [sflag:s3], $0x200  }
0x3a: {  	s19 =	ssub.s32 s16, s29;
	[sflag:s3] =	ssyncset.done $0x0  }
0x3b: {  	s31 =	smax.u32 s19, $0x1;
	[sflag:s3] =	ssyncadd.s32 $0xFFFFFE00  }
0x3c: {  	[tilespmem:s6], [sflag:$0x1] =	stream.indirect.gather [hbm4b:s5+s6], $0x80, s2, s6, $0xb8;
	[tilespmem:$0x10200] =	vst v63  }
0x3d: {  	p0 =	sne.s32 s31, $0x1;
	_ =	swait.ge [sflag:s7], $0x10000  }
.Ltmp0:
0x3e: {  	s30 =	sshll.u32 s17, $0x4;
	[sflag:s7] =	ssyncset.done $0x0;
	(pc) =	sbr.rel @!p0 .LBB2_2-.Ltmp0, $4  }
0x3f: {  	s16 =	sadd.s32 s18, s30;
	[sflag:s7] =	ssyncadd.s32 $0xFFFF0000  }
0x40: {  	[hbm4b:s16+s2] =	stream.linear.scatter [tilespmem:s6], [sflag:$0x2], $0x10000, $0x38;
	[tilespmem:$0x10200] =	vst v63  }
0x41: {  	_ =	swait.ge [sflag:s3], $0x10000  }
0x42: {  	s17 =	sadd.s32 $0xFFFFFFFF, s31;
	[sflag:s3] =	ssyncset.done $0x0  }
.LBB2_1:
0x43: {  	p0 =	sne.s32 s17, $0x1;
	s17 =	sadd.s32 $0xFFFFFFFF, s17;
	[sflag:s3] =	ssyncadd.s32 $0xFFFF0000  }
0x44: {  	[tilespmem:s2], [sflag:$0x2] =	stream.linear.gather [hbm4b:s4+s2], $0x200, $0x38;
	[tilespmem:$0x10200] =	vst v63  }
0x45: {  	_ =	swait.ge [sflag:s3], $0x200  }
0x46: {  	[sflag:s3] =	ssyncset.done $0x0  }
0x47: {  	[sflag:s3] =	ssyncadd.s32 $0xFFFFFE00  }
0x48: {  	[tilespmem:s6], [sflag:$0x1] =	stream.indirect.gather [hbm4b:s5+s6], $0x80, s2, s6, $0xb8;
	[tilespmem:$0x10200] =	vst v63  }
0x49: {  	_ =	swait.ge [sflag:s7], $0x10000  }
0x4a: {  	[sflag:s7] =	ssyncset.done $0x0  }
0x4b: {  	[sflag:s7] =	ssyncadd.s32 $0xFFFF0000  }
0x4c: {  	[hbm4b:s8+s2] =	stream.linear.scatter [tilespmem:s6], [sflag:$0x2], $0x10000, $0x38;
	[tilespmem:$0x10200] =	vst v63  }
0x4d: {  	_ =	swait.ge [sflag:s3], $0x10000  }
0x4e: {  	[sflag:s3] =	ssyncset.done $0x0  }
0x4f: {  	[sflag:s3] =	ssyncadd.s32 $0xFFFF0000  }
0x50: {  	[tilespmem:s2], [sflag:$0x2] =	stream.linear.gather [hbm4b:s9+s2], $0x200, $0x38;
	[tilespmem:$0x10200] =	vst v63  }
0x51: {  	_ =	swait.ge [sflag:s3], $0x200  }
0x52: {  	[sflag:s3] =	ssyncset.done $0x0  }
0x53: {  	[sflag:s3] =	ssyncadd.s32 $0xFFFFFE00  }
0x54: {  	[tilespmem:s6], [sflag:$0x1] =	stream.indirect.gather [hbm4b:s5+s6], $0x80, s2, s6, $0xb8;
	[tilespmem:$0x10200] =	vst v63  }
0x55: {  	_ =	swait.ge [sflag:s7], $0x10000  }
0x56: {  	[sflag:s7] =	ssyncset.done $0x0  }
0x57: {  	[sflag:s7] =	ssyncadd.s32 $0xFFFF0000  }
0x58: {  	[hbm4b:s10+s2] =	stream.linear.scatter [tilespmem:s6], [sflag:$0x2], $0x10000, $0x38;
	[tilespmem:$0x10200] =	vst v63  }
0x59: {  	_ =	swait.ge [sflag:s3], $0x10000  }
0x5a: {  	[sflag:s3] =	ssyncset.done $0x0  }
0x5b: {  	[sflag:s3] =	ssyncadd.s32 $0xFFFF0000  }
0x5c: {  	[tilespmem:s2], [sflag:$0x2] =	stream.linear.gather [hbm4b:s11+s2], $0x200, $0x38;
	[tilespmem:$0x10200] =	vst v63  }
0x5d: {  	_ =	swait.ge [sflag:s3], $0x200  }
0x5e: {  	[sflag:s3] =	ssyncset.done $0x0  }
0x5f: {  	[sflag:s3] =	ssyncadd.s32 $0xFFFFFE00  }
0x60: {  	[tilespmem:s6], [sflag:$0x1] =	stream.indirect.gather [hbm4b:s5+s6], $0x80, s2, s6, $0xb8;
	[tilespmem:$0x10200] =	vst v63  }
0x61: {  	_ =	swait.ge [sflag:s7], $0x10000  }
0x62: {  	[sflag:s7] =	ssyncset.done $0x0  }
0x63: {  	[sflag:s7] =	ssyncadd.s32 $0xFFFF0000  }
0x64: {  	[hbm4b:s12+s2] =	stream.linear.scatter [tilespmem:s6], [sflag:$0x2], $0x10000, $0x38;
	[tilespmem:$0x10200] =	vst v63  }
0x65: {  	_ =	swait.ge [sflag:s3], $0x10000  }
0x66: {  	[sflag:s3] =	ssyncset.done $0x0  }
0x67: {  	[sflag:s3] =	ssyncadd.s32 $0xFFFF0000  }
0x68: {  	[tilespmem:s2], [sflag:$0x2] =	stream.linear.gather [hbm4b:s13+s2], $0x200, $0x38;
	[tilespmem:$0x10200] =	vst v63  }
0x69: {  	_ =	swait.ge [sflag:s3], $0x200  }
0x6a: {  	[sflag:s3] =	ssyncset.done $0x0  }
0x6b: {  	[sflag:s3] =	ssyncadd.s32 $0xFFFFFE00  }
0x6c: {  	[tilespmem:s6], [sflag:$0x1] =	stream.indirect.gather [hbm4b:s5+s6], $0x80, s2, s6, $0xb8;
	[tilespmem:$0x10200] =	vst v63  }
0x6d: {  	_ =	swait.ge [sflag:s7], $0x10000  }
0x6e: {  	[sflag:s7] =	ssyncset.done $0x0  }
0x6f: {  	[sflag:s7] =	ssyncadd.s32 $0xFFFF0000  }
0x70: {  	[hbm4b:s14+s2] =	stream.linear.scatter [tilespmem:s6], [sflag:$0x2], $0x10000, $0x38;
	[tilespmem:$0x10200] =	vst v63  }
0x71: {  	_ =	swait.ge [sflag:s3], $0x10000  }
0x72: {  	[sflag:s3] =	ssyncset.done $0x0  }
0x73: {  	[sflag:s3] =	ssyncadd.s32 $0xFFFF0000  }
0x74: {  	[tilespmem:s2], [sflag:$0x2] =	stream.linear.gather [hbm4b:s15+s2], $0x200, $0x38;
	[tilespmem:$0x10200] =	vst v63  }
0x75: {  	_ =	swait.ge [sflag:s3], $0x200  }
0x76: {  	[sflag:s3] =	ssyncset.done $0x0  }
0x77: {  	[sflag:s3] =	ssyncadd.s32 $0xFFFFFE00  }
0x78: {  	[tilespmem:s6], [sflag:$0x1] =	stream.indirect.gather [hbm4b:s5+s6], $0x80, s2, s6, $0xb8;
	[tilespmem:$0x10200] =	vst v63  }
0x79: {  	_ =	swait.ge [sflag:s7], $0x10000  }
.Ltmp1:
0x7a: {  	[sflag:s7] =	ssyncset.done $0x0;
	(pc) =	sbr.rel @p0 .LBB2_1-.Ltmp1, $4  }
0x7b: {  	[sflag:s7] =	ssyncadd.s32 $0xFFFF0000  }
0x7c: {  	[hbm4b:s16+s2] =	stream.linear.scatter [tilespmem:s6], [sflag:$0x2], $0x10000, $0x38;
	[tilespmem:$0x10200] =	vst v63  }
0x7d: {  	_ =	swait.ge [sflag:s3], $0x10000  }
0x7e: {  	[sflag:s3] =	ssyncset.done $0x0  }
.LBB2_2:
0x7f: {  	[sflag:s3] =	ssyncadd.s32 $0xFFFF0000  }
0x80: {  	_ =	sfence.sel $0x180000  }
0x81: {  	[bflag:$0x0] =	sbarrier.arrive $0xFFFF  }
0x82: {  	p0 =	sne.s32 s0, $0x0;
	_ =	strace $0x90000047  }
0x83: {  	s0 =	sadd.s32 @!p0 $0x100000, s1;
	[bflag:$0x2] =	sbarrier.arrive $0xFFFF  }
0x84: {  	[sflag:s0] =	ssyncadd.tile.s32 @!p0 $0x1;
	_ =	shalt  }
.Lfunc_end2:
_tile_overlayer_lowered:
.L_overlay_start_2:
0x85: {  	(tag) =	ssettag $0x2  }
0x86: {  	s0 =	rddreg [dreg:$0x0];
	s2 =	stileid.u32  }
0x87: {  	s1 =	rddreg [dreg:$0x1];
	p0 =	sne.s32 s2, $0x0  }
0x88: {  	s3 =	rddreg [dreg:$0x2];
	[bflag:$0x3] =	sbarrier.arrive $0xFFFF;
	s2 =	simm.s32 @!p0 $0x1C02  }
0x89: {  	[timem:s3], [sflag:s2] =	dma.local @!p0 [hbm:s0], s1  }
0x8a: {  	s0 =	simm.s32 @!p0 $0x2  }
0x8b: {  	_ =	swait.ge @!p0 [sflag:s0], s1  }
0x8c: {  	s1 =	ssub.s32 @!p0 $0x0, s1;
	[sflag:s0] =	ssyncset.done @!p0 $0x0  }
0x8d: {  	[sflag:s0] =	ssyncadd.s32 @!p0 s1  }
0x8e: {  	[bflag:$0x3] =	sbarrier.arrive $0xFFFF  }
0x8f: {  	_ =	shalt  }

// kernel: kernel.13.cloned.1.call-start
scs
__scs_entry_jumppad:
0x0: {  	(pc) =	sbr.rel $0x88, $3  }
0x1: {  	(tag) =	ssettag $0x0;
	lr =	simm.s32 $0x1  }
0x2: {  	[smem:$0x3F8F] =	sst lr;
	_ =	strace $0xD0000000  }
0x3: {  	_ = 	snop  }
0x4: {  	_ = 	snop  }
0x5: {  	_ = 	snop  }
0x6: {  	_ = 	snop  }
0x7: {  	_ = 	snop  }
__scs_overlays_trampoline_lowered:
0x8: {  	[smem:$0x3F9E] =	sst s0  }
0x9: {  	[smem:$0x3F9F] =	sst s1  }
0xa: {  	[smem:$0x3FA0] =	sst s2  }
0xb: {  	[smem:$0x3FA1] =	sst s3  }
0xc: {  	[smem:$0x3FA2] =	sst s4  }
0xd: {  	[smem:$0x3FA3] =	sst s5  }
0xe: {  	[smem:$0x3FA4] =	sst s6  }
0xf: {  	[smem:$0x3FA5] =	sst s7  }
0x10: {  	[smem:$0x3FA6] =	sst s8  }
0x11: {  	[smem:$0x3FA7] =	sst s9;
	s0 =	simm.s32 @!p0 $0x0  }
0x12: {  	s1 =	sld [smem:$0x3F8D];
	s0 =	simm.s32 @p0 $0x1  }
0x13: {  	[smem:$0x3FA8] =	sst s0;
	s0 =	simm.s32 @!p1 $0x0  }
0x14: {  	s2 =	sld [smem:$0x3F8C];
	s0 =	simm.s32 @p1 $0x1  }
0x15: {  	[smem:$0x3FA9] =	sst s0;
	s0 =	simm.s32 @!p2 $0x0  }
0x16: {  	s3 =	sld [smem:$0x3FDB];
	s0 =	simm.s32 @p2 $0x1  }
0x17: {  	s4 =	simm.s32 $0x1BF5;
	[smem:$0x3FAB] =	sst s0  }
0x18: {  	s0 =	sld [smem:$0x3F8E];
	_ =	swait.ge [sflag:s4], $0x0  }
0x19: {  	s7 =	sld [smem:$0x3F8F]  }
0x1a: {  	s8 =	sadd.s32 $0xFFFFE003, lr  }
0x1b: {  	s9 =	sadd.s32 $0xFFFFFEF7, lr;
	s5 =	simm.s32 $0xFFFFFFFF;
	p2 =	slt.u32 s8, $0xFFFFF086  }
0x1c: {  	p1 =	slt.u32 s9, $0xF7A;
	s5 =	simm.s32 @!p2 $0x0  }
0x1d: {  	s5 =	simm.s32 @p1 $0x1;
	p0 =	seq.s32 s7, s2  }
0x1e: {  	s7 =	smul.u32 @!p0 $0xF7A, s2;
	p2 =	seq.s32 @!p0 s5, $0x0  }
0x1f: {  	s9 =	smul.u32 $0xF7A, s1;
	s8 =	simm.s32 @!p0 $0x1BF5;
	p2 =	por !p2, p0  }
0x20: {  	[sflag:s8] =	ssyncset.s32 @!p0 $0xFFFFF086;
	s6 =	sadd.s32 @!p0 s3, s7;
	s7 =	simm.s32 @!p0 $0x108  }
0x21: {  	s3 =	sadd.s32 s3, s9;
	s6 =	sadd.s32 @!p0 $0x88, s6;
	s7 =	simm.s32 @p2 $0x1082  }
0x22: {  	[simem:s7], [sflag:s8] =	dma.local @!p0 [hbm:s6], $0xF7A  }
0x23: {  	s9 =	sor.u32 $0xD0000000, s2;
	s6 =	simm.s32 $0x108;
	_ =	swait.ge @!p0 [sflag:s8], $0x0  }
0x24: {  	s3 =	sadd.s32 $0x88, s3;
	s6 =	simm.s32 @!p1 $0x1082;
	[sflag:s4] =	ssyncset.s32 $0xFFFFF086  }
0x25: {  	[simem:s6], [sflag:s4] =	dma.local [hbm:s3], $0xF7A  }
0x26: {  	[smem:$0x3F8F] =	sst s1;
	(tag) =	ssettag s2;
	_ =	strace s9  }
0x27: {  	s1 =	sld [smem:$0x3F9F]  }
0x28: {  	s2 =	sld [smem:$0x3FA0]  }
0x29: {  	s4 =	sld [smem:$0x3FA2]  }
0x2a: {  	p0 =	seq.s32 s5, $0x0;
	s5 =	sld [smem:$0x3FA3]  }
0x2b: {  	s6 =	sld [smem:$0x3FA4]  }
0x2c: {  	s7 =	sld [smem:$0x3FA5]  }
0x2d: {  	s3 =	simm.s32 $0x108;
	s8 =	sld [smem:$0x3FA6]  }
0x2e: {  	s3 =	simm.s32 @!p0 $0x1082;
	s9 =	sld [smem:$0x3FA7]  }
0x2f: {  	lr =	sadd.s32 s0, s3;
	s0 =	sld [smem:$0x3F9E]  }
0x30: {  	s3 =	sld [smem:$0x3FA1]  }
0x31: {  	[smem:$0x3FAA] =	sst s10  }
0x32: {  	s10 =	sld [smem:$0x3FA8];
	_ =	sdelay $0x3  }
0x33: {  	p0 =	seq.s32 s10, $0x1;
	s10 =	sld [smem:$0x3FAA];
	_ =	sdelay $0x3  }
0x34: {  	[smem:$0x3FAA] =	sst s10  }
0x35: {  	s10 =	sld [smem:$0x3FA9];
	_ =	sdelay $0x3  }
0x36: {  	p1 =	seq.s32 s10, $0x1;
	s10 =	sld [smem:$0x3FAA];
	_ =	sdelay $0x3  }
0x37: {  	[smem:$0x3FAA] =	sst s10  }
0x38: {  	s10 =	sld [smem:$0x3FAB]  }
0x39: {  	_ = 	snop;
	(pc) =	sbr.ind lr, $3  }
0x3a: {  	_ = 	snop  }
0x3b: {  	_ = 	snop  }
0x3c: {  	p2 =	seq.s32 s10, $0x1;
	s10 =	sld [smem:$0x3FAA]  }
0x3d: {  	_ =	shalt  }
0x3e: {  	_ =	shalt  }
0x3f: {  	_ =	shalt  }
0x40: {  	_ =	shalt  }
0x41: {  	_ =	shalt  }
0x42: {  	_ =	shalt  }
0x43: {  	_ =	shalt  }
0x44: {  	_ =	shalt  }
0x45: {  	_ =	shalt  }
0x46: {  	_ =	shalt  }
0x47: {  	_ =	shalt  }
0x48: {  	_ =	shalt  }
0x49: {  	_ =	shalt  }
0x4a: {  	_ =	shalt  }
0x4b: {  	_ =	shalt  }
0x4c: {  	_ =	shalt  }
0x4d: {  	_ =	shalt  }
0x4e: {  	_ =	shalt  }
0x4f: {  	_ =	shalt  }
0x50: {  	_ =	shalt  }
0x51: {  	_ =	shalt  }
0x52: {  	_ =	shalt  }
0x53: {  	_ =	shalt  }
0x54: {  	_ =	shalt  }
0x55: {  	_ =	shalt  }
0x56: {  	_ =	shalt  }
0x57: {  	_ =	shalt  }
0x58: {  	_ =	shalt  }
0x59: {  	_ =	shalt  }
0x5a: {  	_ =	shalt  }
0x5b: {  	_ =	shalt  }
0x5c: {  	_ =	shalt  }
0x5d: {  	_ =	shalt  }
0x5e: {  	_ =	shalt  }
0x5f: {  	_ =	shalt  }
0x60: {  	_ =	shalt  }
0x61: {  	_ =	shalt  }
0x62: {  	_ =	shalt  }
0x63: {  	_ =	shalt  }
0x64: {  	_ =	shalt  }
0x65: {  	_ =	shalt  }
0x66: {  	_ =	shalt  }
0x67: {  	_ =	shalt  }
0x68: {  	_ =	shalt  }
0x69: {  	_ =	shalt  }
0x6a: {  	_ =	shalt  }
0x6b: {  	_ =	shalt  }
0x6c: {  	_ =	shalt  }
0x6d: {  	_ =	shalt  }
0x6e: {  	_ =	shalt  }
0x6f: {  	_ =	shalt  }
0x70: {  	_ =	shalt  }
0x71: {  	_ =	shalt  }
0x72: {  	_ =	shalt  }
0x73: {  	_ =	shalt  }
0x74: {  	_ =	shalt  }
0x75: {  	_ =	shalt  }
0x76: {  	_ =	shalt  }
0x77: {  	_ =	shalt  }
0x78: {  	_ =	shalt  }
0x79: {  	_ =	shalt  }
0x7a: {  	_ =	shalt  }
0x7b: {  	_ =	shalt  }
0x7c: {  	_ =	shalt  }
0x7d: {  	_ =	shalt  }
0x7e: {  	_ =	shalt  }
0x7f: {  	_ =	shalt  }
0x80: {  	_ =	shalt  }
0x81: {  	_ =	shalt  }
0x82: {  	_ =	shalt  }
0x83: {  	_ =	shalt  }
0x84: {  	_ =	shalt  }
0x85: {  	_ =	shalt  }
0x86: {  	_ =	shalt  }
0x87: {  	_ =	shalt  }
.Lfunc_end0:
.L_simem_size_0:
called_computation.1_lowered:
.L_overlay_start_0:
0x88: {  	s2 =	sld [smem:$0x3FD9]  }
0x89: {  	s3 =	sld [smem:$0x3FFE];
	_ =	sdelay $0x1  }
0x8a: {  	s1 =	srdreg.scid  }
0x8b: {  	s0 =	sand.u32 $0x1, s1  }
0x8c: {  	s16 =	sshll.u32 s0, $0xA;
	s2 =	sadd.s32 s3, s2  }
0x8d: {  	s2 =	sadd.s32 s2, s16  }
0x8e: {  	[smem:$0x3FB6] =	sst s2  }
0x8f: {  	_ = 	snop  }
0x90: {  	(tm) =	ssettm $0x1  }
0x91: {  	s17 =	sld [smem:$0x3FFB];
	_ =	sdelay $0x3  }
0x92: {  	_ =	strace s17  }
0x93: {  	s2 =	sld [smem:$0x3FFC];
	_ =	sdelay $0x3  }
0x94: {  	_ =	strace s2  }
0x95: {  	s2 =	sld [smem:$0x3FFD];
	_ =	sdelay $0x3  }
0x96: {  	_ =	strace s2  }
0x97: {  	_ =	strace $0x8FFFFFFF  }
0x98: {  	s18 =	sld [smem:$0x3FDB];
	_ =	sdelay $0x1  }
0x99: {  	s19 =	simm.s32 $_scs_section_size  }
0x9a: {  	s4 =	simm.s32 $_size__tile_overlayer_lowered;
	s5 =	simm.s32 $_tile_overlayer_lowered  }
0x9b: {  	s22 =	simm.s32 $0x1BFF;
	s21 =	sshll.u32 s5, $0x1;
	s2 =	sadd.s32 s19, s18  }
0x9c: {  	s6 =	simm.s32 $0x0;
	s20 =	sshll.u32 s4, $0x1;
	s4 =	sadd.s32 s21, s2  }
0x9d: {  	[timem:s6], [sflag:s22] =	dma.local [hbm:s4], s20  }
0x9e: {  	_ =	swait.ge [sflag:s22], s20  }
0x9f: {  	s3 =	ssub.s32 $0x0, s20;
	[sflag:s22] =	ssyncset.done $0x0  }
0xa0: {  	[sflag:s22] =	ssyncadd.s32 s3;
	_ =	sdelay $0x1  }
0xa1: {  	s23 =	simm.s32 $0x1B8B  }
0xa2: {  	_ =	swait.ge [sflag:s23], $0x1  }
0xa3: {  	[sflag:s23] =	ssyncset.done $0x0  }
0xa4: {  	s25 =	simm.s32 $0x1B8E;
	s24 =	sld [smem:$0x3FFE];
	[sflag:s23] =	ssyncadd.s32 $0xFFFFFFFF  }
0xa5: {  	s26 =	simm.s32 $execute0_lowered;
	[smem:$0x3FD2] =	sst s25  }
0xa6: {  	s4 =	sshll.u32 s26, $0x1;
	_ =	strace $0x80000049;
	[dreg:$0x1] =	wrdreg $0xFFFFFFFF  }
0xa7: {  	s28 =	simm.s32 $_size_execute0_lowered;
	s2 =	sadd.s32 s2, s4;
	[dreg:$0x0] =	wrdreg $0x0  }
0xa8: {  	s4 =	sshll.u32 s28, $0x1;
	[dreg:$0x2] =	wrdreg s2  }
0xa9: {  	[dreg:$0x3] =	wrdreg s4  }
0xaa: {  	[dreg:$0x4] =	wrdreg $0xC0  }
0xab: {  	_ =	task [dreg:s6], $0x5FFFF  }
0xac: {  	[dreg:$0x1] =	wrdreg $0xFFFFFFFF  }
0xad: {  	[dreg:$0x0] =	wrdreg $0x60  }
0xae: {  	[dreg:$0x2] =	wrdreg s24  }
0xaf: {  	[dreg:$0x3] =	wrdreg $0x9  }
0xb0: {  	_ =	task.clear_ibuf [dreg:s6], $0x4FFFF;
	_ =	strace $0x90000049  }
0xb1: {  	s29 =	simm.s32 $0x9;
	_ =	strace $0x8000004B  }
0xb2: {  	_ =	swait.ge [sflag:s29], $0x1  }
0xb3: {  	[sflag:s29] =	ssyncadd.s32 $0xFFFFFFFF  }
0xb4: {  	_ =	strace $0x9000004B  }
0xb5: {  	_ =	sfence  }
0xb6: {  	s30 =	sld [smem:$0x0];
	_ =	sdelay $0x2  }
0xb7: {  	s31 =	sshll.u32 s1, $0xD;
	s1 =	sshrl.u32 s1, $0x2  }
0xb8: {  	s3 =	sand.u32 $0x4000, s31;
	s1 =	sadd.s32 s1, s30  }
0xb9: {  	s0 =	sor.u32 s3, s0;
	s1 =	sshll.u32 s1, $0x11  }
0xba: {  	s0 =	sor.u32 s1, s0  }
0xbb: {  	s0 =	sadd.s32 $0x8F2B, s0  }
0xbc: {  	[sflag:s0] =	ssyncadd.remote.s32 $0x1  }
0xbd: {  	_ =	sfence.sel $0xFFFF  }
0xbe: {  	[dreg:$0x0] =	wrdreg $0xFFFFFFFF;
	(pc) =	sbr.abs _section_cstart, $3  }
0xbf: {  	[dreg:$0x1] =	wrdreg $0xFFFFFFFF  }
0xc0: {  	_ =	task.clear_ibuf [dreg:s6], $0x2FFFF;
	_ =	strace $0x9FFFFFFF  }
0xc1: {  	(tm) =	ssettm $0x7FFFFFFF  }
tec
execute0_lowered:
.L_overlay_start_1:
0x0: {  	(tag) =	ssettag $0x1  }
0x1: {  	s1 =	srdreg.scid;
	s0 =	stileid.u32  }
0x2: {  	s16 =	sand.u32 $0x1, s1;
	s26 =	sshll.u32 s0, $0x1  }
0x3: {  	s8 =	sor.u32 s16, s26  }
0x4: {  	s9 =	rddreg [dreg:$0x0];
	s17 =	smul.u32 $0xA00, s8  }
0x5: {  	s2 =	simm.s32 $0x0;
	s1 =	rddreg [dreg:$0x1]  }
0x6: {  	[smem:$0x7FF] =	sst s2;
	s15 =	sadd.s32 $0x85800, s9;
	s3 =	sshrl.u32 s17, $0x3  }
0x7: {  	_ =	strace $0x8000004A;
	s4 =	sadd.s32 s15, s3;
	s3 =	simm.s32 $0x2  }
0x8: {  	[tilespmem:s2], [sflag:$0x2] =	stream.linear.gather [hbm4b:s4+s2], $0x200, $0x38;
	[tilespmem:$0x10200] =	vst v63  }
0x9: {  	_ =	swait.ge [sflag:s3], $0x200  }
0xa: {  	s6 =	simm.s32 $0x200;
	[sflag:s3] =	ssyncset.done $0x0  }
0xb: {  	s7 =	simm.s32 $0x1;
	s5 =	sadd.s32 $0x45800, s9;
	[sflag:s3] =	ssyncadd.s32 $0xFFFFFE00  }
0xc: {  	[tilespmem:s6], [sflag:$0x1] =	stream.indirect.gather [hbm4b:s5+s6], $0x80, s2, s6, $0xb8;
	[tilespmem:$0x10200] =	vst v63  }
0xd: {  	s8 =	smul.u32 $0xA000, s8;
	_ =	swait.ge [sflag:s7], $0x10000  }
0xe: {  	s18 =	sadd.s32 $0x108000, s9;
	[sflag:s7] =	ssyncset.done $0x0  }
0xf: {  	s8 =	sadd.s32 s18, s8;
	[sflag:s7] =	ssyncadd.s32 $0xFFFF0000  }
0x10: {  	[hbm4b:s8+s2] =	stream.linear.scatter [tilespmem:s6], [sflag:$0x2], $0x10000, $0x38;
	[tilespmem:$0x10200] =	vst v63  }
0x11: {  	s10 =	sadd.s32 $0x200, s17;
	_ =	swait.ge [sflag:s3], $0x10000  }
0x12: {  	s28 =	sshrl.u32 s10, $0x3;
	[sflag:s3] =	ssyncset.done $0x0  }
0x13: {  	s9 =	sadd.s32 s15, s28;
	[sflag:s3] =	ssyncadd.s32 $0xFFFF0000  }
0x14: {  	[tilespmem:s2], [sflag:$0x2] =	stream.linear.gather [hbm4b:s9+s2], $0x200, $0x38;
	[tilespmem:$0x10200] =	vst v63  }
0x15: {  	_ =	swait.ge [sflag:s3], $0x200  }
0x16: {  	[sflag:s3] =	ssyncset.done $0x0  }
0x17: {  	[sflag:s3] =	ssyncadd.s32 $0xFFFFFE00  }
0x18: {  	[tilespmem:s6], [sflag:$0x1] =	stream.indirect.gather [hbm4b:s5+s6], $0x80, s2, s6, $0xb8;
	[tilespmem:$0x10200] =	vst v63  }
0x19: {  	_ =	swait.ge [sflag:s7], $0x10000  }
0x1a: {  	s10 =	sshll.u32 s10, $0x4;
	[sflag:s7] =	ssyncset.done $0x0  }
0x1b: {  	s10 =	sadd.s32 s18, s10;
	[sflag:s7] =	ssyncadd.s32 $0xFFFF0000  }
0x1c: {  	[hbm4b:s10+s2] =	stream.linear.scatter [tilespmem:s6], [sflag:$0x2], $0x10000, $0x38;
	[tilespmem:$0x10200] =	vst v63  }
0x1d: {  	s12 =	sadd.s32 $0x400, s17;
	_ =	swait.ge [sflag:s3], $0x10000  }
0x1e: {  	s11 =	sshrl.u32 s12, $0x3;
	[sflag:s3] =	ssyncset.done $0x0  }
0x1f: {  	s11 =	sadd.s32 s15, s11;
	[sflag:s3] =	ssyncadd.s32 $0xFFFF0000  }
0x20: {  	[tilespmem:s2], [sflag:$0x2] =	stream.linear.gather [hbm4b:s11+s2], $0x200, $0x38;
	[tilespmem:$0x10200] =	vst v63  }
0x21: {  	_ =	swait.ge [sflag:s3], $0x200  }
0x22: {  	[sflag:s3] =	ssyncset.done $0x0  }
0x23: {  	[sflag:s3] =	ssyncadd.s32 $0xFFFFFE00  }
0x24: {  	[tilespmem:s6], [sflag:$0x1] =	stream.indirect.gather [hbm4b:s5+s6], $0x80, s2, s6, $0xb8;
	[tilespmem:$0x10200] =	vst v63  }
0x25: {  	_ =	swait.ge [sflag:s7], $0x10000  }
0x26: {  	s12 =	sshll.u32 s12, $0x4;
	[sflag:s7] =	ssyncset.done $0x0  }
0x27: {  	s12 =	sadd.s32 s18, s12;
	[sflag:s7] =	ssyncadd.s32 $0xFFFF0000  }
0x28: {  	[hbm4b:s12+s2] =	stream.linear.scatter [tilespmem:s6], [sflag:$0x2], $0x10000, $0x38;
	[tilespmem:$0x10200] =	vst v63  }
0x29: {  	s14 =	sadd.s32 $0x600, s17;
	_ =	swait.ge [sflag:s3], $0x10000  }
0x2a: {  	s13 =	sshrl.u32 s14, $0x3;
	[sflag:s3] =	ssyncset.done $0x0  }
0x2b: {  	s13 =	sadd.s32 s15, s13;
	[sflag:s3] =	ssyncadd.s32 $0xFFFF0000  }
0x2c: {  	[tilespmem:s2], [sflag:$0x2] =	stream.linear.gather [hbm4b:s13+s2], $0x200, $0x38;
	[tilespmem:$0x10200] =	vst v63  }
0x2d: {  	_ =	swait.ge [sflag:s3], $0x200  }
0x2e: {  	[sflag:s3] =	ssyncset.done $0x0  }
0x2f: {  	[sflag:s3] =	ssyncadd.s32 $0xFFFFFE00  }
0x30: {  	[tilespmem:s6], [sflag:$0x1] =	stream.indirect.gather [hbm4b:s5+s6], $0x80, s2, s6, $0xb8;
	[tilespmem:$0x10200] =	vst v63  }
0x31: {  	_ =	swait.ge [sflag:s7], $0x10000  }
0x32: {  	s14 =	sshll.u32 s14, $0x4;
	[sflag:s7] =	ssyncset.done $0x0  }
0x33: {  	s14 =	sadd.s32 s18, s14;
	[sflag:s7] =	ssyncadd.s32 $0xFFFF0000  }
0x34: {  	[hbm4b:s14+s2] =	stream.linear.scatter [tilespmem:s6], [sflag:$0x2], $0x10000, $0x38;
	[tilespmem:$0x10200] =	vst v63  }
0x35: {  	s17 =	sadd.s32 $0x800, s17;
	_ =	swait.ge [sflag:s3], $0x10000  }
0x36: {  	s19 =	sshrl.u32 s17, $0x3;
	[sflag:s3] =	ssyncset.done $0x0  }
0x37: {  	s16 =	ssub.s32 $0x2, s16;
	s15 =	sadd.s32 s15, s19;
	[sflag:s3] =	ssyncadd.s32 $0xFFFF0000  }
0x38: {  	[tilespmem:s2], [sflag:$0x2] =	stream.linear.gather [hbm4b:s15+s2], $0x200, $0x38;
	[tilespmem:$0x10200] =	vst v63  }
0x39: {  	s29 =	sshrl.u32 s16, $0x1;
	_ =	swait.ge [sflag:s3], $0x200  }
0x3a: {  	s19 =	ssub.s32 s16, s29;
	[sflag:s3] =	ssyncset.done $0x0  }
0x3b: {  	s31 =	smax.u32 s19, $0x1;
	[sflag:s3] =	ssyncadd.s32 $0xFFFFFE00  }
0x3c: {  	[tilespmem:s6], [sflag:$0x1] =	stream.indirect.gather [hbm4b:s5+s6], $0x80, s2, s6, $0xb8;
	[tilespmem:$0x10200] =	vst v63  }
0x3d: {  	p0 =	sne.s32 s31, $0x1;
	_ =	swait.ge [sflag:s7], $0x10000  }
.Ltmp0:
0x3e: {  	s30 =	sshll.u32 s17, $0x4;
	[sflag:s7] =	ssyncset.done $0x0;
	(pc) =	sbr.rel @!p0 .LBB2_2-.Ltmp0, $4  }
0x3f: {  	s16 =	sadd.s32 s18, s30;
	[sflag:s7] =	ssyncadd.s32 $0xFFFF0000  }
0x40: {  	[hbm4b:s16+s2] =	stream.linear.scatter [tilespmem:s6], [sflag:$0x2], $0x10000, $0x38;
	[tilespmem:$0x10200] =	vst v63  }
0x41: {  	_ =	swait.ge [sflag:s3], $0x10000  }
0x42: {  	s17 =	sadd.s32 $0xFFFFFFFF, s31;
	[sflag:s3] =	ssyncset.done $0x0  }
.LBB2_1:
0x43: {  	p0 =	sne.s32 s17, $0x1;
	s17 =	sadd.s32 $0xFFFFFFFF, s17;
	[sflag:s3] =	ssyncadd.s32 $0xFFFF0000  }
0x44: {  	[tilespmem:s2], [sflag:$0x2] =	stream.linear.gather [hbm4b:s4+s2], $0x200, $0x38;
	[tilespmem:$0x10200] =	vst v63  }
0x45: {  	_ =	swait.ge [sflag:s3], $0x200  }
0x46: {  	[sflag:s3] =	ssyncset.done $0x0  }
0x47: {  	[sflag:s3] =	ssyncadd.s32 $0xFFFFFE00  }
0x48: {  	[tilespmem:s6], [sflag:$0x1] =	stream.indirect.gather [hbm4b:s5+s6], $0x80, s2, s6, $0xb8;
	[tilespmem:$0x10200] =	vst v63  }
0x49: {  	_ =	swait.ge [sflag:s7], $0x10000  }
0x4a: {  	[sflag:s7] =	ssyncset.done $0x0  }
0x4b: {  	[sflag:s7] =	ssyncadd.s32 $0xFFFF0000  }
0x4c: {  	[hbm4b:s8+s2] =	stream.linear.scatter [tilespmem:s6], [sflag:$0x2], $0x10000, $0x38;
	[tilespmem:$0x10200] =	vst v63  }
0x4d: {  	_ =	swait.ge [sflag:s3], $0x10000  }
0x4e: {  	[sflag:s3] =	ssyncset.done $0x0  }
0x4f: {  	[sflag:s3] =	ssyncadd.s32 $0xFFFF0000  }
0x50: {  	[tilespmem:s2], [sflag:$0x2] =	stream.linear.gather [hbm4b:s9+s2], $0x200, $0x38;
	[tilespmem:$0x10200] =	vst v63  }
0x51: {  	_ =	swait.ge [sflag:s3], $0x200  }
0x52: {  	[sflag:s3] =	ssyncset.done $0x0  }
0x53: {  	[sflag:s3] =	ssyncadd.s32 $0xFFFFFE00  }
0x54: {  	[tilespmem:s6], [sflag:$0x1] =	stream.indirect.gather [hbm4b:s5+s6], $0x80, s2, s6, $0xb8;
	[tilespmem:$0x10200] =	vst v63  }
0x55: {  	_ =	swait.ge [sflag:s7], $0x10000  }
0x56: {  	[sflag:s7] =	ssyncset.done $0x0  }
0x57: {  	[sflag:s7] =	ssyncadd.s32 $0xFFFF0000  }
0x58: {  	[hbm4b:s10+s2] =	stream.linear.scatter [tilespmem:s6], [sflag:$0x2], $0x10000, $0x38;
	[tilespmem:$0x10200] =	vst v63  }
0x59: {  	_ =	swait.ge [sflag:s3], $0x10000  }
0x5a: {  	[sflag:s3] =	ssyncset.done $0x0  }
0x5b: {  	[sflag:s3] =	ssyncadd.s32 $0xFFFF0000  }
0x5c: {  	[tilespmem:s2], [sflag:$0x2] =	stream.linear.gather [hbm4b:s11+s2], $0x200, $0x38;
	[tilespmem:$0x10200] =	vst v63  }
0x5d: {  	_ =	swait.ge [sflag:s3], $0x200  }
0x5e: {  	[sflag:s3] =	ssyncset.done $0x0  }
0x5f: {  	[sflag:s3] =	ssyncadd.s32 $0xFFFFFE00  }
0x60: {  	[tilespmem:s6], [sflag:$0x1] =	stream.indirect.gather [hbm4b:s5+s6], $0x80, s2, s6, $0xb8;
	[tilespmem:$0x10200] =	vst v63  }
0x61: {  	_ =	swait.ge [sflag:s7], $0x10000  }
0x62: {  	[sflag:s7] =	ssyncset.done $0x0  }
0x63: {  	[sflag:s7] =	ssyncadd.s32 $0xFFFF0000  }
0x64: {  	[hbm4b:s12+s2] =	stream.linear.scatter [tilespmem:s6], [sflag:$0x2], $0x10000, $0x38;
	[tilespmem:$0x10200] =	vst v63  }
0x65: {  	_ =	swait.ge [sflag:s3], $0x10000  }
0x66: {  	[sflag:s3] =	ssyncset.done $0x0  }
0x67: {  	[sflag:s3] =	ssyncadd.s32 $0xFFFF0000  }
0x68: {  	[tilespmem:s2], [sflag:$0x2] =	stream.linear.gather [hbm4b:s13+s2], $0x200, $0x38;
	[tilespmem:$0x10200] =	vst v63  }
0x69: {  	_ =	swait.ge [sflag:s3], $0x200  }
0x6a: {  	[sflag:s3] =	ssyncset.done $0x0  }
0x6b: {  	[sflag:s3] =	ssyncadd.s32 $0xFFFFFE00  }
0x6c: {  	[tilespmem:s6], [sflag:$0x1] =	stream.indirect.gather [hbm4b:s5+s6], $0x80, s2, s6, $0xb8;
	[tilespmem:$0x10200] =	vst v63  }
0x6d: {  	_ =	swait.ge [sflag:s7], $0x10000  }
0x6e: {  	[sflag:s7] =	ssyncset.done $0x0  }
0x6f: {  	[sflag:s7] =	ssyncadd.s32 $0xFFFF0000  }
0x70: {  	[hbm4b:s14+s2] =	stream.linear.scatter [tilespmem:s6], [sflag:$0x2], $0x10000, $0x38;
	[tilespmem:$0x10200] =	vst v63  }
0x71: {  	_ =	swait.ge [sflag:s3], $0x10000  }
0x72: {  	[sflag:s3] =	ssyncset.done $0x0  }
0x73: {  	[sflag:s3] =	ssyncadd.s32 $0xFFFF0000  }
0x74: {  	[tilespmem:s2], [sflag:$0x2] =	stream.linear.gather [hbm4b:s15+s2], $0x200, $0x38;
	[tilespmem:$0x10200] =	vst v63  }
0x75: {  	_ =	swait.ge [sflag:s3], $0x200  }
0x76: {  	[sflag:s3] =	ssyncset.done $0x0  }
0x77: {  	[sflag:s3] =	ssyncadd.s32 $0xFFFFFE00  }
0x78: {  	[tilespmem:s6], [sflag:$0x1] =	stream.indirect.gather [hbm4b:s5+s6], $0x80, s2, s6, $0xb8;
	[tilespmem:$0x10200] =	vst v63  }
0x79: {  	_ =	swait.ge [sflag:s7], $0x10000  }
.Ltmp1:
0x7a: {  	[sflag:s7] =	ssyncset.done $0x0;
	(pc) =	sbr.rel @p0 .LBB2_1-.Ltmp1, $4  }
0x7b: {  	[sflag:s7] =	ssyncadd.s32 $0xFFFF0000  }
0x7c: {  	[hbm4b:s16+s2] =	stream.linear.scatter [tilespmem:s6], [sflag:$0x2], $0x10000, $0x38;
	[tilespmem:$0x10200] =	vst v63  }
0x7d: {  	_ =	swait.ge [sflag:s3], $0x10000  }
0x7e: {  	[sflag:s3] =	ssyncset.done $0x0  }
.LBB2_2:
0x7f: {  	[sflag:s3] =	ssyncadd.s32 $0xFFFF0000  }
0x80: {  	_ =	sfence.sel $0x180000  }
0x81: {  	[bflag:$0x0] =	sbarrier.arrive $0xFFFF  }
0x82: {  	p0 =	sne.s32 s0, $0x0;
	_ =	strace $0x9000004A  }
0x83: {  	s0 =	sadd.s32 @!p0 $0x100000, s1;
	[bflag:$0x2] =	sbarrier.arrive $0xFFFF  }
0x84: {  	[sflag:s0] =	ssyncadd.tile.s32 @!p0 $0x1;
	_ =	shalt  }
.Lfunc_end2:
_tile_overlayer_lowered:
.L_overlay_start_2:
0x85: {  	(tag) =	ssettag $0x2  }
0x86: {  	s0 =	rddreg [dreg:$0x0];
	s2 =	stileid.u32  }
0x87: {  	s1 =	rddreg [dreg:$0x1];
	p0 =	sne.s32 s2, $0x0  }
0x88: {  	s3 =	rddreg [dreg:$0x2];
	[bflag:$0x3] =	sbarrier.arrive $0xFFFF;
	s2 =	simm.s32 @!p0 $0x1C02  }
0x89: {  	[timem:s3], [sflag:s2] =	dma.local @!p0 [hbm:s0], s1  }
0x8a: {  	s0 =	simm.s32 @!p0 $0x2  }
0x8b: {  	_ =	swait.ge @!p0 [sflag:s0], s1  }
0x8c: {  	s1 =	ssub.s32 @!p0 $0x0, s1;
	[sflag:s0] =	ssyncset.done @!p0 $0x0  }
0x8d: {  	[sflag:s0] =	ssyncadd.s32 @!p0 s1  }
0x8e: {  	[bflag:$0x3] =	sbarrier.arrive $0xFFFF  }
0x8f: {  	_ =	shalt  }

// kernel: kernel.16.cloned.1.call-start
scs
__scs_entry_jumppad:
0x0: {  	(pc) =	sbr.rel $0x88, $3  }
0x1: {  	(tag) =	ssettag $0x0;
	lr =	simm.s32 $0x1  }
0x2: {  	[smem:$0x3F8F] =	sst lr;
	_ =	strace $0xD0000000  }
0x3: {  	_ = 	snop  }
0x4: {  	_ = 	snop  }
0x5: {  	_ = 	snop  }
0x6: {  	_ = 	snop  }
0x7: {  	_ = 	snop  }
__scs_overlays_trampoline_lowered:
0x8: {  	[smem:$0x3F9E] =	sst s0  }
0x9: {  	[smem:$0x3F9F] =	sst s1  }
0xa: {  	[smem:$0x3FA0] =	sst s2  }
0xb: {  	[smem:$0x3FA1] =	sst s3  }
0xc: {  	[smem:$0x3FA2] =	sst s4  }
0xd: {  	[smem:$0x3FA3] =	sst s5  }
0xe: {  	[smem:$0x3FA4] =	sst s6  }
0xf: {  	[smem:$0x3FA5] =	sst s7  }
0x10: {  	[smem:$0x3FA6] =	sst s8  }
0x11: {  	[smem:$0x3FA7] =	sst s9;
	s0 =	simm.s32 @!p0 $0x0  }
0x12: {  	s1 =	sld [smem:$0x3F8D];
	s0 =	simm.s32 @p0 $0x1  }
0x13: {  	[smem:$0x3FA8] =	sst s0;
	s0 =	simm.s32 @!p1 $0x0  }
0x14: {  	s2 =	sld [smem:$0x3F8C];
	s0 =	simm.s32 @p1 $0x1  }
0x15: {  	[smem:$0x3FA9] =	sst s0;
	s0 =	simm.s32 @!p2 $0x0  }
0x16: {  	s3 =	sld [smem:$0x3FDB];
	s0 =	simm.s32 @p2 $0x1  }
0x17: {  	s4 =	simm.s32 $0x1BF5;
	[smem:$0x3FAB] =	sst s0  }
0x18: {  	s0 =	sld [smem:$0x3F8E];
	_ =	swait.ge [sflag:s4], $0x0  }
0x19: {  	s7 =	sld [smem:$0x3F8F]  }
0x1a: {  	s8 =	sadd.s32 $0xFFFFE003, lr  }
0x1b: {  	s9 =	sadd.s32 $0xFFFFFEF7, lr;
	s5 =	simm.s32 $0xFFFFFFFF;
	p2 =	slt.u32 s8, $0xFFFFF086  }
0x1c: {  	p1 =	slt.u32 s9, $0xF7A;
	s5 =	simm.s32 @!p2 $0x0  }
0x1d: {  	s5 =	simm.s32 @p1 $0x1;
	p0 =	seq.s32 s7, s2  }
0x1e: {  	s7 =	smul.u32 @!p0 $0xF7A, s2;
	p2 =	seq.s32 @!p0 s5, $0x0  }
0x1f: {  	s9 =	smul.u32 $0xF7A, s1;
	s8 =	simm.s32 @!p0 $0x1BF5;
	p2 =	por !p2, p0  }
0x20: {  	[sflag:s8] =	ssyncset.s32 @!p0 $0xFFFFF086;
	s6 =	sadd.s32 @!p0 s3, s7;
	s7 =	simm.s32 @!p0 $0x108  }
0x21: {  	s3 =	sadd.s32 s3, s9;
	s6 =	sadd.s32 @!p0 $0x88, s6;
	s7 =	simm.s32 @p2 $0x1082  }
0x22: {  	[simem:s7], [sflag:s8] =	dma.local @!p0 [hbm:s6], $0xF7A  }
0x23: {  	s9 =	sor.u32 $0xD0000000, s2;
	s6 =	simm.s32 $0x108;
	_ =	swait.ge @!p0 [sflag:s8], $0x0  }
0x24: {  	s3 =	sadd.s32 $0x88, s3;
	s6 =	simm.s32 @!p1 $0x1082;
	[sflag:s4] =	ssyncset.s32 $0xFFFFF086  }
0x25: {  	[simem:s6], [sflag:s4] =	dma.local [hbm:s3], $0xF7A  }
0x26: {  	[smem:$0x3F8F] =	sst s1;
	(tag) =	ssettag s2;
	_ =	strace s9  }
0x27: {  	s1 =	sld [smem:$0x3F9F]  }
0x28: {  	s2 =	sld [smem:$0x3FA0]  }
0x29: {  	s4 =	sld [smem:$0x3FA2]  }
0x2a: {  	p0 =	seq.s32 s5, $0x0;
	s5 =	sld [smem:$0x3FA3]  }
0x2b: {  	s6 =	sld [smem:$0x3FA4]  }
0x2c: {  	s7 =	sld [smem:$0x3FA5]  }
0x2d: {  	s3 =	simm.s32 $0x108;
	s8 =	sld [smem:$0x3FA6]  }
0x2e: {  	s3 =	simm.s32 @!p0 $0x1082;
	s9 =	sld [smem:$0x3FA7]  }
0x2f: {  	lr =	sadd.s32 s0, s3;
	s0 =	sld [smem:$0x3F9E]  }
0x30: {  	s3 =	sld [smem:$0x3FA1]  }
0x31: {  	[smem:$0x3FAA] =	sst s10  }
0x32: {  	s10 =	sld [smem:$0x3FA8];
	_ =	sdelay $0x3  }
0x33: {  	p0 =	seq.s32 s10, $0x1;
	s10 =	sld [smem:$0x3FAA];
	_ =	sdelay $0x3  }
0x34: {  	[smem:$0x3FAA] =	sst s10  }
0x35: {  	s10 =	sld [smem:$0x3FA9];
	_ =	sdelay $0x3  }
0x36: {  	p1 =	seq.s32 s10, $0x1;
	s10 =	sld [smem:$0x3FAA];
	_ =	sdelay $0x3  }
0x37: {  	[smem:$0x3FAA] =	sst s10  }
0x38: {  	s10 =	sld [smem:$0x3FAB]  }
0x39: {  	_ = 	snop;
	(pc) =	sbr.ind lr, $3  }
0x3a: {  	_ = 	snop  }
0x3b: {  	_ = 	snop  }
0x3c: {  	p2 =	seq.s32 s10, $0x1;
	s10 =	sld [smem:$0x3FAA]  }
0x3d: {  	_ =	shalt  }
0x3e: {  	_ =	shalt  }
0x3f: {  	_ =	shalt  }
0x40: {  	_ =	shalt  }
0x41: {  	_ =	shalt  }
0x42: {  	_ =	shalt  }
0x43: {  	_ =	shalt  }
0x44: {  	_ =	shalt  }
0x45: {  	_ =	shalt  }
0x46: {  	_ =	shalt  }
0x47: {  	_ =	shalt  }
0x48: {  	_ =	shalt  }
0x49: {  	_ =	shalt  }
0x4a: {  	_ =	shalt  }
0x4b: {  	_ =	shalt  }
0x4c: {  	_ =	shalt  }
0x4d: {  	_ =	shalt  }
0x4e: {  	_ =	shalt  }
0x4f: {  	_ =	shalt  }
0x50: {  	_ =	shalt  }
0x51: {  	_ =	shalt  }
0x52: {  	_ =	shalt  }
0x53: {  	_ =	shalt  }
0x54: {  	_ =	shalt  }
0x55: {  	_ =	shalt  }
0x56: {  	_ =	shalt  }
0x57: {  	_ =	shalt  }
0x58: {  	_ =	shalt  }
0x59: {  	_ =	shalt  }
0x5a: {  	_ =	shalt  }
0x5b: {  	_ =	shalt  }
0x5c: {  	_ =	shalt  }
0x5d: {  	_ =	shalt  }
0x5e: {  	_ =	shalt  }
0x5f: {  	_ =	shalt  }
0x60: {  	_ =	shalt  }
0x61: {  	_ =	shalt  }
0x62: {  	_ =	shalt  }
0x63: {  	_ =	shalt  }
0x64: {  	_ =	shalt  }
0x65: {  	_ =	shalt  }
0x66: {  	_ =	shalt  }
0x67: {  	_ =	shalt  }
0x68: {  	_ =	shalt  }
0x69: {  	_ =	shalt  }
0x6a: {  	_ =	shalt  }
0x6b: {  	_ =	shalt  }
0x6c: {  	_ =	shalt  }
0x6d: {  	_ =	shalt  }
0x6e: {  	_ =	shalt  }
0x6f: {  	_ =	shalt  }
0x70: {  	_ =	shalt  }
0x71: {  	_ =	shalt  }
0x72: {  	_ =	shalt  }
0x73: {  	_ =	shalt  }
0x74: {  	_ =	shalt  }
0x75: {  	_ =	shalt  }
0x76: {  	_ =	shalt  }
0x77: {  	_ =	shalt  }
0x78: {  	_ =	shalt  }
0x79: {  	_ =	shalt  }
0x7a: {  	_ =	shalt  }
0x7b: {  	_ =	shalt  }
0x7c: {  	_ =	shalt  }
0x7d: {  	_ =	shalt  }
0x7e: {  	_ =	shalt  }
0x7f: {  	_ =	shalt  }
0x80: {  	_ =	shalt  }
0x81: {  	_ =	shalt  }
0x82: {  	_ =	shalt  }
0x83: {  	_ =	shalt  }
0x84: {  	_ =	shalt  }
0x85: {  	_ =	shalt  }
0x86: {  	_ =	shalt  }
0x87: {  	_ =	shalt  }
.Lfunc_end0:
.L_simem_size_0:
called_computation.2_lowered:
.L_overlay_start_0:
0x88: {  	s2 =	sld [smem:$0x3FD9]  }
0x89: {  	s3 =	sld [smem:$0x3FFE];
	_ =	sdelay $0x1  }
0x8a: {  	s1 =	srdreg.scid  }
0x8b: {  	s0 =	sand.u32 $0x1, s1  }
0x8c: {  	s16 =	sshll.u32 s0, $0xA;
	s2 =	sadd.s32 s3, s2  }
0x8d: {  	s2 =	sadd.s32 s2, s16  }
0x8e: {  	[smem:$0x3FB6] =	sst s2  }
0x8f: {  	_ = 	snop  }
0x90: {  	(tm) =	ssettm $0x1  }
0x91: {  	s17 =	sld [smem:$0x3FFB];
	_ =	sdelay $0x3  }
0x92: {  	_ =	strace s17  }
0x93: {  	s2 =	sld [smem:$0x3FFC];
	_ =	sdelay $0x3  }
0x94: {  	_ =	strace s2  }
0x95: {  	s2 =	sld [smem:$0x3FFD];
	_ =	sdelay $0x3  }
0x96: {  	_ =	strace s2  }
0x97: {  	_ =	strace $0x8FFFFFFF  }
0x98: {  	s18 =	sld [smem:$0x3FDB];
	_ =	sdelay $0x1  }
0x99: {  	s19 =	simm.s32 $_scs_section_size  }
0x9a: {  	s4 =	simm.s32 $_size__tile_overlayer_lowered;
	s5 =	simm.s32 $_tile_overlayer_lowered  }
0x9b: {  	s22 =	simm.s32 $0x1BFF;
	s21 =	sshll.u32 s5, $0x1;
	s2 =	sadd.s32 s19, s18  }
0x9c: {  	s6 =	simm.s32 $0x0;
	s20 =	sshll.u32 s4, $0x1;
	s4 =	sadd.s32 s21, s2  }
0x9d: {  	[timem:s6], [sflag:s22] =	dma.local [hbm:s4], s20  }
0x9e: {  	_ =	swait.ge [sflag:s22], s20  }
0x9f: {  	s3 =	ssub.s32 $0x0, s20;
	[sflag:s22] =	ssyncset.done $0x0  }
0xa0: {  	[sflag:s22] =	ssyncadd.s32 s3;
	_ =	sdelay $0x1  }
0xa1: {  	s23 =	simm.s32 $0x1B8B  }
0xa2: {  	_ =	swait.ge [sflag:s23], $0x1  }
0xa3: {  	[sflag:s23] =	ssyncset.done $0x0  }
0xa4: {  	s25 =	simm.s32 $0x1B8E;
	s24 =	sld [smem:$0x3FFE];
	[sflag:s23] =	ssyncadd.s32 $0xFFFFFFFF  }
0xa5: {  	s26 =	simm.s32 $execute0_lowered;
	[smem:$0x3FD2] =	sst s25  }
0xa6: {  	s4 =	sshll.u32 s26, $0x1;
	_ =	strace $0x8000004C;
	[dreg:$0x1] =	wrdreg $0xFFFFFFFF  }
0xa7: {  	s28 =	simm.s32 $_size_execute0_lowered;
	s2 =	sadd.s32 s2, s4;
	[dreg:$0x0] =	wrdreg $0x0  }
0xa8: {  	s4 =	sshll.u32 s28, $0x1;
	[dreg:$0x2] =	wrdreg s2  }
0xa9: {  	[dreg:$0x3] =	wrdreg s4  }
0xaa: {  	[dreg:$0x4] =	wrdreg $0xC0  }
0xab: {  	_ =	task [dreg:s6], $0x5FFFF  }
0xac: {  	[dreg:$0x1] =	wrdreg $0xFFFFFFFF  }
0xad: {  	[dreg:$0x0] =	wrdreg $0x60  }
0xae: {  	[dreg:$0x2] =	wrdreg s24  }
0xaf: {  	[dreg:$0x3] =	wrdreg $0x9  }
0xb0: {  	_ =	task.clear_ibuf [dreg:s6], $0x4FFFF;
	_ =	strace $0x9000004C  }
0xb1: {  	s29 =	simm.s32 $0x9;
	_ =	strace $0x8000004E  }
0xb2: {  	_ =	swait.ge [sflag:s29], $0x1  }
0xb3: {  	[sflag:s29] =	ssyncadd.s32 $0xFFFFFFFF  }
0xb4: {  	_ =	strace $0x9000004E  }
0xb5: {  	_ =	sfence  }
0xb6: {  	s30 =	sld [smem:$0x0];
	_ =	sdelay $0x2  }
0xb7: {  	s31 =	sshll.u32 s1, $0xD;
	s1 =	sshrl.u32 s1, $0x2  }
0xb8: {  	s3 =	sand.u32 $0x4000, s31;
	s1 =	sadd.s32 s1, s30  }
0xb9: {  	s0 =	sor.u32 s3, s0;
	s1 =	sshll.u32 s1, $0x11  }
0xba: {  	s0 =	sor.u32 s1, s0  }
0xbb: {  	s0 =	sadd.s32 $0x8F2B, s0  }
0xbc: {  	[sflag:s0] =	ssyncadd.remote.s32 $0x1  }
0xbd: {  	_ =	sfence.sel $0xFFFF  }
0xbe: {  	[dreg:$0x0] =	wrdreg $0xFFFFFFFF;
	(pc) =	sbr.abs _section_cstart, $3  }
0xbf: {  	[dreg:$0x1] =	wrdreg $0xFFFFFFFF  }
0xc0: {  	_ =	task.clear_ibuf [dreg:s6], $0x2FFFF;
	_ =	strace $0x9FFFFFFF  }
0xc1: {  	(tm) =	ssettm $0x7FFFFFFF  }
tec
execute0_lowered:
.L_overlay_start_1:
0x0: {  	(tag) =	ssettag $0x1  }
0x1: {  	s1 =	srdreg.scid;
	s0 =	stileid.u32  }
0x2: {  	s16 =	sand.u32 $0x1, s1;
	s26 =	sshll.u32 s0, $0x1  }
0x3: {  	s8 =	sor.u32 s16, s26  }
0x4: {  	s9 =	rddreg [dreg:$0x0];
	s17 =	smul.u32 $0xA00, s8  }
0x5: {  	s2 =	simm.s32 $0x0;
	s1 =	rddreg [dreg:$0x1]  }
0x6: {  	[smem:$0x7FF] =	sst s2;
	s15 =	sadd.s32 $0x85800, s9;
	s3 =	sshrl.u32 s17, $0x3  }
0x7: {  	_ =	strace $0x8000004D;
	s4 =	sadd.s32 s15, s3;
	s3 =	simm.s32 $0x2  }
0x8: {  	[tilespmem:s2], [sflag:$0x2] =	stream.linear.gather [hbm4b:s4+s2], $0x200, $0x38;
	[tilespmem:$0x10200] =	vst v63  }
0x9: {  	_ =	swait.ge [sflag:s3], $0x200  }
0xa: {  	s6 =	simm.s32 $0x200;
	[sflag:s3] =	ssyncset.done $0x0  }
0xb: {  	s7 =	simm.s32 $0x1;
	s5 =	sadd.s32 $0x45800, s9;
	[sflag:s3] =	ssyncadd.s32 $0xFFFFFE00  }
0xc: {  	[tilespmem:s6], [sflag:$0x1] =	stream.indirect.gather [hbm4b:s5+s6], $0x80, s2, s6, $0xb8;
	[tilespmem:$0x10200] =	vst v63  }
0xd: {  	s8 =	smul.u32 $0xA000, s8;
	_ =	swait.ge [sflag:s7], $0x10000  }
0xe: {  	s18 =	sadd.s32 $0x148000, s9;
	[sflag:s7] =	ssyncset.done $0x0  }
0xf: {  	s8 =	sadd.s32 s18, s8;
	[sflag:s7] =	ssyncadd.s32 $0xFFFF0000  }
0x10: {  	[hbm4b:s8+s2] =	stream.linear.scatter [tilespmem:s6], [sflag:$0x2], $0x10000, $0x38;
	[tilespmem:$0x10200] =	vst v63  }
0x11: {  	s10 =	sadd.s32 $0x200, s17;
	_ =	swait.ge [sflag:s3], $0x10000  }
0x12: {  	s28 =	sshrl.u32 s10, $0x3;
	[sflag:s3] =	ssyncset.done $0x0  }
0x13: {  	s9 =	sadd.s32 s15, s28;
	[sflag:s3] =	ssyncadd.s32 $0xFFFF0000  }
0x14: {  	[tilespmem:s2], [sflag:$0x2] =	stream.linear.gather [hbm4b:s9+s2], $0x200, $0x38;
	[tilespmem:$0x10200] =	vst v63  }
0x15: {  	_ =	swait.ge [sflag:s3], $0x200  }
0x16: {  	[sflag:s3] =	ssyncset.done $0x0  }
0x17: {  	[sflag:s3] =	ssyncadd.s32 $0xFFFFFE00  }
0x18: {  	[tilespmem:s6], [sflag:$0x1] =	stream.indirect.gather [hbm4b:s5+s6], $0x80, s2, s6, $0xb8;
	[tilespmem:$0x10200] =	vst v63  }
0x19: {  	_ =	swait.ge [sflag:s7], $0x10000  }
0x1a: {  	s10 =	sshll.u32 s10, $0x4;
	[sflag:s7] =	ssyncset.done $0x0  }
0x1b: {  	s10 =	sadd.s32 s18, s10;
	[sflag:s7] =	ssyncadd.s32 $0xFFFF0000  }
0x1c: {  	[hbm4b:s10+s2] =	stream.linear.scatter [tilespmem:s6], [sflag:$0x2], $0x10000, $0x38;
	[tilespmem:$0x10200] =	vst v63  }
0x1d: {  	s12 =	sadd.s32 $0x400, s17;
	_ =	swait.ge [sflag:s3], $0x10000  }
0x1e: {  	s11 =	sshrl.u32 s12, $0x3;
	[sflag:s3] =	ssyncset.done $0x0  }
0x1f: {  	s11 =	sadd.s32 s15, s11;
	[sflag:s3] =	ssyncadd.s32 $0xFFFF0000  }
0x20: {  	[tilespmem:s2], [sflag:$0x2] =	stream.linear.gather [hbm4b:s11+s2], $0x200, $0x38;
	[tilespmem:$0x10200] =	vst v63  }
0x21: {  	_ =	swait.ge [sflag:s3], $0x200  }
0x22: {  	[sflag:s3] =	ssyncset.done $0x0  }
0x23: {  	[sflag:s3] =	ssyncadd.s32 $0xFFFFFE00  }
0x24: {  	[tilespmem:s6], [sflag:$0x1] =	stream.indirect.gather [hbm4b:s5+s6], $0x80, s2, s6, $0xb8;
	[tilespmem:$0x10200] =	vst v63  }
0x25: {  	_ =	swait.ge [sflag:s7], $0x10000  }
0x26: {  	s12 =	sshll.u32 s12, $0x4;
	[sflag:s7] =	ssyncset.done $0x0  }
0x27: {  	s12 =	sadd.s32 s18, s12;
	[sflag:s7] =	ssyncadd.s32 $0xFFFF0000  }
0x28: {  	[hbm4b:s12+s2] =	stream.linear.scatter [tilespmem:s6], [sflag:$0x2], $0x10000, $0x38;
	[tilespmem:$0x10200] =	vst v63  }
0x29: {  	s14 =	sadd.s32 $0x600, s17;
	_ =	swait.ge [sflag:s3], $0x10000  }
0x2a: {  	s13 =	sshrl.u32 s14, $0x3;
	[sflag:s3] =	ssyncset.done $0x0  }
0x2b: {  	s13 =	sadd.s32 s15, s13;
	[sflag:s3] =	ssyncadd.s32 $0xFFFF0000  }
0x2c: {  	[tilespmem:s2], [sflag:$0x2] =	stream.linear.gather [hbm4b:s13+s2], $0x200, $0x38;
	[tilespmem:$0x10200] =	vst v63  }
0x2d: {  	_ =	swait.ge [sflag:s3], $0x200  }
0x2e: {  	[sflag:s3] =	ssyncset.done $0x0  }
0x2f: {  	[sflag:s3] =	ssyncadd.s32 $0xFFFFFE00  }
0x30: {  	[tilespmem:s6], [sflag:$0x1] =	stream.indirect.gather [hbm4b:s5+s6], $0x80, s2, s6, $0xb8;
	[tilespmem:$0x10200] =	vst v63  }
0x31: {  	_ =	swait.ge [sflag:s7], $0x10000  }
0x32: {  	s14 =	sshll.u32 s14, $0x4;
	[sflag:s7] =	ssyncset.done $0x0  }
0x33: {  	s14 =	sadd.s32 s18, s14;
	[sflag:s7] =	ssyncadd.s32 $0xFFFF0000  }
0x34: {  	[hbm4b:s14+s2] =	stream.linear.scatter [tilespmem:s6], [sflag:$0x2], $0x10000, $0x38;
	[tilespmem:$0x10200] =	vst v63  }
0x35: {  	s17 =	sadd.s32 $0x800, s17;
	_ =	swait.ge [sflag:s3], $0x10000  }
0x36: {  	s19 =	sshrl.u32 s17, $0x3;
	[sflag:s3] =	ssyncset.done $0x0  }
0x37: {  	s16 =	ssub.s32 $0x2, s16;
	s15 =	sadd.s32 s15, s19;
	[sflag:s3] =	ssyncadd.s32 $0xFFFF0000  }
0x38: {  	[tilespmem:s2], [sflag:$0x2] =	stream.linear.gather [hbm4b:s15+s2], $0x200, $0x38;
	[tilespmem:$0x10200] =	vst v63  }
0x39: {  	s29 =	sshrl.u32 s16, $0x1;
	_ =	swait.ge [sflag:s3], $0x200  }
0x3a: {  	s19 =	ssub.s32 s16, s29;
	[sflag:s3] =	ssyncset.done $0x0  }
0x3b: {  	s31 =	smax.u32 s19, $0x1;
	[sflag:s3] =	ssyncadd.s32 $0xFFFFFE00  }
0x3c: {  	[tilespmem:s6], [sflag:$0x1] =	stream.indirect.gather [hbm4b:s5+s6], $0x80, s2, s6, $0xb8;
	[tilespmem:$0x10200] =	vst v63  }
0x3d: {  	p0 =	sne.s32 s31, $0x1;
	_ =	swait.ge [sflag:s7], $0x10000  }
.Ltmp0:
0x3e: {  	s30 =	sshll.u32 s17, $0x4;
	[sflag:s7] =	ssyncset.done $0x0;
	(pc) =	sbr.rel @!p0 .LBB2_2-.Ltmp0, $4  }
0x3f: {  	s16 =	sadd.s32 s18, s30;
	[sflag:s7] =	ssyncadd.s32 $0xFFFF0000  }
0x40: {  	[hbm4b:s16+s2] =	stream.linear.scatter [tilespmem:s6], [sflag:$0x2], $0x10000, $0x38;
	[tilespmem:$0x10200] =	vst v63  }
0x41: {  	_ =	swait.ge [sflag:s3], $0x10000  }
0x42: {  	s17 =	sadd.s32 $0xFFFFFFFF, s31;
	[sflag:s3] =	ssyncset.done $0x0  }
.LBB2_1:
0x43: {  	p0 =	sne.s32 s17, $0x1;
	s17 =	sadd.s32 $0xFFFFFFFF, s17;
	[sflag:s3] =	ssyncadd.s32 $0xFFFF0000  }
0x44: {  	[tilespmem:s2], [sflag:$0x2] =	stream.linear.gather [hbm4b:s4+s2], $0x200, $0x38;
	[tilespmem:$0x10200] =	vst v63  }
0x45: {  	_ =	swait.ge [sflag:s3], $0x200  }
0x46: {  	[sflag:s3] =	ssyncset.done $0x0  }
0x47: {  	[sflag:s3] =	ssyncadd.s32 $0xFFFFFE00  }
0x48: {  	[tilespmem:s6], [sflag:$0x1] =	stream.indirect.gather [hbm4b:s5+s6], $0x80, s2, s6, $0xb8;
	[tilespmem:$0x10200] =	vst v63  }
0x49: {  	_ =	swait.ge [sflag:s7], $0x10000  }
0x4a: {  	[sflag:s7] =	ssyncset.done $0x0  }
0x4b: {  	[sflag:s7] =	ssyncadd.s32 $0xFFFF0000  }
0x4c: {  	[hbm4b:s8+s2] =	stream.linear.scatter [tilespmem:s6], [sflag:$0x2], $0x10000, $0x38;
	[tilespmem:$0x10200] =	vst v63  }
0x4d: {  	_ =	swait.ge [sflag:s3], $0x10000  }
0x4e: {  	[sflag:s3] =	ssyncset.done $0x0  }
0x4f: {  	[sflag:s3] =	ssyncadd.s32 $0xFFFF0000  }
0x50: {  	[tilespmem:s2], [sflag:$0x2] =	stream.linear.gather [hbm4b:s9+s2], $0x200, $0x38;
	[tilespmem:$0x10200] =	vst v63  }
0x51: {  	_ =	swait.ge [sflag:s3], $0x200  }
0x52: {  	[sflag:s3] =	ssyncset.done $0x0  }
0x53: {  	[sflag:s3] =	ssyncadd.s32 $0xFFFFFE00  }
0x54: {  	[tilespmem:s6], [sflag:$0x1] =	stream.indirect.gather [hbm4b:s5+s6], $0x80, s2, s6, $0xb8;
	[tilespmem:$0x10200] =	vst v63  }
0x55: {  	_ =	swait.ge [sflag:s7], $0x10000  }
0x56: {  	[sflag:s7] =	ssyncset.done $0x0  }
0x57: {  	[sflag:s7] =	ssyncadd.s32 $0xFFFF0000  }
0x58: {  	[hbm4b:s10+s2] =	stream.linear.scatter [tilespmem:s6], [sflag:$0x2], $0x10000, $0x38;
	[tilespmem:$0x10200] =	vst v63  }
0x59: {  	_ =	swait.ge [sflag:s3], $0x10000  }
0x5a: {  	[sflag:s3] =	ssyncset.done $0x0  }
0x5b: {  	[sflag:s3] =	ssyncadd.s32 $0xFFFF0000  }
0x5c: {  	[tilespmem:s2], [sflag:$0x2] =	stream.linear.gather [hbm4b:s11+s2], $0x200, $0x38;
	[tilespmem:$0x10200] =	vst v63  }
0x5d: {  	_ =	swait.ge [sflag:s3], $0x200  }
0x5e: {  	[sflag:s3] =	ssyncset.done $0x0  }
0x5f: {  	[sflag:s3] =	ssyncadd.s32 $0xFFFFFE00  }
0x60: {  	[tilespmem:s6], [sflag:$0x1] =	stream.indirect.gather [hbm4b:s5+s6], $0x80, s2, s6, $0xb8;
	[tilespmem:$0x10200] =	vst v63  }
0x61: {  	_ =	swait.ge [sflag:s7], $0x10000  }
0x62: {  	[sflag:s7] =	ssyncset.done $0x0  }
0x63: {  	[sflag:s7] =	ssyncadd.s32 $0xFFFF0000  }
0x64: {  	[hbm4b:s12+s2] =	stream.linear.scatter [tilespmem:s6], [sflag:$0x2], $0x10000, $0x38;
	[tilespmem:$0x10200] =	vst v63  }
0x65: {  	_ =	swait.ge [sflag:s3], $0x10000  }
0x66: {  	[sflag:s3] =	ssyncset.done $0x0  }
0x67: {  	[sflag:s3] =	ssyncadd.s32 $0xFFFF0000  }
0x68: {  	[tilespmem:s2], [sflag:$0x2] =	stream.linear.gather [hbm4b:s13+s2], $0x200, $0x38;
	[tilespmem:$0x10200] =	vst v63  }
0x69: {  	_ =	swait.ge [sflag:s3], $0x200  }
0x6a: {  	[sflag:s3] =	ssyncset.done $0x0  }
0x6b: {  	[sflag:s3] =	ssyncadd.s32 $0xFFFFFE00  }
0x6c: {  	[tilespmem:s6], [sflag:$0x1] =	stream.indirect.gather [hbm4b:s5+s6], $0x80, s2, s6, $0xb8;
	[tilespmem:$0x10200] =	vst v63  }
0x6d: {  	_ =	swait.ge [sflag:s7], $0x10000  }
0x6e: {  	[sflag:s7] =	ssyncset.done $0x0  }
0x6f: {  	[sflag:s7] =	ssyncadd.s32 $0xFFFF0000  }
0x70: {  	[hbm4b:s14+s2] =	stream.linear.scatter [tilespmem:s6], [sflag:$0x2], $0x10000, $0x38;
	[tilespmem:$0x10200] =	vst v63  }
0x71: {  	_ =	swait.ge [sflag:s3], $0x10000  }
0x72: {  	[sflag:s3] =	ssyncset.done $0x0  }
0x73: {  	[sflag:s3] =	ssyncadd.s32 $0xFFFF0000  }
0x74: {  	[tilespmem:s2], [sflag:$0x2] =	stream.linear.gather [hbm4b:s15+s2], $0x200, $0x38;
	[tilespmem:$0x10200] =	vst v63  }
0x75: {  	_ =	swait.ge [sflag:s3], $0x200  }
0x76: {  	[sflag:s3] =	ssyncset.done $0x0  }
0x77: {  	[sflag:s3] =	ssyncadd.s32 $0xFFFFFE00  }
0x78: {  	[tilespmem:s6], [sflag:$0x1] =	stream.indirect.gather [hbm4b:s5+s6], $0x80, s2, s6, $0xb8;
	[tilespmem:$0x10200] =	vst v63  }
0x79: {  	_ =	swait.ge [sflag:s7], $0x10000  }
.Ltmp1:
0x7a: {  	[sflag:s7] =	ssyncset.done $0x0;
	(pc) =	sbr.rel @p0 .LBB2_1-.Ltmp1, $4  }
0x7b: {  	[sflag:s7] =	ssyncadd.s32 $0xFFFF0000  }
0x7c: {  	[hbm4b:s16+s2] =	stream.linear.scatter [tilespmem:s6], [sflag:$0x2], $0x10000, $0x38;
	[tilespmem:$0x10200] =	vst v63  }
0x7d: {  	_ =	swait.ge [sflag:s3], $0x10000  }
0x7e: {  	[sflag:s3] =	ssyncset.done $0x0  }
.LBB2_2:
0x7f: {  	[sflag:s3] =	ssyncadd.s32 $0xFFFF0000  }
0x80: {  	_ =	sfence.sel $0x180000  }
0x81: {  	[bflag:$0x0] =	sbarrier.arrive $0xFFFF  }
0x82: {  	p0 =	sne.s32 s0, $0x0;
	_ =	strace $0x9000004D  }
0x83: {  	s0 =	sadd.s32 @!p0 $0x100000, s1;
	[bflag:$0x2] =	sbarrier.arrive $0xFFFF  }
0x84: {  	[sflag:s0] =	ssyncadd.tile.s32 @!p0 $0x1;
	_ =	shalt  }
.Lfunc_end2:
_tile_overlayer_lowered:
.L_overlay_start_2:
0x85: {  	(tag) =	ssettag $0x2  }
0x86: {  	s0 =	rddreg [dreg:$0x0];
	s2 =	stileid.u32  }
0x87: {  	s1 =	rddreg [dreg:$0x1];
	p0 =	sne.s32 s2, $0x0  }
0x88: {  	s3 =	rddreg [dreg:$0x2];
	[bflag:$0x3] =	sbarrier.arrive $0xFFFF;
	s2 =	simm.s32 @!p0 $0x1C02  }
0x89: {  	[timem:s3], [sflag:s2] =	dma.local @!p0 [hbm:s0], s1  }
0x8a: {  	s0 =	simm.s32 @!p0 $0x2  }
0x8b: {  	_ =	swait.ge @!p0 [sflag:s0], s1  }
0x8c: {  	s1 =	ssub.s32 @!p0 $0x0, s1;
	[sflag:s0] =	ssyncset.done @!p0 $0x0  }
0x8d: {  	[sflag:s0] =	ssyncadd.s32 @!p0 s1  }
0x8e: {  	[bflag:$0x3] =	sbarrier.arrive $0xFFFF  }
0x8f: {  	_ =	shalt  }

</sc_bundles>
